<compile_context>
chip_gen: v7x
topology: tpu7x:2x2x1
jax: 0.10.2.dev20260603
libtpu: 0.0.44.dev20260713+nightly
codegen_flags: <defaults>
</compile_context>

<pallas_src>
import jax
import jax.numpy as jnp
from jax import lax
from jax.experimental import pallas as pl
from jax.experimental.pallas import tpu as pltpu
from jax.experimental.pallas import tpu_sc as plsc

N_NODES = 10000
D = 128
E = 320000
NC = 2
NS = 16
NW = NC * NS
EPW = E // NW
CHUNK = 64
NBUF = 4
NPHASE = 2
PROWS = 40
PCHUNKS = 2 * PROWS
NCHUNKS = NPHASE * PCHUNKS
PAD = NCHUNKS * CHUNK - EPW
NG = PCHUNKS // NBUF
N_ACC = N_NODES + 8
RPW = 624
ZROWS = 8


def _sc_aggregate(x, src, dst):
    mesh = plsc.VectorSubcoreMesh(core_axis_name="c", subcore_axis_name="s")

    def body(x_hbm, src_hbm, dst_hbm, out_hbm,
             gb0, gb1, gb2, gb3, src_v, dst_v, zbuf, accum,
             zsem, isem, gsem, ssem):
        gbufs = (gb0, gb1, gb2, gb3)
        cid = lax.axis_index("c")
        sid = lax.axis_index("s")
        wid = sid * NC + cid

        i0 = pltpu.async_copy(src_hbm.at[wid, 0], src_v, isem)
        i1 = pltpu.async_copy(dst_hbm.at[wid, 0], dst_v, isem)

        @pl.loop(0, ZROWS)
        def _(r):
            @pl.loop(0, D // 16)
            def _(c):
                zbuf[r, pl.ds(c * 16, 16)] = jnp.zeros((16,), jnp.float32)

        row0 = sid * RPW
        descs = [pltpu.async_copy(zbuf, accum.at[pl.ds(row0 + i * ZROWS, ZROWS)],
                                  zsem)
                 for i in range(RPW // ZROWS)]

        @pl.when(sid == NS - 1)
        def _():
            d1 = pltpu.async_copy(zbuf, accum.at[pl.ds(row0 + RPW, ZROWS)], zsem)
            d2 = pltpu.async_copy(zbuf, accum.at[pl.ds(row0 + RPW + ZROWS,
                                                       ZROWS)], zsem)
            d1.wait()
            d2.wait()

        for d in descs:
            d.wait()
        i0.wait()
        i1.wait()
        plsc.subcore_barrier()

        def src_idx(g, b):
            return src_v.at[g * (NBUF // 2) + (b >> 1),
                            pl.ds((b & 1) * CHUNK, CHUNK)]

        def dst_idx(g, b):
            return dst_v.at[g * (NBUF // 2) + (b >> 1),
                            pl.ds((b & 1) * CHUNK, CHUNK)]

        for phase in range(NPHASE):
            for b in range(NBUF):
                pltpu.async_copy(x_hbm.at[src_idx(0, b)], gbufs[b], gsem.at[b])

            @pl.loop(0, NG)
            def _(g):
                for b in range(NBUF):
                    pltpu.make_async_copy(x_hbm.at[src_idx(0, b)], gbufs[b],
                                          gsem.at[b]).wait()
                    pltpu.async_copy(gbufs[b], accum.at[dst_idx(g, b)],
                                     ssem.at[b], add=True)

                    @pl.when(g < NG - 1)
                    def _():
                        pltpu.make_async_copy(gbufs[b], accum.at[dst_idx(0, b)],
                                              ssem.at[b]).wait()
                        pltpu.async_copy(x_hbm.at[src_idx(g + 1, b)],
                                         gbufs[b], gsem.at[b])

            for b in range(NBUF):
                pltpu.make_async_copy(gbufs[b], accum.at[dst_idx(0, b)],
                                      ssem.at[b]).wait()
            if phase < NPHASE - 1:
                j0 = pltpu.async_copy(src_hbm.at[wid, phase + 1], src_v, isem)
                j1 = pltpu.async_copy(dst_hbm.at[wid, phase + 1], dst_v, isem)
                j0.wait()
                j1.wait()

        plsc.subcore_barrier()

        @pl.when(sid < NS - 1)
        def _():
            pltpu.sync_copy(accum.at[pl.ds(row0, RPW)],
                            out_hbm.at[cid, pl.ds(row0, RPW)])

        @pl.when(sid == NS - 1)
        def _():
            pltpu.sync_copy(accum.at[pl.ds(row0, RPW + 2 * ZROWS)],
                            out_hbm.at[cid, pl.ds(row0, RPW + 2 * ZROWS)])

    f = pl.kernel(
        body,
        out_type=jax.ShapeDtypeStruct((NC, N_NODES, D), jnp.float32),
        mesh=mesh,
        scratch_types=[
            pltpu.VMEM((CHUNK, D), jnp.float32),
            pltpu.VMEM((CHUNK, D), jnp.float32),
            pltpu.VMEM((CHUNK, D), jnp.float32),
            pltpu.VMEM((CHUNK, D), jnp.float32),
            pltpu.VMEM((PROWS, 128), jnp.int32),
            pltpu.VMEM((PROWS, 128), jnp.int32),
            pltpu.VMEM((ZROWS, D), jnp.float32),
            pltpu.VMEM_SHARED((N_ACC, D), jnp.float32),
            pltpu.SemaphoreType.DMA,
            pltpu.SemaphoreType.DMA,
            pltpu.SemaphoreType.DMA((NBUF,)),
            pltpu.SemaphoreType.DMA((NBUF,)),
        ],
    )
    return f(x, src, dst)


def _tc_mlp(x, p0, p1, W1, b1, W2, b2):
    BR = 2000
    dn = (((1,), (0,)), ((), ()))

    def body(x_ref, p0_ref, p1_ref, w1_ref, b1_ref, w2_ref, b2_ref, o_ref):
        h = x_ref[...] + p0_ref[...] + p1_ref[...]
        h1 = lax.dot_general(h, w1_ref[...], dn,
                             precision=lax.Precision.HIGHEST,
                             preferred_element_type=jnp.float32) + b1_ref[...]
        h1 = jnp.maximum(h1, 0.0)
        o_ref[...] = lax.dot_general(h1, w2_ref[...], dn,
                                     precision=lax.Precision.HIGHEST,
                                     preferred_element_type=jnp.float32) + b2_ref[...]

    return pl.pallas_call(
        body,
        grid=(N_NODES // BR,),
        in_specs=[
            pl.BlockSpec((BR, D), lambda i: (i, 0)),
            pl.BlockSpec((BR, D), lambda i: (i, 0)),
            pl.BlockSpec((BR, D), lambda i: (i, 0)),
            pl.BlockSpec((D, D), lambda i: (0, 0)),
            pl.BlockSpec((1, D), lambda i: (0, 0)),
            pl.BlockSpec((D, D), lambda i: (0, 0)),
            pl.BlockSpec((1, D), lambda i: (0, 0)),
        ],
        out_specs=pl.BlockSpec((BR, D), lambda i: (i, 0)),
        out_shape=jax.ShapeDtypeStruct((N_NODES, D), jnp.float32),
    )(x, p0, p1, W1, b1.reshape(1, D), W2, b2.reshape(1, D))


def kernel(x, edge_index, W1, b1, W2, b2):
    src_pad = jnp.zeros((NW, PAD), jnp.int32)
    dst_pad = jnp.full((NW, PAD), N_NODES, jnp.int32)
    src = jnp.concatenate([edge_index[0].reshape(NW, EPW), src_pad],
                          axis=1).reshape(NW, NPHASE, PROWS, 128)
    dst = jnp.concatenate([edge_index[1].reshape(NW, EPW), dst_pad],
                          axis=1).reshape(NW, NPHASE, PROWS, 128)
    p = _sc_aggregate(x, src, dst)
    return _tc_mlp(x, p[0], p[1], W1, b1, W2, b2)

# --- scband reference (transcript-rebuilt; emitter-appended) ---
"""Pipeline reference for scband-ginlayer-65240553226749 (READ-ONLY COPY).

The authoritative reference and input builder live on the scoring server;
editing this copy changes nothing except your own understanding.
"""

import jax, jax.numpy as jnp
import numpy as np

N_NODES = 10000
N_EDGES = 320000
D_FEAT = 128
D_OUT = 128
EPS = 0.0


def setup_inputs(seed: int = 0) -> dict:
    key = jax.random.key(seed)
    k1, k2, k3, k4 = jax.random.split(key, 4)
    x = jax.random.normal(k1, (N_NODES, D_FEAT), dtype=jnp.float32)
    edge_index = jax.random.randint(k2, (2, N_EDGES), 0, N_NODES, dtype=jnp.int32)
    # MLP params: Linear(in_feats, out_feats) -> ReLU -> Linear(out_feats, out_feats)
    W1 = jax.random.normal(k3, (D_FEAT, D_OUT), dtype=jnp.float32) * 0.05
    b1 = jnp.zeros((D_OUT,), dtype=jnp.float32)
    W2 = jax.random.normal(k4, (D_OUT, D_OUT), dtype=jnp.float32) * 0.05
    b2 = jnp.zeros((D_OUT,), dtype=jnp.float32)
    return {"x": x, "edge_index": edge_index, "W1": W1, "b1": b1, "W2": W2, "b2": b2}


def reference(x, edge_index, W1, b1, W2, b2):
    # DGL update_all(copy_src('h','m'), sum('m','neigh')):
    # each edge copies the source node feature and sums into the destination node.
    src = edge_index[0]
    dst = edge_index[1]
    msgs = jnp.take(x, src, axis=0)                      # gather  [E, D]
    neigh = jax.ops.segment_sum(msgs, dst, num_segments=N_NODES)  # scatter-add [N, D]
    h = (1.0 + EPS) * x + neigh
    h = jnp.maximum(jnp.dot(h, W1) + b1, 0.0)
    out = jnp.dot(h, W2) + b2
    return out

if __name__ == "__main__":
    import jax
    _d = setup_inputs()
    print(jax.jit(kernel)(*tuple(_d.values())))

</pallas_src>

<mosaic_0001>
#map = affine_map<(d0, d1) -> (0, 0)>
#map1 = affine_map<(d0, d1) -> (0, 0, 0, 0)>
#map2 = affine_map<(d0, d1) -> (0, 0, 0)>
module attributes {stable_mosaic.version = 14 : i64} {
  func.func @body(%arg0: i32, %arg1: i32, %arg2: memref<10000x128xf32, #tpu.memory_space<hbm>>, %arg3: memref<32x2x40x128xi32, #tpu.memory_space<hbm>>, %arg4: memref<32x2x40x128xi32, #tpu.memory_space<hbm>>, %arg5: memref<2x10000x128xf32, #tpu.memory_space<hbm>>, %arg6: memref<64x128xf32, #tpu.memory_space<vmem>>, %arg7: memref<64x128xf32, #tpu.memory_space<vmem>>, %arg8: memref<64x128xf32, #tpu.memory_space<vmem>>, %arg9: memref<64x128xf32, #tpu.memory_space<vmem>>, %arg10: memref<40x128xi32, #tpu.memory_space<vmem>>, %arg11: memref<40x128xi32, #tpu.memory_space<vmem>>, %arg12: memref<8x128xf32, #tpu.memory_space<vmem>>, %arg13: memref<10008x128xf32, #tpu.memory_space<vmem_shared>>, %arg14: memref<!tpu.dma_semaphore, #tpu.memory_space<semaphore_mem>>, %arg15: memref<!tpu.dma_semaphore, #tpu.memory_space<semaphore_mem>>, %arg16: memref<4x!tpu.dma_semaphore, #tpu.memory_space<semaphore_mem>>, %arg17: memref<4x!tpu.dma_semaphore, #tpu.memory_space<semaphore_mem>>) attributes {dimension_semantics = [#tpu.dimension_semantics<core_parallel>, #tpu.dimension_semantics<subcore_parallel>], iteration_bounds = array<i64: 2, 16>, scalar_prefetch = 0 : i64, scratch_operands = 12 : i64, tpu.core_type = #tpu.core_type<sc_vector_subcore>, window_params = [{transform_indices = #map}, {transform_indices = #map1}, {transform_indices = #map1}, {transform_indices = #map2}]} {
    %mul3A = arith.constant 2 : i32
    %mul3A_0 = arith.muli %arg1, %mul3A : i32
    %add3A = arith.addi %mul3A_0, %arg0 : i32
    %dma_start3A = arith.constant 0 : i32
    %dma_start3A_1 = arith.constant 0 : i32
    %dma_start3A_2 = arith.constant 0 : i32
    %dma_start3A_3 = tpu.memref_slice %arg3[%add3A, %dma_start3A, %dma_start3A_1, %dma_start3A_2] : memref<32x2x40x128xi32, #tpu.memory_space<hbm>> -> memref<1x1x40x128xi32, #tpu.memory_space<hbm>>
    %dma_start3A_4 = tpu.memref_squeeze %dma_start3A_3 : memref<1x1x40x128xi32, #tpu.memory_space<hbm>> -> memref<40x128xi32, #tpu.memory_space<hbm>>
    %dma_start3A_5 = arith.constant 0 : i32
    %dma_start3A_6 = arith.constant 0 : i32
    %dma_start3A_7 = tpu.memref_slice %arg3[%add3A, %dma_start3A, %dma_start3A_5, %dma_start3A_6] : memref<32x2x40x128xi32, #tpu.memory_space<hbm>> -> memref<1x1x40x128xi32, #tpu.memory_space<hbm>>
    %dma_start3A_8 = tpu.memref_squeeze %dma_start3A_7 : memref<1x1x40x128xi32, #tpu.memory_space<hbm>> -> memref<40x128xi32, #tpu.memory_space<hbm>>
    tpu.enqueue_dma source(%dma_start3A_8 : memref<40x128xi32, #tpu.memory_space<hbm>>) target(%arg10 : memref<40x128xi32, #tpu.memory_space<vmem>>) target_semaphore(%arg15 : memref<!tpu.dma_semaphore, #tpu.memory_space<semaphore_mem>>)
    %dma_start3A_9 = arith.constant 0 : i32
    %dma_start3A_10 = arith.constant 0 : i32
    %dma_start3A_11 = arith.constant 0 : i32
    %dma_start3A_12 = tpu.memref_slice %arg4[%add3A, %dma_start3A_9, %dma_start3A_10, %dma_start3A_11] : memref<32x2x40x128xi32, #tpu.memory_space<hbm>> -> memref<1x1x40x128xi32, #tpu.memory_space<hbm>>
    %dma_start3A_13 = tpu.memref_squeeze %dma_start3A_12 : memref<1x1x40x128xi32, #tpu.memory_space<hbm>> -> memref<40x128xi32, #tpu.memory_space<hbm>>
    %dma_start3A_14 = arith.constant 0 : i32
    %dma_start3A_15 = arith.constant 0 : i32
    %dma_start3A_16 = tpu.memref_slice %arg4[%add3A, %dma_start3A_9, %dma_start3A_14, %dma_start3A_15] : memref<32x2x40x128xi32, #tpu.memory_space<hbm>> -> memref<1x1x40x128xi32, #tpu.memory_space<hbm>>
    %dma_start3A_17 = tpu.memref_squeeze %dma_start3A_16 : memref<1x1x40x128xi32, #tpu.memory_space<hbm>> -> memref<40x128xi32, #tpu.memory_space<hbm>>
    tpu.enqueue_dma source(%dma_start3A_17 : memref<40x128xi32, #tpu.memory_space<hbm>>) target(%arg11 : memref<40x128xi32, #tpu.memory_space<vmem>>) target_semaphore(%arg15 : memref<!tpu.dma_semaphore, #tpu.memory_space<semaphore_mem>>)
    %scan3A = arith.constant 0 : i32
    %scan3A_18 = arith.constant 8 : i32
    %scan3A_19 = arith.addi %scan3A, %scan3A_18 : i32
    %scan3A_20 = arith.constant 1 : i32
    scf.for %scan3A_1039 = %scan3A to %scan3A_19 step %scan3A_20  : i32 {
      %mul3A_1040 = arith.constant 1 : i32
      %mul3A_1041 = arith.muli %scan3A_1039, %mul3A_1040 : i32
      %add3A_1042 = arith.constant 0 : i32
      %add3A_1043 = arith.addi %add3A_1042, %mul3A_1041 : i32
      %scan3A_1044 = arith.constant 0 : i32
      %scan3A_1045 = arith.constant 8 : i32
      %scan3A_1046 = arith.addi %scan3A_1044, %scan3A_1045 : i32
      %scan3A_1047 = arith.constant 1 : i32
      scf.for %scan3A_1049 = %scan3A_1044 to %scan3A_1046 step %scan3A_1047  : i32 {
        %mul3A_1050 = arith.constant 1 : i32
        %mul3A_1051 = arith.muli %scan3A_1049, %mul3A_1050 : i32
        %add3A_1052 = arith.constant 0 : i32
        %add3A_1053 = arith.addi %add3A_1052, %mul3A_1051 : i32
        %broadcast_in_dim3A = arith.constant 0.000000e+00 : f32
        %broadcast_in_dim3A_1054 = vector.broadcast %broadcast_in_dim3A : f32 to vector<16xf32>
        %mul3A_1055 = arith.constant 16 : i32
        %mul3A_1056 = arith.muli %add3A_1053, %mul3A_1055 : i32
        %swap3A = arith.index_cast %add3A_1043 : i32 to index
        %swap3A_1057 = arith.index_cast %mul3A_1056 : i32 to index
        %swap3A_1058 = tpu.vector_load %arg12[%swap3A, %swap3A_1057] {strides = array<i32>} : memref<8x128xf32, #tpu.memory_space<vmem>>, vector<1x16xf32>,
        %swap3A_1059 = vector.shape_cast %swap3A_1058 : vector<1x16xf32> to vector<16xf32>
        %swap3A_1060 = vector.shape_cast %broadcast_in_dim3A_1054 : vector<16xf32> to vector<1x16xf32>
        tpu.vector_store %arg12[%swap3A, %swap3A_1057], %swap3A_1060 {strides = array<i32>} : memref<8x128xf32, #tpu.memory_space<vmem>>, vector<1x16xf32>,
      }
      %scan3A_1048 = arith.constant 8 : i32
    }
    %scan3A_21 = arith.constant 8 : i32
    %mul3A_22 = arith.constant 624 : i32
    %mul3A_23 = arith.muli %arg1, %mul3A_22 : i32
    %add3A_24 = arith.constant 0 : i32
    %add3A_25 = arith.addi %mul3A_23, %add3A_24 : i32
    %dma_start3A_26 = arith.constant 0 : i32
    %dma_start3A_27 = tpu.memref_slice %arg13[%add3A_25, %dma_start3A_26] : memref<10008x128xf32, #tpu.memory_space<vmem_shared>> -> memref<8x128xf32, #tpu.memory_space<vmem_shared>>
    %dma_start3A_28 = arith.constant 0 : i32
    %dma_start3A_29 = tpu.memref_slice %arg13[%add3A_25, %dma_start3A_28] : memref<10008x128xf32, #tpu.memory_space<vmem_shared>> -> memref<8x128xf32, #tpu.memory_space<vmem_shared>>
    tpu.enqueue_dma source(%arg12 : memref<8x128xf32, #tpu.memory_space<vmem>>) target(%dma_start3A_29 : memref<8x128xf32, #tpu.memory_space<vmem_shared>>) target_semaphore(%arg14 : memref<!tpu.dma_semaphore, #tpu.memory_space<semaphore_mem>>)
    %add3A_30 = arith.constant 8 : i32
    %add3A_31 = arith.addi %mul3A_23, %add3A_30 : i32
    %dma_start3A_32 = arith.constant 0 : i32
    %dma_start3A_33 = tpu.memref_slice %arg13[%add3A_31, %dma_start3A_32] : memref<10008x128xf32, #tpu.memory_space<vmem_shared>> -> memref<8x128xf32, #tpu.memory_space<vmem_shared>>
    %dma_start3A_34 = arith.constant 0 : i32
    %dma_start3A_35 = tpu.memref_slice %arg13[%add3A_31, %dma_start3A_34] : memref<10008x128xf32, #tpu.memory_space<vmem_shared>> -> memref<8x128xf32, #tpu.memory_space<vmem_shared>>
    tpu.enqueue_dma source(%arg12 : memref<8x128xf32, #tpu.memory_space<vmem>>) target(%dma_start3A_35 : memref<8x128xf32, #tpu.memory_space<vmem_shared>>) target_semaphore(%arg14 : memref<!tpu.dma_semaphore, #tpu.memory_space<semaphore_mem>>)
    %add3A_36 = arith.constant 16 : i32
    %add3A_37 = arith.addi %mul3A_23, %add3A_36 : i32
    %dma_start3A_38 = arith.constant 0 : i32
    %dma_start3A_39 = tpu.memref_slice %arg13[%add3A_37, %dma_start3A_38] : memref<10008x128xf32, #tpu.memory_space<vmem_shared>> -> memref<8x128xf32, #tpu.memory_space<vmem_shared>>
    %dma_start3A_40 = arith.constant 0 : i32
    %dma_start3A_41 = tpu.memref_slice %arg13[%add3A_37, %dma_start3A_40] : memref<10008x128xf32, #tpu.memory_space<vmem_shared>> -> memref<8x128xf32, #tpu.memory_space<vmem_shared>>
    tpu.enqueue_dma source(%arg12 : memref<8x128xf32, #tpu.memory_space<vmem>>) target(%dma_start3A_41 : memref<8x128xf32, #tpu.memory_space<vmem_shared>>) target_semaphore(%arg14 : memref<!tpu.dma_semaphore, #tpu.memory_space<semaphore_mem>>)
    %add3A_42 = arith.constant 24 : i32
    %add3A_43 = arith.addi %mul3A_23, %add3A_42 : i32
    %dma_start3A_44 = arith.constant 0 : i32
    %dma_start3A_45 = tpu.memref_slice %arg13[%add3A_43, %dma_start3A_44] : memref<10008x128xf32, #tpu.memory_space<vmem_shared>> -> memref<8x128xf32, #tpu.memory_space<vmem_shared>>
    %dma_start3A_46 = arith.constant 0 : i32
    %dma_start3A_47 = tpu.memref_slice %arg13[%add3A_43, %dma_start3A_46] : memref<10008x128xf32, #tpu.memory_space<vmem_shared>> -> memref<8x128xf32, #tpu.memory_space<vmem_shared>>
    tpu.enqueue_dma source(%arg12 : memref<8x128xf32, #tpu.memory_space<vmem>>) target(%dma_start3A_47 : memref<8x128xf32, #tpu.memory_space<vmem_shared>>) target_semaphore(%arg14 : memref<!tpu.dma_semaphore, #tpu.memory_space<semaphore_mem>>)
    %add3A_48 = arith.constant 32 : i32
    %add3A_49 = arith.addi %mul3A_23, %add3A_48 : i32
    %dma_start3A_50 = arith.constant 0 : i32
    %dma_start3A_51 = tpu.memref_slice %arg13[%add3A_49, %dma_start3A_50] : memref<10008x128xf32, #tpu.memory_space<vmem_shared>> -> memref<8x128xf32, #tpu.memory_space<vmem_shared>>
    %dma_start3A_52 = arith.constant 0 : i32
    %dma_start3A_53 = tpu.memref_slice %arg13[%add3A_49, %dma_start3A_52] : memref<10008x128xf32, #tpu.memory_space<vmem_shared>> -> memref<8x128xf32, #tpu.memory_space<vmem_shared>>
    tpu.enqueue_dma source(%arg12 : memref<8x128xf32, #tpu.memory_space<vmem>>) target(%dma_start3A_53 : memref<8x128xf32, #tpu.memory_space<vmem_shared>>) target_semaphore(%arg14 : memref<!tpu.dma_semaphore, #tpu.memory_space<semaphore_mem>>)
    %add3A_54 = arith.constant 40 : i32
    %add3A_55 = arith.addi %mul3A_23, %add3A_54 : i32
    %dma_start3A_56 = arith.constant 0 : i32
    %dma_start3A_57 = tpu.memref_slice %arg13[%add3A_55, %dma_start3A_56] : memref<10008x128xf32, #tpu.memory_space<vmem_shared>> -> memref<8x128xf32, #tpu.memory_space<vmem_shared>>
    %dma_start3A_58 = arith.constant 0 : i32
    %dma_start3A_59 = tpu.memref_slice %arg13[%add3A_55, %dma_start3A_58] : memref<10008x128xf32, #tpu.memory_space<vmem_shared>> -> memref<8x128xf32, #tpu.memory_space<vmem_shared>>
    tpu.enqueue_dma source(%arg12 : memref<8x128xf32, #tpu.memory_space<vmem>>) target(%dma_start3A_59 : memref<8x128xf32, #tpu.memory_space<vmem_shared>>) target_semaphore(%arg14 : memref<!tpu.dma_semaphore, #tpu.memory_space<semaphore_mem>>)
    %add3A_60 = arith.constant 48 : i32
    %add3A_61 = arith.addi %mul3A_23, %add3A_60 : i32
    %dma_start3A_62 = arith.constant 0 : i32
    %dma_start3A_63 = tpu.memref_slice %arg13[%add3A_61, %dma_start3A_62] : memref<10008x128xf32, #tpu.memory_space<vmem_shared>> -> memref<8x128xf32, #tpu.memory_space<vmem_shared>>
    %dma_start3A_64 = arith.constant 0 : i32
    %dma_start3A_65 = tpu.memref_slice %arg13[%add3A_61, %dma_start3A_64] : memref<10008x128xf32, #tpu.memory_space<vmem_shared>> -> memref<8x128xf32, #tpu.memory_space<vmem_shared>>
    tpu.enqueue_dma source(%arg12 : memref<8x128xf32, #tpu.memory_space<vmem>>) target(%dma_start3A_65 : memref<8x128xf32, #tpu.memory_space<vmem_shared>>) target_semaphore(%arg14 : memref<!tpu.dma_semaphore, #tpu.memory_space<semaphore_mem>>)
    %add3A_66 = arith.constant 56 : i32
    %add3A_67 = arith.addi %mul3A_23, %add3A_66 : i32
    %dma_start3A_68 = arith.constant 0 : i32
    %dma_start3A_69 = tpu.memref_slice %arg13[%add3A_67, %dma_start3A_68] : memref<10008x128xf32, #tpu.memory_space<vmem_shared>> -> memref<8x128xf32, #tpu.memory_space<vmem_shared>>
    %dma_start3A_70 = arith.constant 0 : i32
    %dma_start3A_71 = tpu.memref_slice %arg13[%add3A_67, %dma_start3A_70] : memref<10008x128xf32, #tpu.memory_space<vmem_shared>> -> memref<8x128xf32, #tpu.memory_space<vmem_shared>>
    tpu.enqueue_dma source(%arg12 : memref<8x128xf32, #tpu.memory_space<vmem>>) target(%dma_start3A_71 : memref<8x128xf32, #tpu.memory_space<vmem_shared>>) target_semaphore(%arg14 : memref<!tpu.dma_semaphore, #tpu.memory_space<semaphore_mem>>)
    %add3A_72 = arith.constant 64 : i32
    %add3A_73 = arith.addi %mul3A_23, %add3A_72 : i32
    %dma_start3A_74 = arith.constant 0 : i32
    %dma_start3A_75 = tpu.memref_slice %arg13[%add3A_73, %dma_start3A_74] : memref<10008x128xf32, #tpu.memory_space<vmem_shared>> -> memref<8x128xf32, #tpu.memory_space<vmem_shared>>
    %dma_start3A_76 = arith.constant 0 : i32
    %dma_start3A_77 = tpu.memref_slice %arg13[%add3A_73, %dma_start3A_76] : memref<10008x128xf32, #tpu.memory_space<vmem_shared>> -> memref<8x128xf32, #tpu.memory_space<vmem_shared>>
    tpu.enqueue_dma source(%arg12 : memref<8x128xf32, #tpu.memory_space<vmem>>) target(%dma_start3A_77 : memref<8x128xf32, #tpu.memory_space<vmem_shared>>) target_semaphore(%arg14 : memref<!tpu.dma_semaphore, #tpu.memory_space<semaphore_mem>>)
    %add3A_78 = arith.constant 72 : i32
    %add3A_79 = arith.addi %mul3A_23, %add3A_78 : i32
    %dma_start3A_80 = arith.constant 0 : i32
    %dma_start3A_81 = tpu.memref_slice %arg13[%add3A_79, %dma_start3A_80] : memref<10008x128xf32, #tpu.memory_space<vmem_shared>> -> memref<8x128xf32, #tpu.memory_space<vmem_shared>>
    %dma_start3A_82 = arith.constant 0 : i32
    %dma_start3A_83 = tpu.memref_slice %arg13[%add3A_79, %dma_start3A_82] : memref<10008x128xf32, #tpu.memory_space<vmem_shared>> -> memref<8x128xf32, #tpu.memory_space<vmem_shared>>
    tpu.enqueue_dma source(%arg12 : memref<8x128xf32, #tpu.memory_space<vmem>>) target(%dma_start3A_83 : memref<8x128xf32, #tpu.memory_space<vmem_shared>>) target_semaphore(%arg14 : memref<!tpu.dma_semaphore, #tpu.memory_space<semaphore_mem>>)
    %add3A_84 = arith.constant 80 : i32
    %add3A_85 = arith.addi %mul3A_23, %add3A_84 : i32
    %dma_start3A_86 = arith.constant 0 : i32
    %dma_start3A_87 = tpu.memref_slice %arg13[%add3A_85, %dma_start3A_86] : memref<10008x128xf32, #tpu.memory_space<vmem_shared>> -> memref<8x128xf32, #tpu.memory_space<vmem_shared>>
    %dma_start3A_88 = arith.constant 0 : i32
    %dma_start3A_89 = tpu.memref_slice %arg13[%add3A_85, %dma_start3A_88] : memref<10008x128xf32, #tpu.memory_space<vmem_shared>> -> memref<8x128xf32, #tpu.memory_space<vmem_shared>>
    tpu.enqueue_dma source(%arg12 : memref<8x128xf32, #tpu.memory_space<vmem>>) target(%dma_start3A_89 : memref<8x128xf32, #tpu.memory_space<vmem_shared>>) target_semaphore(%arg14 : memref<!tpu.dma_semaphore, #tpu.memory_space<semaphore_mem>>)
    %add3A_90 = arith.constant 88 : i32
    %add3A_91 = arith.addi %mul3A_23, %add3A_90 : i32
    %dma_start3A_92 = arith.constant 0 : i32
    %dma_start3A_93 = tpu.memref_slice %arg13[%add3A_91, %dma_start3A_92] : memref<10008x128xf32, #tpu.memory_space<vmem_shared>> -> memref<8x128xf32, #tpu.memory_space<vmem_shared>>
    %dma_start3A_94 = arith.constant 0 : i32
    %dma_start3A_95 = tpu.memref_slice %arg13[%add3A_91, %dma_start3A_94] : memref<10008x128xf32, #tpu.memory_space<vmem_shared>> -> memref<8x128xf32, #tpu.memory_space<vmem_shared>>
    tpu.enqueue_dma source(%arg12 : memref<8x128xf32, #tpu.memory_space<vmem>>) target(%dma_start3A_95 : memref<8x128xf32, #tpu.memory_space<vmem_shared>>) target_semaphore(%arg14 : memref<!tpu.dma_semaphore, #tpu.memory_space<semaphore_mem>>)
    %add3A_96 = arith.constant 96 : i32
    %add3A_97 = arith.addi %mul3A_23, %add3A_96 : i32
    %dma_start3A_98 = arith.constant 0 : i32
    %dma_start3A_99 = tpu.memref_slice %arg13[%add3A_97, %dma_start3A_98] : memref<10008x128xf32, #tpu.memory_space<vmem_shared>> -> memref<8x128xf32, #tpu.memory_space<vmem_shared>>
    %dma_start3A_100 = arith.constant 0 : i32
    %dma_start3A_101 = tpu.memref_slice %arg13[%add3A_97, %dma_start3A_100] : memref<10008x128xf32, #tpu.memory_space<vmem_shared>> -> memref<8x128xf32, #tpu.memory_space<vmem_shared>>
    tpu.enqueue_dma source(%arg12 : memref<8x128xf32, #tpu.memory_space<vmem>>) target(%dma_start3A_101 : memref<8x128xf32, #tpu.memory_space<vmem_shared>>) target_semaphore(%arg14 : memref<!tpu.dma_semaphore, #tpu.memory_space<semaphore_mem>>)
    %add3A_102 = arith.constant 104 : i32
    %add3A_103 = arith.addi %mul3A_23, %add3A_102 : i32
    %dma_start3A_104 = arith.constant 0 : i32
    %dma_start3A_105 = tpu.memref_slice %arg13[%add3A_103, %dma_start3A_104] : memref<10008x128xf32, #tpu.memory_space<vmem_shared>> -> memref<8x128xf32, #tpu.memory_space<vmem_shared>>
    %dma_start3A_106 = arith.constant 0 : i32
    %dma_start3A_107 = tpu.memref_slice %arg13[%add3A_103, %dma_start3A_106] : memref<10008x128xf32, #tpu.memory_space<vmem_shared>> -> memref<8x128xf32, #tpu.memory_space<vmem_shared>>
    tpu.enqueue_dma source(%arg12 : memref<8x128xf32, #tpu.memory_space<vmem>>) target(%dma_start3A_107 : memref<8x128xf32, #tpu.memory_space<vmem_shared>>) target_semaphore(%arg14 : memref<!tpu.dma_semaphore, #tpu.memory_space<semaphore_mem>>)
    %add3A_108 = arith.constant 112 : i32
    %add3A_109 = arith.addi %mul3A_23, %add3A_108 : i32
    %dma_start3A_110 = arith.constant 0 : i32
    %dma_start3A_111 = tpu.memref_slice %arg13[%add3A_109, %dma_start3A_110] : memref<10008x128xf32, #tpu.memory_space<vmem_shared>> -> memref<8x128xf32, #tpu.memory_space<vmem_shared>>
    %dma_start3A_112 = arith.constant 0 : i32
    %dma_start3A_113 = tpu.memref_slice %arg13[%add3A_109, %dma_start3A_112] : memref<10008x128xf32, #tpu.memory_space<vmem_shared>> -> memref<8x128xf32, #tpu.memory_space<vmem_shared>>
    tpu.enqueue_dma source(%arg12 : memref<8x128xf32, #tpu.memory_space<vmem>>) target(%dma_start3A_113 : memref<8x128xf32, #tpu.memory_space<vmem_shared>>) target_semaphore(%arg14 : memref<!tpu.dma_semaphore, #tpu.memory_space<semaphore_mem>>)
    %add3A_114 = arith.constant 120 : i32
    %add3A_115 = arith.addi %mul3A_23, %add3A_114 : i32
    %dma_start3A_116 = arith.constant 0 : i32
    %dma_start3A_117 = tpu.memref_slice %arg13[%add3A_115, %dma_start3A_116] : memref<10008x128xf32, #tpu.memory_space<vmem_shared>> -> memref<8x128xf32, #tpu.memory_space<vmem_shared>>
    %dma_start3A_118 = arith.constant 0 : i32
    %dma_start3A_119 = tpu.memref_slice %arg13[%add3A_115, %dma_start3A_118] : memref<10008x128xf32, #tpu.memory_space<vmem_shared>> -> memref<8x128xf32, #tpu.memory_space<vmem_shared>>
    tpu.enqueue_dma source(%arg12 : memref<8x128xf32, #tpu.memory_space<vmem>>) target(%dma_start3A_119 : memref<8x128xf32, #tpu.memory_space<vmem_shared>>) target_semaphore(%arg14 : memref<!tpu.dma_semaphore, #tpu.memory_space<semaphore_mem>>)
    %add3A_120 = arith.constant 128 : i32
    %add3A_121 = arith.addi %mul3A_23, %add3A_120 : i32
    %dma_start3A_122 = arith.constant 0 : i32
    %dma_start3A_123 = tpu.memref_slice %arg13[%add3A_121, %dma_start3A_122] : memref<10008x128xf32, #tpu.memory_space<vmem_shared>> -> memref<8x128xf32, #tpu.memory_space<vmem_shared>>
    %dma_start3A_124 = arith.constant 0 : i32
    %dma_start3A_125 = tpu.memref_slice %arg13[%add3A_121, %dma_start3A_124] : memref<10008x128xf32, #tpu.memory_space<vmem_shared>> -> memref<8x128xf32, #tpu.memory_space<vmem_shared>>
    tpu.enqueue_dma source(%arg12 : memref<8x128xf32, #tpu.memory_space<vmem>>) target(%dma_start3A_125 : memref<8x128xf32, #tpu.memory_space<vmem_shared>>) target_semaphore(%arg14 : memref<!tpu.dma_semaphore, #tpu.memory_space<semaphore_mem>>)
    %add3A_126 = arith.constant 136 : i32
    %add3A_127 = arith.addi %mul3A_23, %add3A_126 : i32
    %dma_start3A_128 = arith.constant 0 : i32
    %dma_start3A_129 = tpu.memref_slice %arg13[%add3A_127, %dma_start3A_128] : memref<10008x128xf32, #tpu.memory_space<vmem_shared>> -> memref<8x128xf32, #tpu.memory_space<vmem_shared>>
    %dma_start3A_130 = arith.constant 0 : i32
    %dma_start3A_131 = tpu.memref_slice %arg13[%add3A_127, %dma_start3A_130] : memref<10008x128xf32, #tpu.memory_space<vmem_shared>> -> memref<8x128xf32, #tpu.memory_space<vmem_shared>>
    tpu.enqueue_dma source(%arg12 : memref<8x128xf32, #tpu.memory_space<vmem>>) target(%dma_start3A_131 : memref<8x128xf32, #tpu.memory_space<vmem_shared>>) target_semaphore(%arg14 : memref<!tpu.dma_semaphore, #tpu.memory_space<semaphore_mem>>)
    %add3A_132 = arith.constant 144 : i32
    %add3A_133 = arith.addi %mul3A_23, %add3A_132 : i32
    %dma_start3A_134 = arith.constant 0 : i32
    %dma_start3A_135 = tpu.memref_slice %arg13[%add3A_133, %dma_start3A_134] : memref<10008x128xf32, #tpu.memory_space<vmem_shared>> -> memref<8x128xf32, #tpu.memory_space<vmem_shared>>
    %dma_start3A_136 = arith.constant 0 : i32
    %dma_start3A_137 = tpu.memref_slice %arg13[%add3A_133, %dma_start3A_136] : memref<10008x128xf32, #tpu.memory_space<vmem_shared>> -> memref<8x128xf32, #tpu.memory_space<vmem_shared>>
    tpu.enqueue_dma source(%arg12 : memref<8x128xf32, #tpu.memory_space<vmem>>) target(%dma_start3A_137 : memref<8x128xf32, #tpu.memory_space<vmem_shared>>) target_semaphore(%arg14 : memref<!tpu.dma_semaphore, #tpu.memory_space<semaphore_mem>>)
    %add3A_138 = arith.constant 152 : i32
    %add3A_139 = arith.addi %mul3A_23, %add3A_138 : i32
    %dma_start3A_140 = arith.constant 0 : i32
    %dma_start3A_141 = tpu.memref_slice %arg13[%add3A_139, %dma_start3A_140] : memref<10008x128xf32, #tpu.memory_space<vmem_shared>> -> memref<8x128xf32, #tpu.memory_space<vmem_shared>>
    %dma_start3A_142 = arith.constant 0 : i32
    %dma_start3A_143 = tpu.memref_slice %arg13[%add3A_139, %dma_start3A_142] : memref<10008x128xf32, #tpu.memory_space<vmem_shared>> -> memref<8x128xf32, #tpu.memory_space<vmem_shared>>
    tpu.enqueue_dma source(%arg12 : memref<8x128xf32, #tpu.memory_space<vmem>>) target(%dma_start3A_143 : memref<8x128xf32, #tpu.memory_space<vmem_shared>>) target_semaphore(%arg14 : memref<!tpu.dma_semaphore, #tpu.memory_space<semaphore_mem>>)
    %add3A_144 = arith.constant 160 : i32
    %add3A_145 = arith.addi %mul3A_23, %add3A_144 : i32
    %dma_start3A_146 = arith.constant 0 : i32
    %dma_start3A_147 = tpu.memref_slice %arg13[%add3A_145, %dma_start3A_146] : memref<10008x128xf32, #tpu.memory_space<vmem_shared>> -> memref<8x128xf32, #tpu.memory_space<vmem_shared>>
    %dma_start3A_148 = arith.constant 0 : i32
    %dma_start3A_149 = tpu.memref_slice %arg13[%add3A_145, %dma_start3A_148] : memref<10008x128xf32, #tpu.memory_space<vmem_shared>> -> memref<8x128xf32, #tpu.memory_space<vmem_shared>>
    tpu.enqueue_dma source(%arg12 : memref<8x128xf32, #tpu.memory_space<vmem>>) target(%dma_start3A_149 : memref<8x128xf32, #tpu.memory_space<vmem_shared>>) target_semaphore(%arg14 : memref<!tpu.dma_semaphore, #tpu.memory_space<semaphore_mem>>)
    %add3A_150 = arith.constant 168 : i32
    %add3A_151 = arith.addi %mul3A_23, %add3A_150 : i32
    %dma_start3A_152 = arith.constant 0 : i32
    %dma_start3A_153 = tpu.memref_slice %arg13[%add3A_151, %dma_start3A_152] : memref<10008x128xf32, #tpu.memory_space<vmem_shared>> -> memref<8x128xf32, #tpu.memory_space<vmem_shared>>
    %dma_start3A_154 = arith.constant 0 : i32
    %dma_start3A_155 = tpu.memref_slice %arg13[%add3A_151, %dma_start3A_154] : memref<10008x128xf32, #tpu.memory_space<vmem_shared>> -> memref<8x128xf32, #tpu.memory_space<vmem_shared>>
    tpu.enqueue_dma source(%arg12 : memref<8x128xf32, #tpu.memory_space<vmem>>) target(%dma_start3A_155 : memref<8x128xf32, #tpu.memory_space<vmem_shared>>) target_semaphore(%arg14 : memref<!tpu.dma_semaphore, #tpu.memory_space<semaphore_mem>>)
    %add3A_156 = arith.constant 176 : i32
    %add3A_157 = arith.addi %mul3A_23, %add3A_156 : i32
    %dma_start3A_158 = arith.constant 0 : i32
    %dma_start3A_159 = tpu.memref_slice %arg13[%add3A_157, %dma_start3A_158] : memref<10008x128xf32, #tpu.memory_space<vmem_shared>> -> memref<8x128xf32, #tpu.memory_space<vmem_shared>>
    %dma_start3A_160 = arith.constant 0 : i32
    %dma_start3A_161 = tpu.memref_slice %arg13[%add3A_157, %dma_start3A_160] : memref<10008x128xf32, #tpu.memory_space<vmem_shared>> -> memref<8x128xf32, #tpu.memory_space<vmem_shared>>
    tpu.enqueue_dma source(%arg12 : memref<8x128xf32, #tpu.memory_space<vmem>>) target(%dma_start3A_161 : memref<8x128xf32, #tpu.memory_space<vmem_shared>>) target_semaphore(%arg14 : memref<!tpu.dma_semaphore, #tpu.memory_space<semaphore_mem>>)
    %add3A_162 = arith.constant 184 : i32
    %add3A_163 = arith.addi %mul3A_23, %add3A_162 : i32
    %dma_start3A_164 = arith.constant 0 : i32
    %dma_start3A_165 = tpu.memref_slice %arg13[%add3A_163, %dma_start3A_164] : memref<10008x128xf32, #tpu.memory_space<vmem_shared>> -> memref<8x128xf32, #tpu.memory_space<vmem_shared>>
    %dma_start3A_166 = arith.constant 0 : i32
    %dma_start3A_167 = tpu.memref_slice %arg13[%add3A_163, %dma_start3A_166] : memref<10008x128xf32, #tpu.memory_space<vmem_shared>> -> memref<8x128xf32, #tpu.memory_space<vmem_shared>>
    tpu.enqueue_dma source(%arg12 : memref<8x128xf32, #tpu.memory_space<vmem>>) target(%dma_start3A_167 : memref<8x128xf32, #tpu.memory_space<vmem_shared>>) target_semaphore(%arg14 : memref<!tpu.dma_semaphore, #tpu.memory_space<semaphore_mem>>)
    %add3A_168 = arith.constant 192 : i32
    %add3A_169 = arith.addi %mul3A_23, %add3A_168 : i32
    %dma_start3A_170 = arith.constant 0 : i32
    %dma_start3A_171 = tpu.memref_slice %arg13[%add3A_169, %dma_start3A_170] : memref<10008x128xf32, #tpu.memory_space<vmem_shared>> -> memref<8x128xf32, #tpu.memory_space<vmem_shared>>
    %dma_start3A_172 = arith.constant 0 : i32
    %dma_start3A_173 = tpu.memref_slice %arg13[%add3A_169, %dma_start3A_172] : memref<10008x128xf32, #tpu.memory_space<vmem_shared>> -> memref<8x128xf32, #tpu.memory_space<vmem_shared>>
    tpu.enqueue_dma source(%arg12 : memref<8x128xf32, #tpu.memory_space<vmem>>) target(%dma_start3A_173 : memref<8x128xf32, #tpu.memory_space<vmem_shared>>) target_semaphore(%arg14 : memref<!tpu.dma_semaphore, #tpu.memory_space<semaphore_mem>>)
    %add3A_174 = arith.constant 200 : i32
    %add3A_175 = arith.addi %mul3A_23, %add3A_174 : i32
    %dma_start3A_176 = arith.constant 0 : i32
    %dma_start3A_177 = tpu.memref_slice %arg13[%add3A_175, %dma_start3A_176] : memref<10008x128xf32, #tpu.memory_space<vmem_shared>> -> memref<8x128xf32, #tpu.memory_space<vmem_shared>>
    %dma_start3A_178 = arith.constant 0 : i32
    %dma_start3A_179 = tpu.memref_slice %arg13[%add3A_175, %dma_start3A_178] : memref<10008x128xf32, #tpu.memory_space<vmem_shared>> -> memref<8x128xf32, #tpu.memory_space<vmem_shared>>
    tpu.enqueue_dma source(%arg12 : memref<8x128xf32, #tpu.memory_space<vmem>>) target(%dma_start3A_179 : memref<8x128xf32, #tpu.memory_space<vmem_shared>>) target_semaphore(%arg14 : memref<!tpu.dma_semaphore, #tpu.memory_space<semaphore_mem>>)
    %add3A_180 = arith.constant 208 : i32
    %add3A_181 = arith.addi %mul3A_23, %add3A_180 : i32
    %dma_start3A_182 = arith.constant 0 : i32
    %dma_start3A_183 = tpu.memref_slice %arg13[%add3A_181, %dma_start3A_182] : memref<10008x128xf32, #tpu.memory_space<vmem_shared>> -> memref<8x128xf32, #tpu.memory_space<vmem_shared>>
    %dma_start3A_184 = arith.constant 0 : i32
    %dma_start3A_185 = tpu.memref_slice %arg13[%add3A_181, %dma_start3A_184] : memref<10008x128xf32, #tpu.memory_space<vmem_shared>> -> memref<8x128xf32, #tpu.memory_space<vmem_shared>>
    tpu.enqueue_dma source(%arg12 : memref<8x128xf32, #tpu.memory_space<vmem>>) target(%dma_start3A_185 : memref<8x128xf32, #tpu.memory_space<vmem_shared>>) target_semaphore(%arg14 : memref<!tpu.dma_semaphore, #tpu.memory_space<semaphore_mem>>)
    %add3A_186 = arith.constant 216 : i32
    %add3A_187 = arith.addi %mul3A_23, %add3A_186 : i32
    %dma_start3A_188 = arith.constant 0 : i32
    %dma_start3A_189 = tpu.memref_slice %arg13[%add3A_187, %dma_start3A_188] : memref<10008x128xf32, #tpu.memory_space<vmem_shared>> -> memref<8x128xf32, #tpu.memory_space<vmem_shared>>
    %dma_start3A_190 = arith.constant 0 : i32
    %dma_start3A_191 = tpu.memref_slice %arg13[%add3A_187, %dma_start3A_190] : memref<10008x128xf32, #tpu.memory_space<vmem_shared>> -> memref<8x128xf32, #tpu.memory_space<vmem_shared>>
    tpu.enqueue_dma source(%arg12 : memref<8x128xf32, #tpu.memory_space<vmem>>) target(%dma_start3A_191 : memref<8x128xf32, #tpu.memory_space<vmem_shared>>) target_semaphore(%arg14 : memref<!tpu.dma_semaphore, #tpu.memory_space<semaphore_mem>>)
    %add3A_192 = arith.constant 224 : i32
    %add3A_193 = arith.addi %mul3A_23, %add3A_192 : i32
    %dma_start3A_194 = arith.constant 0 : i32
    %dma_start3A_195 = tpu.memref_slice %arg13[%add3A_193, %dma_start3A_194] : memref<10008x128xf32, #tpu.memory_space<vmem_shared>> -> memref<8x128xf32, #tpu.memory_space<vmem_shared>>
    %dma_start3A_196 = arith.constant 0 : i32
    %dma_start3A_197 = tpu.memref_slice %arg13[%add3A_193, %dma_start3A_196] : memref<10008x128xf32, #tpu.memory_space<vmem_shared>> -> memref<8x128xf32, #tpu.memory_space<vmem_shared>>
    tpu.enqueue_dma source(%arg12 : memref<8x128xf32, #tpu.memory_space<vmem>>) target(%dma_start3A_197 : memref<8x128xf32, #tpu.memory_space<vmem_shared>>) target_semaphore(%arg14 : memref<!tpu.dma_semaphore, #tpu.memory_space<semaphore_mem>>)
    %add3A_198 = arith.constant 232 : i32
    %add3A_199 = arith.addi %mul3A_23, %add3A_198 : i32
    %dma_start3A_200 = arith.constant 0 : i32
    %dma_start3A_201 = tpu.memref_slice %arg13[%add3A_199, %dma_start3A_200] : memref<10008x128xf32, #tpu.memory_space<vmem_shared>> -> memref<8x128xf32, #tpu.memory_space<vmem_shared>>
    %dma_start3A_202 = arith.constant 0 : i32
    %dma_start3A_203 = tpu.memref_slice %arg13[%add3A_199, %dma_start3A_202] : memref<10008x128xf32, #tpu.memory_space<vmem_shared>> -> memref<8x128xf32, #tpu.memory_space<vmem_shared>>
    tpu.enqueue_dma source(%arg12 : memref<8x128xf32, #tpu.memory_space<vmem>>) target(%dma_start3A_203 : memref<8x128xf32, #tpu.memory_space<vmem_shared>>) target_semaphore(%arg14 : memref<!tpu.dma_semaphore, #tpu.memory_space<semaphore_mem>>)
    %add3A_204 = arith.constant 240 : i32
    %add3A_205 = arith.addi %mul3A_23, %add3A_204 : i32
    %dma_start3A_206 = arith.constant 0 : i32
    %dma_start3A_207 = tpu.memref_slice %arg13[%add3A_205, %dma_start3A_206] : memref<10008x128xf32, #tpu.memory_space<vmem_shared>> -> memref<8x128xf32, #tpu.memory_space<vmem_shared>>
    %dma_start3A_208 = arith.constant 0 : i32
    %dma_start3A_209 = tpu.memref_slice %arg13[%add3A_205, %dma_start3A_208] : memref<10008x128xf32, #tpu.memory_space<vmem_shared>> -> memref<8x128xf32, #tpu.memory_space<vmem_shared>>
    tpu.enqueue_dma source(%arg12 : memref<8x128xf32, #tpu.memory_space<vmem>>) target(%dma_start3A_209 : memref<8x128xf32, #tpu.memory_space<vmem_shared>>) target_semaphore(%arg14 : memref<!tpu.dma_semaphore, #tpu.memory_space<semaphore_mem>>)
    %add3A_210 = arith.constant 248 : i32
    %add3A_211 = arith.addi %mul3A_23, %add3A_210 : i32
    %dma_start3A_212 = arith.constant 0 : i32
    %dma_start3A_213 = tpu.memref_slice %arg13[%add3A_211, %dma_start3A_212] : memref<10008x128xf32, #tpu.memory_space<vmem_shared>> -> memref<8x128xf32, #tpu.memory_space<vmem_shared>>
    %dma_start3A_214 = arith.constant 0 : i32
    %dma_start3A_215 = tpu.memref_slice %arg13[%add3A_211, %dma_start3A_214] : memref<10008x128xf32, #tpu.memory_space<vmem_shared>> -> memref<8x128xf32, #tpu.memory_space<vmem_shared>>
    tpu.enqueue_dma source(%arg12 : memref<8x128xf32, #tpu.memory_space<vmem>>) target(%dma_start3A_215 : memref<8x128xf32, #tpu.memory_space<vmem_shared>>) target_semaphore(%arg14 : memref<!tpu.dma_semaphore, #tpu.memory_space<semaphore_mem>>)
    %add3A_216 = arith.constant 256 : i32
    %add3A_217 = arith.addi %mul3A_23, %add3A_216 : i32
    %dma_start3A_218 = arith.constant 0 : i32
    %dma_start3A_219 = tpu.memref_slice %arg13[%add3A_217, %dma_start3A_218] : memref<10008x128xf32, #tpu.memory_space<vmem_shared>> -> memref<8x128xf32, #tpu.memory_space<vmem_shared>>
    %dma_start3A_220 = arith.constant 0 : i32
    %dma_start3A_221 = tpu.memref_slice %arg13[%add3A_217, %dma_start3A_220] : memref<10008x128xf32, #tpu.memory_space<vmem_shared>> -> memref<8x128xf32, #tpu.memory_space<vmem_shared>>
    tpu.enqueue_dma source(%arg12 : memref<8x128xf32, #tpu.memory_space<vmem>>) target(%dma_start3A_221 : memref<8x128xf32, #tpu.memory_space<vmem_shared>>) target_semaphore(%arg14 : memref<!tpu.dma_semaphore, #tpu.memory_space<semaphore_mem>>)
    %add3A_222 = arith.constant 264 : i32
    %add3A_223 = arith.addi %mul3A_23, %add3A_222 : i32
    %dma_start3A_224 = arith.constant 0 : i32
    %dma_start3A_225 = tpu.memref_slice %arg13[%add3A_223, %dma_start3A_224] : memref<10008x128xf32, #tpu.memory_space<vmem_shared>> -> memref<8x128xf32, #tpu.memory_space<vmem_shared>>
    %dma_start3A_226 = arith.constant 0 : i32
    %dma_start3A_227 = tpu.memref_slice %arg13[%add3A_223, %dma_start3A_226] : memref<10008x128xf32, #tpu.memory_space<vmem_shared>> -> memref<8x128xf32, #tpu.memory_space<vmem_shared>>
    tpu.enqueue_dma source(%arg12 : memref<8x128xf32, #tpu.memory_space<vmem>>) target(%dma_start3A_227 : memref<8x128xf32, #tpu.memory_space<vmem_shared>>) target_semaphore(%arg14 : memref<!tpu.dma_semaphore, #tpu.memory_space<semaphore_mem>>)
    %add3A_228 = arith.constant 272 : i32
    %add3A_229 = arith.addi %mul3A_23, %add3A_228 : i32
    %dma_start3A_230 = arith.constant 0 : i32
    %dma_start3A_231 = tpu.memref_slice %arg13[%add3A_229, %dma_start3A_230] : memref<10008x128xf32, #tpu.memory_space<vmem_shared>> -> memref<8x128xf32, #tpu.memory_space<vmem_shared>>
    %dma_start3A_232 = arith.constant 0 : i32
    %dma_start3A_233 = tpu.memref_slice %arg13[%add3A_229, %dma_start3A_232] : memref<10008x128xf32, #tpu.memory_space<vmem_shared>> -> memref<8x128xf32, #tpu.memory_space<vmem_shared>>
    tpu.enqueue_dma source(%arg12 : memref<8x128xf32, #tpu.memory_space<vmem>>) target(%dma_start3A_233 : memref<8x128xf32, #tpu.memory_space<vmem_shared>>) target_semaphore(%arg14 : memref<!tpu.dma_semaphore, #tpu.memory_space<semaphore_mem>>)
    %add3A_234 = arith.constant 280 : i32
    %add3A_235 = arith.addi %mul3A_23, %add3A_234 : i32
    %dma_start3A_236 = arith.constant 0 : i32
    %dma_start3A_237 = tpu.memref_slice %arg13[%add3A_235, %dma_start3A_236] : memref<10008x128xf32, #tpu.memory_space<vmem_shared>> -> memref<8x128xf32, #tpu.memory_space<vmem_shared>>
    %dma_start3A_238 = arith.constant 0 : i32
    %dma_start3A_239 = tpu.memref_slice %arg13[%add3A_235, %dma_start3A_238] : memref<10008x128xf32, #tpu.memory_space<vmem_shared>> -> memref<8x128xf32, #tpu.memory_space<vmem_shared>>
    tpu.enqueue_dma source(%arg12 : memref<8x128xf32, #tpu.memory_space<vmem>>) target(%dma_start3A_239 : memref<8x128xf32, #tpu.memory_space<vmem_shared>>) target_semaphore(%arg14 : memref<!tpu.dma_semaphore, #tpu.memory_space<semaphore_mem>>)
    %add3A_240 = arith.constant 288 : i32
    %add3A_241 = arith.addi %mul3A_23, %add3A_240 : i32
    %dma_start3A_242 = arith.constant 0 : i32
    %dma_start3A_243 = tpu.memref_slice %arg13[%add3A_241, %dma_start3A_242] : memref<10008x128xf32, #tpu.memory_space<vmem_shared>> -> memref<8x128xf32, #tpu.memory_space<vmem_shared>>
    %dma_start3A_244 = arith.constant 0 : i32
    %dma_start3A_245 = tpu.memref_slice %arg13[%add3A_241, %dma_start3A_244] : memref<10008x128xf32, #tpu.memory_space<vmem_shared>> -> memref<8x128xf32, #tpu.memory_space<vmem_shared>>
    tpu.enqueue_dma source(%arg12 : memref<8x128xf32, #tpu.memory_space<vmem>>) target(%dma_start3A_245 : memref<8x128xf32, #tpu.memory_space<vmem_shared>>) target_semaphore(%arg14 : memref<!tpu.dma_semaphore, #tpu.memory_space<semaphore_mem>>)
    %add3A_246 = arith.constant 296 : i32
    %add3A_247 = arith.addi %mul3A_23, %add3A_246 : i32
    %dma_start3A_248 = arith.constant 0 : i32
    %dma_start3A_249 = tpu.memref_slice %arg13[%add3A_247, %dma_start3A_248] : memref<10008x128xf32, #tpu.memory_space<vmem_shared>> -> memref<8x128xf32, #tpu.memory_space<vmem_shared>>
    %dma_start3A_250 = arith.constant 0 : i32
    %dma_start3A_251 = tpu.memref_slice %arg13[%add3A_247, %dma_start3A_250] : memref<10008x128xf32, #tpu.memory_space<vmem_shared>> -> memref<8x128xf32, #tpu.memory_space<vmem_shared>>
    tpu.enqueue_dma source(%arg12 : memref<8x128xf32, #tpu.memory_space<vmem>>) target(%dma_start3A_251 : memref<8x128xf32, #tpu.memory_space<vmem_shared>>) target_semaphore(%arg14 : memref<!tpu.dma_semaphore, #tpu.memory_space<semaphore_mem>>)
    %add3A_252 = arith.constant 304 : i32
    %add3A_253 = arith.addi %mul3A_23, %add3A_252 : i32
    %dma_start3A_254 = arith.constant 0 : i32
    %dma_start3A_255 = tpu.memref_slice %arg13[%add3A_253, %dma_start3A_254] : memref<10008x128xf32, #tpu.memory_space<vmem_shared>> -> memref<8x128xf32, #tpu.memory_space<vmem_shared>>
    %dma_start3A_256 = arith.constant 0 : i32
    %dma_start3A_257 = tpu.memref_slice %arg13[%add3A_253, %dma_start3A_256] : memref<10008x128xf32, #tpu.memory_space<vmem_shared>> -> memref<8x128xf32, #tpu.memory_space<vmem_shared>>
    tpu.enqueue_dma source(%arg12 : memref<8x128xf32, #tpu.memory_space<vmem>>) target(%dma_start3A_257 : memref<8x128xf32, #tpu.memory_space<vmem_shared>>) target_semaphore(%arg14 : memref<!tpu.dma_semaphore, #tpu.memory_space<semaphore_mem>>)
    %add3A_258 = arith.constant 312 : i32
    %add3A_259 = arith.addi %mul3A_23, %add3A_258 : i32
    %dma_start3A_260 = arith.constant 0 : i32
    %dma_start3A_261 = tpu.memref_slice %arg13[%add3A_259, %dma_start3A_260] : memref<10008x128xf32, #tpu.memory_space<vmem_shared>> -> memref<8x128xf32, #tpu.memory_space<vmem_shared>>
    %dma_start3A_262 = arith.constant 0 : i32
    %dma_start3A_263 = tpu.memref_slice %arg13[%add3A_259, %dma_start3A_262] : memref<10008x128xf32, #tpu.memory_space<vmem_shared>> -> memref<8x128xf32, #tpu.memory_space<vmem_shared>>
    tpu.enqueue_dma source(%arg12 : memref<8x128xf32, #tpu.memory_space<vmem>>) target(%dma_start3A_263 : memref<8x128xf32, #tpu.memory_space<vmem_shared>>) target_semaphore(%arg14 : memref<!tpu.dma_semaphore, #tpu.memory_space<semaphore_mem>>)
    %add3A_264 = arith.constant 320 : i32
    %add3A_265 = arith.addi %mul3A_23, %add3A_264 : i32
    %dma_start3A_266 = arith.constant 0 : i32
    %dma_start3A_267 = tpu.memref_slice %arg13[%add3A_265, %dma_start3A_266] : memref<10008x128xf32, #tpu.memory_space<vmem_shared>> -> memref<8x128xf32, #tpu.memory_space<vmem_shared>>
    %dma_start3A_268 = arith.constant 0 : i32
    %dma_start3A_269 = tpu.memref_slice %arg13[%add3A_265, %dma_start3A_268] : memref<10008x128xf32, #tpu.memory_space<vmem_shared>> -> memref<8x128xf32, #tpu.memory_space<vmem_shared>>
    tpu.enqueue_dma source(%arg12 : memref<8x128xf32, #tpu.memory_space<vmem>>) target(%dma_start3A_269 : memref<8x128xf32, #tpu.memory_space<vmem_shared>>) target_semaphore(%arg14 : memref<!tpu.dma_semaphore, #tpu.memory_space<semaphore_mem>>)
    %add3A_270 = arith.constant 328 : i32
    %add3A_271 = arith.addi %mul3A_23, %add3A_270 : i32
    %dma_start3A_272 = arith.constant 0 : i32
    %dma_start3A_273 = tpu.memref_slice %arg13[%add3A_271, %dma_start3A_272] : memref<10008x128xf32, #tpu.memory_space<vmem_shared>> -> memref<8x128xf32, #tpu.memory_space<vmem_shared>>
    %dma_start3A_274 = arith.constant 0 : i32
    %dma_start3A_275 = tpu.memref_slice %arg13[%add3A_271, %dma_start3A_274] : memref<10008x128xf32, #tpu.memory_space<vmem_shared>> -> memref<8x128xf32, #tpu.memory_space<vmem_shared>>
    tpu.enqueue_dma source(%arg12 : memref<8x128xf32, #tpu.memory_space<vmem>>) target(%dma_start3A_275 : memref<8x128xf32, #tpu.memory_space<vmem_shared>>) target_semaphore(%arg14 : memref<!tpu.dma_semaphore, #tpu.memory_space<semaphore_mem>>)
    %add3A_276 = arith.constant 336 : i32
    %add3A_277 = arith.addi %mul3A_23, %add3A_276 : i32
    %dma_start3A_278 = arith.constant 0 : i32
    %dma_start3A_279 = tpu.memref_slice %arg13[%add3A_277, %dma_start3A_278] : memref<10008x128xf32, #tpu.memory_space<vmem_shared>> -> memref<8x128xf32, #tpu.memory_space<vmem_shared>>
    %dma_start3A_280 = arith.constant 0 : i32
    %dma_start3A_281 = tpu.memref_slice %arg13[%add3A_277, %dma_start3A_280] : memref<10008x128xf32, #tpu.memory_space<vmem_shared>> -> memref<8x128xf32, #tpu.memory_space<vmem_shared>>
    tpu.enqueue_dma source(%arg12 : memref<8x128xf32, #tpu.memory_space<vmem>>) target(%dma_start3A_281 : memref<8x128xf32, #tpu.memory_space<vmem_shared>>) target_semaphore(%arg14 : memref<!tpu.dma_semaphore, #tpu.memory_space<semaphore_mem>>)
    %add3A_282 = arith.constant 344 : i32
    %add3A_283 = arith.addi %mul3A_23, %add3A_282 : i32
    %dma_start3A_284 = arith.constant 0 : i32
    %dma_start3A_285 = tpu.memref_slice %arg13[%add3A_283, %dma_start3A_284] : memref<10008x128xf32, #tpu.memory_space<vmem_shared>> -> memref<8x128xf32, #tpu.memory_space<vmem_shared>>
    %dma_start3A_286 = arith.constant 0 : i32
    %dma_start3A_287 = tpu.memref_slice %arg13[%add3A_283, %dma_start3A_286] : memref<10008x128xf32, #tpu.memory_space<vmem_shared>> -> memref<8x128xf32, #tpu.memory_space<vmem_shared>>
    tpu.enqueue_dma source(%arg12 : memref<8x128xf32, #tpu.memory_space<vmem>>) target(%dma_start3A_287 : memref<8x128xf32, #tpu.memory_space<vmem_shared>>) target_semaphore(%arg14 : memref<!tpu.dma_semaphore, #tpu.memory_space<semaphore_mem>>)
    %add3A_288 = arith.constant 352 : i32
    %add3A_289 = arith.addi %mul3A_23, %add3A_288 : i32
    %dma_start3A_290 = arith.constant 0 : i32
    %dma_start3A_291 = tpu.memref_slice %arg13[%add3A_289, %dma_start3A_290] : memref<10008x128xf32, #tpu.memory_space<vmem_shared>> -> memref<8x128xf32, #tpu.memory_space<vmem_shared>>
    %dma_start3A_292 = arith.constant 0 : i32
    %dma_start3A_293 = tpu.memref_slice %arg13[%add3A_289, %dma_start3A_292] : memref<10008x128xf32, #tpu.memory_space<vmem_shared>> -> memref<8x128xf32, #tpu.memory_space<vmem_shared>>
    tpu.enqueue_dma source(%arg12 : memref<8x128xf32, #tpu.memory_space<vmem>>) target(%dma_start3A_293 : memref<8x128xf32, #tpu.memory_space<vmem_shared>>) target_semaphore(%arg14 : memref<!tpu.dma_semaphore, #tpu.memory_space<semaphore_mem>>)
    %add3A_294 = arith.constant 360 : i32
    %add3A_295 = arith.addi %mul3A_23, %add3A_294 : i32
    %dma_start3A_296 = arith.constant 0 : i32
    %dma_start3A_297 = tpu.memref_slice %arg13[%add3A_295, %dma_start3A_296] : memref<10008x128xf32, #tpu.memory_space<vmem_shared>> -> memref<8x128xf32, #tpu.memory_space<vmem_shared>>
    %dma_start3A_298 = arith.constant 0 : i32
    %dma_start3A_299 = tpu.memref_slice %arg13[%add3A_295, %dma_start3A_298] : memref<10008x128xf32, #tpu.memory_space<vmem_shared>> -> memref<8x128xf32, #tpu.memory_space<vmem_shared>>
    tpu.enqueue_dma source(%arg12 : memref<8x128xf32, #tpu.memory_space<vmem>>) target(%dma_start3A_299 : memref<8x128xf32, #tpu.memory_space<vmem_shared>>) target_semaphore(%arg14 : memref<!tpu.dma_semaphore, #tpu.memory_space<semaphore_mem>>)
    %add3A_300 = arith.constant 368 : i32
    %add3A_301 = arith.addi %mul3A_23, %add3A_300 : i32
    %dma_start3A_302 = arith.constant 0 : i32
    %dma_start3A_303 = tpu.memref_slice %arg13[%add3A_301, %dma_start3A_302] : memref<10008x128xf32, #tpu.memory_space<vmem_shared>> -> memref<8x128xf32, #tpu.memory_space<vmem_shared>>
    %dma_start3A_304 = arith.constant 0 : i32
    %dma_start3A_305 = tpu.memref_slice %arg13[%add3A_301, %dma_start3A_304] : memref<10008x128xf32, #tpu.memory_space<vmem_shared>> -> memref<8x128xf32, #tpu.memory_space<vmem_shared>>
    tpu.enqueue_dma source(%arg12 : memref<8x128xf32, #tpu.memory_space<vmem>>) target(%dma_start3A_305 : memref<8x128xf32, #tpu.memory_space<vmem_shared>>) target_semaphore(%arg14 : memref<!tpu.dma_semaphore, #tpu.memory_space<semaphore_mem>>)
    %add3A_306 = arith.constant 376 : i32
    %add3A_307 = arith.addi %mul3A_23, %add3A_306 : i32
    %dma_start3A_308 = arith.constant 0 : i32
    %dma_start3A_309 = tpu.memref_slice %arg13[%add3A_307, %dma_start3A_308] : memref<10008x128xf32, #tpu.memory_space<vmem_shared>> -> memref<8x128xf32, #tpu.memory_space<vmem_shared>>
    %dma_start3A_310 = arith.constant 0 : i32
    %dma_start3A_311 = tpu.memref_slice %arg13[%add3A_307, %dma_start3A_310] : memref<10008x128xf32, #tpu.memory_space<vmem_shared>> -> memref<8x128xf32, #tpu.memory_space<vmem_shared>>
    tpu.enqueue_dma source(%arg12 : memref<8x128xf32, #tpu.memory_space<vmem>>) target(%dma_start3A_311 : memref<8x128xf32, #tpu.memory_space<vmem_shared>>) target_semaphore(%arg14 : memref<!tpu.dma_semaphore, #tpu.memory_space<semaphore_mem>>)
    %add3A_312 = arith.constant 384 : i32
    %add3A_313 = arith.addi %mul3A_23, %add3A_312 : i32
    %dma_start3A_314 = arith.constant 0 : i32
    %dma_start3A_315 = tpu.memref_slice %arg13[%add3A_313, %dma_start3A_314] : memref<10008x128xf32, #tpu.memory_space<vmem_shared>> -> memref<8x128xf32, #tpu.memory_space<vmem_shared>>
    %dma_start3A_316 = arith.constant 0 : i32
    %dma_start3A_317 = tpu.memref_slice %arg13[%add3A_313, %dma_start3A_316] : memref<10008x128xf32, #tpu.memory_space<vmem_shared>> -> memref<8x128xf32, #tpu.memory_space<vmem_shared>>
    tpu.enqueue_dma source(%arg12 : memref<8x128xf32, #tpu.memory_space<vmem>>) target(%dma_start3A_317 : memref<8x128xf32, #tpu.memory_space<vmem_shared>>) target_semaphore(%arg14 : memref<!tpu.dma_semaphore, #tpu.memory_space<semaphore_mem>>)
    %add3A_318 = arith.constant 392 : i32
    %add3A_319 = arith.addi %mul3A_23, %add3A_318 : i32
    %dma_start3A_320 = arith.constant 0 : i32
    %dma_start3A_321 = tpu.memref_slice %arg13[%add3A_319, %dma_start3A_320] : memref<10008x128xf32, #tpu.memory_space<vmem_shared>> -> memref<8x128xf32, #tpu.memory_space<vmem_shared>>
    %dma_start3A_322 = arith.constant 0 : i32
    %dma_start3A_323 = tpu.memref_slice %arg13[%add3A_319, %dma_start3A_322] : memref<10008x128xf32, #tpu.memory_space<vmem_shared>> -> memref<8x128xf32, #tpu.memory_space<vmem_shared>>
    tpu.enqueue_dma source(%arg12 : memref<8x128xf32, #tpu.memory_space<vmem>>) target(%dma_start3A_323 : memref<8x128xf32, #tpu.memory_space<vmem_shared>>) target_semaphore(%arg14 : memref<!tpu.dma_semaphore, #tpu.memory_space<semaphore_mem>>)
    %add3A_324 = arith.constant 400 : i32
    %add3A_325 = arith.addi %mul3A_23, %add3A_324 : i32
    %dma_start3A_326 = arith.constant 0 : i32
    %dma_start3A_327 = tpu.memref_slice %arg13[%add3A_325, %dma_start3A_326] : memref<10008x128xf32, #tpu.memory_space<vmem_shared>> -> memref<8x128xf32, #tpu.memory_space<vmem_shared>>
    %dma_start3A_328 = arith.constant 0 : i32
    %dma_start3A_329 = tpu.memref_slice %arg13[%add3A_325, %dma_start3A_328] : memref<10008x128xf32, #tpu.memory_space<vmem_shared>> -> memref<8x128xf32, #tpu.memory_space<vmem_shared>>
    tpu.enqueue_dma source(%arg12 : memref<8x128xf32, #tpu.memory_space<vmem>>) target(%dma_start3A_329 : memref<8x128xf32, #tpu.memory_space<vmem_shared>>) target_semaphore(%arg14 : memref<!tpu.dma_semaphore, #tpu.memory_space<semaphore_mem>>)
    %add3A_330 = arith.constant 408 : i32
    %add3A_331 = arith.addi %mul3A_23, %add3A_330 : i32
    %dma_start3A_332 = arith.constant 0 : i32
    %dma_start3A_333 = tpu.memref_slice %arg13[%add3A_331, %dma_start3A_332] : memref<10008x128xf32, #tpu.memory_space<vmem_shared>> -> memref<8x128xf32, #tpu.memory_space<vmem_shared>>
    %dma_start3A_334 = arith.constant 0 : i32
    %dma_start3A_335 = tpu.memref_slice %arg13[%add3A_331, %dma_start3A_334] : memref<10008x128xf32, #tpu.memory_space<vmem_shared>> -> memref<8x128xf32, #tpu.memory_space<vmem_shared>>
    tpu.enqueue_dma source(%arg12 : memref<8x128xf32, #tpu.memory_space<vmem>>) target(%dma_start3A_335 : memref<8x128xf32, #tpu.memory_space<vmem_shared>>) target_semaphore(%arg14 : memref<!tpu.dma_semaphore, #tpu.memory_space<semaphore_mem>>)
    %add3A_336 = arith.constant 416 : i32
    %add3A_337 = arith.addi %mul3A_23, %add3A_336 : i32
    %dma_start3A_338 = arith.constant 0 : i32
    %dma_start3A_339 = tpu.memref_slice %arg13[%add3A_337, %dma_start3A_338] : memref<10008x128xf32, #tpu.memory_space<vmem_shared>> -> memref<8x128xf32, #tpu.memory_space<vmem_shared>>
    %dma_start3A_340 = arith.constant 0 : i32
    %dma_start3A_341 = tpu.memref_slice %arg13[%add3A_337, %dma_start3A_340] : memref<10008x128xf32, #tpu.memory_space<vmem_shared>> -> memref<8x128xf32, #tpu.memory_space<vmem_shared>>
    tpu.enqueue_dma source(%arg12 : memref<8x128xf32, #tpu.memory_space<vmem>>) target(%dma_start3A_341 : memref<8x128xf32, #tpu.memory_space<vmem_shared>>) target_semaphore(%arg14 : memref<!tpu.dma_semaphore, #tpu.memory_space<semaphore_mem>>)
    %add3A_342 = arith.constant 424 : i32
    %add3A_343 = arith.addi %mul3A_23, %add3A_342 : i32
    %dma_start3A_344 = arith.constant 0 : i32
    %dma_start3A_345 = tpu.memref_slice %arg13[%add3A_343, %dma_start3A_344] : memref<10008x128xf32, #tpu.memory_space<vmem_shared>> -> memref<8x128xf32, #tpu.memory_space<vmem_shared>>
    %dma_start3A_346 = arith.constant 0 : i32
    %dma_start3A_347 = tpu.memref_slice %arg13[%add3A_343, %dma_start3A_346] : memref<10008x128xf32, #tpu.memory_space<vmem_shared>> -> memref<8x128xf32, #tpu.memory_space<vmem_shared>>
    tpu.enqueue_dma source(%arg12 : memref<8x128xf32, #tpu.memory_space<vmem>>) target(%dma_start3A_347 : memref<8x128xf32, #tpu.memory_space<vmem_shared>>) target_semaphore(%arg14 : memref<!tpu.dma_semaphore, #tpu.memory_space<semaphore_mem>>)
    %add3A_348 = arith.constant 432 : i32
    %add3A_349 = arith.addi %mul3A_23, %add3A_348 : i32
    %dma_start3A_350 = arith.constant 0 : i32
    %dma_start3A_351 = tpu.memref_slice %arg13[%add3A_349, %dma_start3A_350] : memref<10008x128xf32, #tpu.memory_space<vmem_shared>> -> memref<8x128xf32, #tpu.memory_space<vmem_shared>>
    %dma_start3A_352 = arith.constant 0 : i32
    %dma_start3A_353 = tpu.memref_slice %arg13[%add3A_349, %dma_start3A_352] : memref<10008x128xf32, #tpu.memory_space<vmem_shared>> -> memref<8x128xf32, #tpu.memory_space<vmem_shared>>
    tpu.enqueue_dma source(%arg12 : memref<8x128xf32, #tpu.memory_space<vmem>>) target(%dma_start3A_353 : memref<8x128xf32, #tpu.memory_space<vmem_shared>>) target_semaphore(%arg14 : memref<!tpu.dma_semaphore, #tpu.memory_space<semaphore_mem>>)
    %add3A_354 = arith.constant 440 : i32
    %add3A_355 = arith.addi %mul3A_23, %add3A_354 : i32
    %dma_start3A_356 = arith.constant 0 : i32
    %dma_start3A_357 = tpu.memref_slice %arg13[%add3A_355, %dma_start3A_356] : memref<10008x128xf32, #tpu.memory_space<vmem_shared>> -> memref<8x128xf32, #tpu.memory_space<vmem_shared>>
    %dma_start3A_358 = arith.constant 0 : i32
    %dma_start3A_359 = tpu.memref_slice %arg13[%add3A_355, %dma_start3A_358] : memref<10008x128xf32, #tpu.memory_space<vmem_shared>> -> memref<8x128xf32, #tpu.memory_space<vmem_shared>>
    tpu.enqueue_dma source(%arg12 : memref<8x128xf32, #tpu.memory_space<vmem>>) target(%dma_start3A_359 : memref<8x128xf32, #tpu.memory_space<vmem_shared>>) target_semaphore(%arg14 : memref<!tpu.dma_semaphore, #tpu.memory_space<semaphore_mem>>)
    %add3A_360 = arith.constant 448 : i32
    %add3A_361 = arith.addi %mul3A_23, %add3A_360 : i32
    %dma_start3A_362 = arith.constant 0 : i32
    %dma_start3A_363 = tpu.memref_slice %arg13[%add3A_361, %dma_start3A_362] : memref<10008x128xf32, #tpu.memory_space<vmem_shared>> -> memref<8x128xf32, #tpu.memory_space<vmem_shared>>
    %dma_start3A_364 = arith.constant 0 : i32
    %dma_start3A_365 = tpu.memref_slice %arg13[%add3A_361, %dma_start3A_364] : memref<10008x128xf32, #tpu.memory_space<vmem_shared>> -> memref<8x128xf32, #tpu.memory_space<vmem_shared>>
    tpu.enqueue_dma source(%arg12 : memref<8x128xf32, #tpu.memory_space<vmem>>) target(%dma_start3A_365 : memref<8x128xf32, #tpu.memory_space<vmem_shared>>) target_semaphore(%arg14 : memref<!tpu.dma_semaphore, #tpu.memory_space<semaphore_mem>>)
    %add3A_366 = arith.constant 456 : i32
    %add3A_367 = arith.addi %mul3A_23, %add3A_366 : i32
    %dma_start3A_368 = arith.constant 0 : i32
    %dma_start3A_369 = tpu.memref_slice %arg13[%add3A_367, %dma_start3A_368] : memref<10008x128xf32, #tpu.memory_space<vmem_shared>> -> memref<8x128xf32, #tpu.memory_space<vmem_shared>>
    %dma_start3A_370 = arith.constant 0 : i32
    %dma_start3A_371 = tpu.memref_slice %arg13[%add3A_367, %dma_start3A_370] : memref<10008x128xf32, #tpu.memory_space<vmem_shared>> -> memref<8x128xf32, #tpu.memory_space<vmem_shared>>
    tpu.enqueue_dma source(%arg12 : memref<8x128xf32, #tpu.memory_space<vmem>>) target(%dma_start3A_371 : memref<8x128xf32, #tpu.memory_space<vmem_shared>>) target_semaphore(%arg14 : memref<!tpu.dma_semaphore, #tpu.memory_space<semaphore_mem>>)
    %add3A_372 = arith.constant 464 : i32
    %add3A_373 = arith.addi %mul3A_23, %add3A_372 : i32
    %dma_start3A_374 = arith.constant 0 : i32
    %dma_start3A_375 = tpu.memref_slice %arg13[%add3A_373, %dma_start3A_374] : memref<10008x128xf32, #tpu.memory_space<vmem_shared>> -> memref<8x128xf32, #tpu.memory_space<vmem_shared>>
    %dma_start3A_376 = arith.constant 0 : i32
    %dma_start3A_377 = tpu.memref_slice %arg13[%add3A_373, %dma_start3A_376] : memref<10008x128xf32, #tpu.memory_space<vmem_shared>> -> memref<8x128xf32, #tpu.memory_space<vmem_shared>>
    tpu.enqueue_dma source(%arg12 : memref<8x128xf32, #tpu.memory_space<vmem>>) target(%dma_start3A_377 : memref<8x128xf32, #tpu.memory_space<vmem_shared>>) target_semaphore(%arg14 : memref<!tpu.dma_semaphore, #tpu.memory_space<semaphore_mem>>)
    %add3A_378 = arith.constant 472 : i32
    %add3A_379 = arith.addi %mul3A_23, %add3A_378 : i32
    %dma_start3A_380 = arith.constant 0 : i32
    %dma_start3A_381 = tpu.memref_slice %arg13[%add3A_379, %dma_start3A_380] : memref<10008x128xf32, #tpu.memory_space<vmem_shared>> -> memref<8x128xf32, #tpu.memory_space<vmem_shared>>
    %dma_start3A_382 = arith.constant 0 : i32
    %dma_start3A_383 = tpu.memref_slice %arg13[%add3A_379, %dma_start3A_382] : memref<10008x128xf32, #tpu.memory_space<vmem_shared>> -> memref<8x128xf32, #tpu.memory_space<vmem_shared>>
    tpu.enqueue_dma source(%arg12 : memref<8x128xf32, #tpu.memory_space<vmem>>) target(%dma_start3A_383 : memref<8x128xf32, #tpu.memory_space<vmem_shared>>) target_semaphore(%arg14 : memref<!tpu.dma_semaphore, #tpu.memory_space<semaphore_mem>>)
    %add3A_384 = arith.constant 480 : i32
    %add3A_385 = arith.addi %mul3A_23, %add3A_384 : i32
    %dma_start3A_386 = arith.constant 0 : i32
    %dma_start3A_387 = tpu.memref_slice %arg13[%add3A_385, %dma_start3A_386] : memref<10008x128xf32, #tpu.memory_space<vmem_shared>> -> memref<8x128xf32, #tpu.memory_space<vmem_shared>>
    %dma_start3A_388 = arith.constant 0 : i32
    %dma_start3A_389 = tpu.memref_slice %arg13[%add3A_385, %dma_start3A_388] : memref<10008x128xf32, #tpu.memory_space<vmem_shared>> -> memref<8x128xf32, #tpu.memory_space<vmem_shared>>
    tpu.enqueue_dma source(%arg12 : memref<8x128xf32, #tpu.memory_space<vmem>>) target(%dma_start3A_389 : memref<8x128xf32, #tpu.memory_space<vmem_shared>>) target_semaphore(%arg14 : memref<!tpu.dma_semaphore, #tpu.memory_space<semaphore_mem>>)
    %add3A_390 = arith.constant 488 : i32
    %add3A_391 = arith.addi %mul3A_23, %add3A_390 : i32
    %dma_start3A_392 = arith.constant 0 : i32
    %dma_start3A_393 = tpu.memref_slice %arg13[%add3A_391, %dma_start3A_392] : memref<10008x128xf32, #tpu.memory_space<vmem_shared>> -> memref<8x128xf32, #tpu.memory_space<vmem_shared>>
    %dma_start3A_394 = arith.constant 0 : i32
    %dma_start3A_395 = tpu.memref_slice %arg13[%add3A_391, %dma_start3A_394] : memref<10008x128xf32, #tpu.memory_space<vmem_shared>> -> memref<8x128xf32, #tpu.memory_space<vmem_shared>>
    tpu.enqueue_dma source(%arg12 : memref<8x128xf32, #tpu.memory_space<vmem>>) target(%dma_start3A_395 : memref<8x128xf32, #tpu.memory_space<vmem_shared>>) target_semaphore(%arg14 : memref<!tpu.dma_semaphore, #tpu.memory_space<semaphore_mem>>)
    %add3A_396 = arith.constant 496 : i32
    %add3A_397 = arith.addi %mul3A_23, %add3A_396 : i32
    %dma_start3A_398 = arith.constant 0 : i32
    %dma_start3A_399 = tpu.memref_slice %arg13[%add3A_397, %dma_start3A_398] : memref<10008x128xf32, #tpu.memory_space<vmem_shared>> -> memref<8x128xf32, #tpu.memory_space<vmem_shared>>
    %dma_start3A_400 = arith.constant 0 : i32
    %dma_start3A_401 = tpu.memref_slice %arg13[%add3A_397, %dma_start3A_400] : memref<10008x128xf32, #tpu.memory_space<vmem_shared>> -> memref<8x128xf32, #tpu.memory_space<vmem_shared>>
    tpu.enqueue_dma source(%arg12 : memref<8x128xf32, #tpu.memory_space<vmem>>) target(%dma_start3A_401 : memref<8x128xf32, #tpu.memory_space<vmem_shared>>) target_semaphore(%arg14 : memref<!tpu.dma_semaphore, #tpu.memory_space<semaphore_mem>>)
    %add3A_402 = arith.constant 504 : i32
    %add3A_403 = arith.addi %mul3A_23, %add3A_402 : i32
    %dma_start3A_404 = arith.constant 0 : i32
    %dma_start3A_405 = tpu.memref_slice %arg13[%add3A_403, %dma_start3A_404] : memref<10008x128xf32, #tpu.memory_space<vmem_shared>> -> memref<8x128xf32, #tpu.memory_space<vmem_shared>>
    %dma_start3A_406 = arith.constant 0 : i32
    %dma_start3A_407 = tpu.memref_slice %arg13[%add3A_403, %dma_start3A_406] : memref<10008x128xf32, #tpu.memory_space<vmem_shared>> -> memref<8x128xf32, #tpu.memory_space<vmem_shared>>
    tpu.enqueue_dma source(%arg12 : memref<8x128xf32, #tpu.memory_space<vmem>>) target(%dma_start3A_407 : memref<8x128xf32, #tpu.memory_space<vmem_shared>>) target_semaphore(%arg14 : memref<!tpu.dma_semaphore, #tpu.memory_space<semaphore_mem>>)
    %add3A_408 = arith.constant 512 : i32
    %add3A_409 = arith.addi %mul3A_23, %add3A_408 : i32
    %dma_start3A_410 = arith.constant 0 : i32
    %dma_start3A_411 = tpu.memref_slice %arg13[%add3A_409, %dma_start3A_410] : memref<10008x128xf32, #tpu.memory_space<vmem_shared>> -> memref<8x128xf32, #tpu.memory_space<vmem_shared>>
    %dma_start3A_412 = arith.constant 0 : i32
    %dma_start3A_413 = tpu.memref_slice %arg13[%add3A_409, %dma_start3A_412] : memref<10008x128xf32, #tpu.memory_space<vmem_shared>> -> memref<8x128xf32, #tpu.memory_space<vmem_shared>>
    tpu.enqueue_dma source(%arg12 : memref<8x128xf32, #tpu.memory_space<vmem>>) target(%dma_start3A_413 : memref<8x128xf32, #tpu.memory_space<vmem_shared>>) target_semaphore(%arg14 : memref<!tpu.dma_semaphore, #tpu.memory_space<semaphore_mem>>)
    %add3A_414 = arith.constant 520 : i32
    %add3A_415 = arith.addi %mul3A_23, %add3A_414 : i32
    %dma_start3A_416 = arith.constant 0 : i32
    %dma_start3A_417 = tpu.memref_slice %arg13[%add3A_415, %dma_start3A_416] : memref<10008x128xf32, #tpu.memory_space<vmem_shared>> -> memref<8x128xf32, #tpu.memory_space<vmem_shared>>
    %dma_start3A_418 = arith.constant 0 : i32
    %dma_start3A_419 = tpu.memref_slice %arg13[%add3A_415, %dma_start3A_418] : memref<10008x128xf32, #tpu.memory_space<vmem_shared>> -> memref<8x128xf32, #tpu.memory_space<vmem_shared>>
    tpu.enqueue_dma source(%arg12 : memref<8x128xf32, #tpu.memory_space<vmem>>) target(%dma_start3A_419 : memref<8x128xf32, #tpu.memory_space<vmem_shared>>) target_semaphore(%arg14 : memref<!tpu.dma_semaphore, #tpu.memory_space<semaphore_mem>>)
    %add3A_420 = arith.constant 528 : i32
    %add3A_421 = arith.addi %mul3A_23, %add3A_420 : i32
    %dma_start3A_422 = arith.constant 0 : i32
    %dma_start3A_423 = tpu.memref_slice %arg13[%add3A_421, %dma_start3A_422] : memref<10008x128xf32, #tpu.memory_space<vmem_shared>> -> memref<8x128xf32, #tpu.memory_space<vmem_shared>>
    %dma_start3A_424 = arith.constant 0 : i32
    %dma_start3A_425 = tpu.memref_slice %arg13[%add3A_421, %dma_start3A_424] : memref<10008x128xf32, #tpu.memory_space<vmem_shared>> -> memref<8x128xf32, #tpu.memory_space<vmem_shared>>
    tpu.enqueue_dma source(%arg12 : memref<8x128xf32, #tpu.memory_space<vmem>>) target(%dma_start3A_425 : memref<8x128xf32, #tpu.memory_space<vmem_shared>>) target_semaphore(%arg14 : memref<!tpu.dma_semaphore, #tpu.memory_space<semaphore_mem>>)
    %add3A_426 = arith.constant 536 : i32
    %add3A_427 = arith.addi %mul3A_23, %add3A_426 : i32
    %dma_start3A_428 = arith.constant 0 : i32
    %dma_start3A_429 = tpu.memref_slice %arg13[%add3A_427, %dma_start3A_428] : memref<10008x128xf32, #tpu.memory_space<vmem_shared>> -> memref<8x128xf32, #tpu.memory_space<vmem_shared>>
    %dma_start3A_430 = arith.constant 0 : i32
    %dma_start3A_431 = tpu.memref_slice %arg13[%add3A_427, %dma_start3A_430] : memref<10008x128xf32, #tpu.memory_space<vmem_shared>> -> memref<8x128xf32, #tpu.memory_space<vmem_shared>>
    tpu.enqueue_dma source(%arg12 : memref<8x128xf32, #tpu.memory_space<vmem>>) target(%dma_start3A_431 : memref<8x128xf32, #tpu.memory_space<vmem_shared>>) target_semaphore(%arg14 : memref<!tpu.dma_semaphore, #tpu.memory_space<semaphore_mem>>)
    %add3A_432 = arith.constant 544 : i32
    %add3A_433 = arith.addi %mul3A_23, %add3A_432 : i32
    %dma_start3A_434 = arith.constant 0 : i32
    %dma_start3A_435 = tpu.memref_slice %arg13[%add3A_433, %dma_start3A_434] : memref<10008x128xf32, #tpu.memory_space<vmem_shared>> -> memref<8x128xf32, #tpu.memory_space<vmem_shared>>
    %dma_start3A_436 = arith.constant 0 : i32
    %dma_start3A_437 = tpu.memref_slice %arg13[%add3A_433, %dma_start3A_436] : memref<10008x128xf32, #tpu.memory_space<vmem_shared>> -> memref<8x128xf32, #tpu.memory_space<vmem_shared>>
    tpu.enqueue_dma source(%arg12 : memref<8x128xf32, #tpu.memory_space<vmem>>) target(%dma_start3A_437 : memref<8x128xf32, #tpu.memory_space<vmem_shared>>) target_semaphore(%arg14 : memref<!tpu.dma_semaphore, #tpu.memory_space<semaphore_mem>>)
    %add3A_438 = arith.constant 552 : i32
    %add3A_439 = arith.addi %mul3A_23, %add3A_438 : i32
    %dma_start3A_440 = arith.constant 0 : i32
    %dma_start3A_441 = tpu.memref_slice %arg13[%add3A_439, %dma_start3A_440] : memref<10008x128xf32, #tpu.memory_space<vmem_shared>> -> memref<8x128xf32, #tpu.memory_space<vmem_shared>>
    %dma_start3A_442 = arith.constant 0 : i32
    %dma_start3A_443 = tpu.memref_slice %arg13[%add3A_439, %dma_start3A_442] : memref<10008x128xf32, #tpu.memory_space<vmem_shared>> -> memref<8x128xf32, #tpu.memory_space<vmem_shared>>
    tpu.enqueue_dma source(%arg12 : memref<8x128xf32, #tpu.memory_space<vmem>>) target(%dma_start3A_443 : memref<8x128xf32, #tpu.memory_space<vmem_shared>>) target_semaphore(%arg14 : memref<!tpu.dma_semaphore, #tpu.memory_space<semaphore_mem>>)
    %add3A_444 = arith.constant 560 : i32
    %add3A_445 = arith.addi %mul3A_23, %add3A_444 : i32
    %dma_start3A_446 = arith.constant 0 : i32
    %dma_start3A_447 = tpu.memref_slice %arg13[%add3A_445, %dma_start3A_446] : memref<10008x128xf32, #tpu.memory_space<vmem_shared>> -> memref<8x128xf32, #tpu.memory_space<vmem_shared>>
    %dma_start3A_448 = arith.constant 0 : i32
    %dma_start3A_449 = tpu.memref_slice %arg13[%add3A_445, %dma_start3A_448] : memref<10008x128xf32, #tpu.memory_space<vmem_shared>> -> memref<8x128xf32, #tpu.memory_space<vmem_shared>>
    tpu.enqueue_dma source(%arg12 : memref<8x128xf32, #tpu.memory_space<vmem>>) target(%dma_start3A_449 : memref<8x128xf32, #tpu.memory_space<vmem_shared>>) target_semaphore(%arg14 : memref<!tpu.dma_semaphore, #tpu.memory_space<semaphore_mem>>)
    %add3A_450 = arith.constant 568 : i32
    %add3A_451 = arith.addi %mul3A_23, %add3A_450 : i32
    %dma_start3A_452 = arith.constant 0 : i32
    %dma_start3A_453 = tpu.memref_slice %arg13[%add3A_451, %dma_start3A_452] : memref<10008x128xf32, #tpu.memory_space<vmem_shared>> -> memref<8x128xf32, #tpu.memory_space<vmem_shared>>
    %dma_start3A_454 = arith.constant 0 : i32
    %dma_start3A_455 = tpu.memref_slice %arg13[%add3A_451, %dma_start3A_454] : memref<10008x128xf32, #tpu.memory_space<vmem_shared>> -> memref<8x128xf32, #tpu.memory_space<vmem_shared>>
    tpu.enqueue_dma source(%arg12 : memref<8x128xf32, #tpu.memory_space<vmem>>) target(%dma_start3A_455 : memref<8x128xf32, #tpu.memory_space<vmem_shared>>) target_semaphore(%arg14 : memref<!tpu.dma_semaphore, #tpu.memory_space<semaphore_mem>>)
    %add3A_456 = arith.constant 576 : i32
    %add3A_457 = arith.addi %mul3A_23, %add3A_456 : i32
    %dma_start3A_458 = arith.constant 0 : i32
    %dma_start3A_459 = tpu.memref_slice %arg13[%add3A_457, %dma_start3A_458] : memref<10008x128xf32, #tpu.memory_space<vmem_shared>> -> memref<8x128xf32, #tpu.memory_space<vmem_shared>>
    %dma_start3A_460 = arith.constant 0 : i32
    %dma_start3A_461 = tpu.memref_slice %arg13[%add3A_457, %dma_start3A_460] : memref<10008x128xf32, #tpu.memory_space<vmem_shared>> -> memref<8x128xf32, #tpu.memory_space<vmem_shared>>
    tpu.enqueue_dma source(%arg12 : memref<8x128xf32, #tpu.memory_space<vmem>>) target(%dma_start3A_461 : memref<8x128xf32, #tpu.memory_space<vmem_shared>>) target_semaphore(%arg14 : memref<!tpu.dma_semaphore, #tpu.memory_space<semaphore_mem>>)
    %add3A_462 = arith.constant 584 : i32
    %add3A_463 = arith.addi %mul3A_23, %add3A_462 : i32
    %dma_start3A_464 = arith.constant 0 : i32
    %dma_start3A_465 = tpu.memref_slice %arg13[%add3A_463, %dma_start3A_464] : memref<10008x128xf32, #tpu.memory_space<vmem_shared>> -> memref<8x128xf32, #tpu.memory_space<vmem_shared>>
    %dma_start3A_466 = arith.constant 0 : i32
    %dma_start3A_467 = tpu.memref_slice %arg13[%add3A_463, %dma_start3A_466] : memref<10008x128xf32, #tpu.memory_space<vmem_shared>> -> memref<8x128xf32, #tpu.memory_space<vmem_shared>>
    tpu.enqueue_dma source(%arg12 : memref<8x128xf32, #tpu.memory_space<vmem>>) target(%dma_start3A_467 : memref<8x128xf32, #tpu.memory_space<vmem_shared>>) target_semaphore(%arg14 : memref<!tpu.dma_semaphore, #tpu.memory_space<semaphore_mem>>)
    %add3A_468 = arith.constant 592 : i32
    %add3A_469 = arith.addi %mul3A_23, %add3A_468 : i32
    %dma_start3A_470 = arith.constant 0 : i32
    %dma_start3A_471 = tpu.memref_slice %arg13[%add3A_469, %dma_start3A_470] : memref<10008x128xf32, #tpu.memory_space<vmem_shared>> -> memref<8x128xf32, #tpu.memory_space<vmem_shared>>
    %dma_start3A_472 = arith.constant 0 : i32
    %dma_start3A_473 = tpu.memref_slice %arg13[%add3A_469, %dma_start3A_472] : memref<10008x128xf32, #tpu.memory_space<vmem_shared>> -> memref<8x128xf32, #tpu.memory_space<vmem_shared>>
    tpu.enqueue_dma source(%arg12 : memref<8x128xf32, #tpu.memory_space<vmem>>) target(%dma_start3A_473 : memref<8x128xf32, #tpu.memory_space<vmem_shared>>) target_semaphore(%arg14 : memref<!tpu.dma_semaphore, #tpu.memory_space<semaphore_mem>>)
    %add3A_474 = arith.constant 600 : i32
    %add3A_475 = arith.addi %mul3A_23, %add3A_474 : i32
    %dma_start3A_476 = arith.constant 0 : i32
    %dma_start3A_477 = tpu.memref_slice %arg13[%add3A_475, %dma_start3A_476] : memref<10008x128xf32, #tpu.memory_space<vmem_shared>> -> memref<8x128xf32, #tpu.memory_space<vmem_shared>>
    %dma_start3A_478 = arith.constant 0 : i32
    %dma_start3A_479 = tpu.memref_slice %arg13[%add3A_475, %dma_start3A_478] : memref<10008x128xf32, #tpu.memory_space<vmem_shared>> -> memref<8x128xf32, #tpu.memory_space<vmem_shared>>
    tpu.enqueue_dma source(%arg12 : memref<8x128xf32, #tpu.memory_space<vmem>>) target(%dma_start3A_479 : memref<8x128xf32, #tpu.memory_space<vmem_shared>>) target_semaphore(%arg14 : memref<!tpu.dma_semaphore, #tpu.memory_space<semaphore_mem>>)
    %add3A_480 = arith.constant 608 : i32
    %add3A_481 = arith.addi %mul3A_23, %add3A_480 : i32
    %dma_start3A_482 = arith.constant 0 : i32
    %dma_start3A_483 = tpu.memref_slice %arg13[%add3A_481, %dma_start3A_482] : memref<10008x128xf32, #tpu.memory_space<vmem_shared>> -> memref<8x128xf32, #tpu.memory_space<vmem_shared>>
    %dma_start3A_484 = arith.constant 0 : i32
    %dma_start3A_485 = tpu.memref_slice %arg13[%add3A_481, %dma_start3A_484] : memref<10008x128xf32, #tpu.memory_space<vmem_shared>> -> memref<8x128xf32, #tpu.memory_space<vmem_shared>>
    tpu.enqueue_dma source(%arg12 : memref<8x128xf32, #tpu.memory_space<vmem>>) target(%dma_start3A_485 : memref<8x128xf32, #tpu.memory_space<vmem_shared>>) target_semaphore(%arg14 : memref<!tpu.dma_semaphore, #tpu.memory_space<semaphore_mem>>)
    %add3A_486 = arith.constant 616 : i32
    %add3A_487 = arith.addi %mul3A_23, %add3A_486 : i32
    %dma_start3A_488 = arith.constant 0 : i32
    %dma_start3A_489 = tpu.memref_slice %arg13[%add3A_487, %dma_start3A_488] : memref<10008x128xf32, #tpu.memory_space<vmem_shared>> -> memref<8x128xf32, #tpu.memory_space<vmem_shared>>
    %dma_start3A_490 = arith.constant 0 : i32
    %dma_start3A_491 = tpu.memref_slice %arg13[%add3A_487, %dma_start3A_490] : memref<10008x128xf32, #tpu.memory_space<vmem_shared>> -> memref<8x128xf32, #tpu.memory_space<vmem_shared>>
    tpu.enqueue_dma source(%arg12 : memref<8x128xf32, #tpu.memory_space<vmem>>) target(%dma_start3A_491 : memref<8x128xf32, #tpu.memory_space<vmem_shared>>) target_semaphore(%arg14 : memref<!tpu.dma_semaphore, #tpu.memory_space<semaphore_mem>>)
    %eq3A = arith.constant 15 : i32
    %eq3A_492 = arith.cmpi eq, %arg1, %eq3A : i32
    %convert_element_type3A = arith.extui %eq3A_492 : i1 to i32
    %cond3A = arith.constant 0 : i32
    %cond3A_493 = arith.cmpi ne, %convert_element_type3A, %cond3A : i32
    scf.if %cond3A_493 {
      %add3A_1039 = arith.constant 624 : i32
      %add3A_1040 = arith.addi %mul3A_23, %add3A_1039 : i32
      %dma_start3A_1041 = arith.constant 0 : i32
      %dma_start3A_1042 = tpu.memref_slice %arg13[%add3A_1040, %dma_start3A_1041] : memref<10008x128xf32, #tpu.memory_space<vmem_shared>> -> memref<8x128xf32, #tpu.memory_space<vmem_shared>>
      %dma_start3A_1043 = arith.constant 0 : i32
      %dma_start3A_1044 = tpu.memref_slice %arg13[%add3A_1040, %dma_start3A_1043] : memref<10008x128xf32, #tpu.memory_space<vmem_shared>> -> memref<8x128xf32, #tpu.memory_space<vmem_shared>>
      tpu.enqueue_dma source(%arg12 : memref<8x128xf32, #tpu.memory_space<vmem>>) target(%dma_start3A_1044 : memref<8x128xf32, #tpu.memory_space<vmem_shared>>) target_semaphore(%arg14 : memref<!tpu.dma_semaphore, #tpu.memory_space<semaphore_mem>>)
      %add3A_1045 = arith.constant 624 : i32
      %add3A_1046 = arith.addi %mul3A_23, %add3A_1045 : i32
      %add3A_1047 = arith.constant 8 : i32
      %add3A_1048 = arith.addi %add3A_1046, %add3A_1047 : i32
      %dma_start3A_1049 = arith.constant 0 : i32
      %dma_start3A_1050 = tpu.memref_slice %arg13[%add3A_1048, %dma_start3A_1049] : memref<10008x128xf32, #tpu.memory_space<vmem_shared>> -> memref<8x128xf32, #tpu.memory_space<vmem_shared>>
      %dma_start3A_1051 = arith.constant 0 : i32
      %dma_start3A_1052 = tpu.memref_slice %arg13[%add3A_1048, %dma_start3A_1051] : memref<10008x128xf32, #tpu.memory_space<vmem_shared>> -> memref<8x128xf32, #tpu.memory_space<vmem_shared>>
      tpu.enqueue_dma source(%arg12 : memref<8x128xf32, #tpu.memory_space<vmem>>) target(%dma_start3A_1052 : memref<8x128xf32, #tpu.memory_space<vmem_shared>>) target_semaphore(%arg14 : memref<!tpu.dma_semaphore, #tpu.memory_space<semaphore_mem>>)
      %dma_wait3A_1053 = arith.constant 0 : i32
      %dma_wait3A_1054 = tpu.memref_slice %arg13[%add3A_1040, %dma_wait3A_1053] : memref<10008x128xf32, #tpu.memory_space<vmem_shared>> -> memref<8x128xf32, #tpu.memory_space<vmem_shared>>
      %dma_wait3A_1055 = arith.constant 0 : i32
      %dma_wait3A_1056 = tpu.memref_slice %arg13[%add3A_1040, %dma_wait3A_1055] : memref<10008x128xf32, #tpu.memory_space<vmem_shared>> -> memref<8x128xf32, #tpu.memory_space<vmem_shared>>
      tpu.wait_dma2 semaphore(%arg14 : memref<!tpu.dma_semaphore, #tpu.memory_space<semaphore_mem>>) src(%arg12 : memref<8x128xf32, #tpu.memory_space<vmem>>) dst(%dma_wait3A_1056 : memref<8x128xf32, #tpu.memory_space<vmem_shared>>)
      %dma_wait3A_1057 = arith.constant 0 : i32
      %dma_wait3A_1058 = tpu.memref_slice %arg13[%add3A_1048, %dma_wait3A_1057] : memref<10008x128xf32, #tpu.memory_space<vmem_shared>> -> memref<8x128xf32, #tpu.memory_space<vmem_shared>>
      %dma_wait3A_1059 = arith.constant 0 : i32
      %dma_wait3A_1060 = tpu.memref_slice %arg13[%add3A_1048, %dma_wait3A_1059] : memref<10008x128xf32, #tpu.memory_space<vmem_shared>> -> memref<8x128xf32, #tpu.memory_space<vmem_shared>>
      tpu.wait_dma2 semaphore(%arg14 : memref<!tpu.dma_semaphore, #tpu.memory_space<semaphore_mem>>) src(%arg12 : memref<8x128xf32, #tpu.memory_space<vmem>>) dst(%dma_wait3A_1060 : memref<8x128xf32, #tpu.memory_space<vmem_shared>>)
    } else {
    }
    %dma_wait3A = arith.constant 0 : i32
    %dma_wait3A_494 = tpu.memref_slice %arg13[%add3A_25, %dma_wait3A] : memref<10008x128xf32, #tpu.memory_space<vmem_shared>> -> memref<8x128xf32, #tpu.memory_space<vmem_shared>>
    %dma_wait3A_495 = arith.constant 0 : i32
    %dma_wait3A_496 = tpu.memref_slice %arg13[%add3A_25, %dma_wait3A_495] : memref<10008x128xf32, #tpu.memory_space<vmem_shared>> -> memref<8x128xf32, #tpu.memory_space<vmem_shared>>
    tpu.wait_dma2 semaphore(%arg14 : memref<!tpu.dma_semaphore, #tpu.memory_space<semaphore_mem>>) src(%arg12 : memref<8x128xf32, #tpu.memory_space<vmem>>) dst(%dma_wait3A_496 : memref<8x128xf32, #tpu.memory_space<vmem_shared>>)
    %dma_wait3A_497 = arith.constant 0 : i32
    %dma_wait3A_498 = tpu.memref_slice %arg13[%add3A_31, %dma_wait3A_497] : memref<10008x128xf32, #tpu.memory_space<vmem_shared>> -> memref<8x128xf32, #tpu.memory_space<vmem_shared>>
    %dma_wait3A_499 = arith.constant 0 : i32
    %dma_wait3A_500 = tpu.memref_slice %arg13[%add3A_31, %dma_wait3A_499] : memref<10008x128xf32, #tpu.memory_space<vmem_shared>> -> memref<8x128xf32, #tpu.memory_space<vmem_shared>>
    tpu.wait_dma2 semaphore(%arg14 : memref<!tpu.dma_semaphore, #tpu.memory_space<semaphore_mem>>) src(%arg12 : memref<8x128xf32, #tpu.memory_space<vmem>>) dst(%dma_wait3A_500 : memref<8x128xf32, #tpu.memory_space<vmem_shared>>)
    %dma_wait3A_501 = arith.constant 0 : i32
    %dma_wait3A_502 = tpu.memref_slice %arg13[%add3A_37, %dma_wait3A_501] : memref<10008x128xf32, #tpu.memory_space<vmem_shared>> -> memref<8x128xf32, #tpu.memory_space<vmem_shared>>
    %dma_wait3A_503 = arith.constant 0 : i32
    %dma_wait3A_504 = tpu.memref_slice %arg13[%add3A_37, %dma_wait3A_503] : memref<10008x128xf32, #tpu.memory_space<vmem_shared>> -> memref<8x128xf32, #tpu.memory_space<vmem_shared>>
    tpu.wait_dma2 semaphore(%arg14 : memref<!tpu.dma_semaphore, #tpu.memory_space<semaphore_mem>>) src(%arg12 : memref<8x128xf32, #tpu.memory_space<vmem>>) dst(%dma_wait3A_504 : memref<8x128xf32, #tpu.memory_space<vmem_shared>>)
    %dma_wait3A_505 = arith.constant 0 : i32
    %dma_wait3A_506 = tpu.memref_slice %arg13[%add3A_43, %dma_wait3A_505] : memref<10008x128xf32, #tpu.memory_space<vmem_shared>> -> memref<8x128xf32, #tpu.memory_space<vmem_shared>>
    %dma_wait3A_507 = arith.constant 0 : i32
    %dma_wait3A_508 = tpu.memref_slice %arg13[%add3A_43, %dma_wait3A_507] : memref<10008x128xf32, #tpu.memory_space<vmem_shared>> -> memref<8x128xf32, #tpu.memory_space<vmem_shared>>
    tpu.wait_dma2 semaphore(%arg14 : memref<!tpu.dma_semaphore, #tpu.memory_space<semaphore_mem>>) src(%arg12 : memref<8x128xf32, #tpu.memory_space<vmem>>) dst(%dma_wait3A_508 : memref<8x128xf32, #tpu.memory_space<vmem_shared>>)
    %dma_wait3A_509 = arith.constant 0 : i32
    %dma_wait3A_510 = tpu.memref_slice %arg13[%add3A_49, %dma_wait3A_509] : memref<10008x128xf32, #tpu.memory_space<vmem_shared>> -> memref<8x128xf32, #tpu.memory_space<vmem_shared>>
    %dma_wait3A_511 = arith.constant 0 : i32
    %dma_wait3A_512 = tpu.memref_slice %arg13[%add3A_49, %dma_wait3A_511] : memref<10008x128xf32, #tpu.memory_space<vmem_shared>> -> memref<8x128xf32, #tpu.memory_space<vmem_shared>>
    tpu.wait_dma2 semaphore(%arg14 : memref<!tpu.dma_semaphore, #tpu.memory_space<semaphore_mem>>) src(%arg12 : memref<8x128xf32, #tpu.memory_space<vmem>>) dst(%dma_wait3A_512 : memref<8x128xf32, #tpu.memory_space<vmem_shared>>)
    %dma_wait3A_513 = arith.constant 0 : i32
    %dma_wait3A_514 = tpu.memref_slice %arg13[%add3A_55, %dma_wait3A_513] : memref<10008x128xf32, #tpu.memory_space<vmem_shared>> -> memref<8x128xf32, #tpu.memory_space<vmem_shared>>
    %dma_wait3A_515 = arith.constant 0 : i32
    %dma_wait3A_516 = tpu.memref_slice %arg13[%add3A_55, %dma_wait3A_515] : memref<10008x128xf32, #tpu.memory_space<vmem_shared>> -> memref<8x128xf32, #tpu.memory_space<vmem_shared>>
    tpu.wait_dma2 semaphore(%arg14 : memref<!tpu.dma_semaphore, #tpu.memory_space<semaphore_mem>>) src(%arg12 : memref<8x128xf32, #tpu.memory_space<vmem>>) dst(%dma_wait3A_516 : memref<8x128xf32, #tpu.memory_space<vmem_shared>>)
    %dma_wait3A_517 = arith.constant 0 : i32
    %dma_wait3A_518 = tpu.memref_slice %arg13[%add3A_61, %dma_wait3A_517] : memref<10008x128xf32, #tpu.memory_space<vmem_shared>> -> memref<8x128xf32, #tpu.memory_space<vmem_shared>>
    %dma_wait3A_519 = arith.constant 0 : i32
    %dma_wait3A_520 = tpu.memref_slice %arg13[%add3A_61, %dma_wait3A_519] : memref<10008x128xf32, #tpu.memory_space<vmem_shared>> -> memref<8x128xf32, #tpu.memory_space<vmem_shared>>
    tpu.wait_dma2 semaphore(%arg14 : memref<!tpu.dma_semaphore, #tpu.memory_space<semaphore_mem>>) src(%arg12 : memref<8x128xf32, #tpu.memory_space<vmem>>) dst(%dma_wait3A_520 : memref<8x128xf32, #tpu.memory_space<vmem_shared>>)
    %dma_wait3A_521 = arith.constant 0 : i32
    %dma_wait3A_522 = tpu.memref_slice %arg13[%add3A_67, %dma_wait3A_521] : memref<10008x128xf32, #tpu.memory_space<vmem_shared>> -> memref<8x128xf32, #tpu.memory_space<vmem_shared>>
    %dma_wait3A_523 = arith.constant 0 : i32
    %dma_wait3A_524 = tpu.memref_slice %arg13[%add3A_67, %dma_wait3A_523] : memref<10008x128xf32, #tpu.memory_space<vmem_shared>> -> memref<8x128xf32, #tpu.memory_space<vmem_shared>>
    tpu.wait_dma2 semaphore(%arg14 : memref<!tpu.dma_semaphore, #tpu.memory_space<semaphore_mem>>) src(%arg12 : memref<8x128xf32, #tpu.memory_space<vmem>>) dst(%dma_wait3A_524 : memref<8x128xf32, #tpu.memory_space<vmem_shared>>)
    %dma_wait3A_525 = arith.constant 0 : i32
    %dma_wait3A_526 = tpu.memref_slice %arg13[%add3A_73, %dma_wait3A_525] : memref<10008x128xf32, #tpu.memory_space<vmem_shared>> -> memref<8x128xf32, #tpu.memory_space<vmem_shared>>
    %dma_wait3A_527 = arith.constant 0 : i32
    %dma_wait3A_528 = tpu.memref_slice %arg13[%add3A_73, %dma_wait3A_527] : memref<10008x128xf32, #tpu.memory_space<vmem_shared>> -> memref<8x128xf32, #tpu.memory_space<vmem_shared>>
    tpu.wait_dma2 semaphore(%arg14 : memref<!tpu.dma_semaphore, #tpu.memory_space<semaphore_mem>>) src(%arg12 : memref<8x128xf32, #tpu.memory_space<vmem>>) dst(%dma_wait3A_528 : memref<8x128xf32, #tpu.memory_space<vmem_shared>>)
    %dma_wait3A_529 = arith.constant 0 : i32
    %dma_wait3A_530 = tpu.memref_slice %arg13[%add3A_79, %dma_wait3A_529] : memref<10008x128xf32, #tpu.memory_space<vmem_shared>> -> memref<8x128xf32, #tpu.memory_space<vmem_shared>>
    %dma_wait3A_531 = arith.constant 0 : i32
    %dma_wait3A_532 = tpu.memref_slice %arg13[%add3A_79, %dma_wait3A_531] : memref<10008x128xf32, #tpu.memory_space<vmem_shared>> -> memref<8x128xf32, #tpu.memory_space<vmem_shared>>
    tpu.wait_dma2 semaphore(%arg14 : memref<!tpu.dma_semaphore, #tpu.memory_space<semaphore_mem>>) src(%arg12 : memref<8x128xf32, #tpu.memory_space<vmem>>) dst(%dma_wait3A_532 : memref<8x128xf32, #tpu.memory_space<vmem_shared>>)
    %dma_wait3A_533 = arith.constant 0 : i32
    %dma_wait3A_534 = tpu.memref_slice %arg13[%add3A_85, %dma_wait3A_533] : memref<10008x128xf32, #tpu.memory_space<vmem_shared>> -> memref<8x128xf32, #tpu.memory_space<vmem_shared>>
    %dma_wait3A_535 = arith.constant 0 : i32
    %dma_wait3A_536 = tpu.memref_slice %arg13[%add3A_85, %dma_wait3A_535] : memref<10008x128xf32, #tpu.memory_space<vmem_shared>> -> memref<8x128xf32, #tpu.memory_space<vmem_shared>>
    tpu.wait_dma2 semaphore(%arg14 : memref<!tpu.dma_semaphore, #tpu.memory_space<semaphore_mem>>) src(%arg12 : memref<8x128xf32, #tpu.memory_space<vmem>>) dst(%dma_wait3A_536 : memref<8x128xf32, #tpu.memory_space<vmem_shared>>)
    %dma_wait3A_537 = arith.constant 0 : i32
    %dma_wait3A_538 = tpu.memref_slice %arg13[%add3A_91, %dma_wait3A_537] : memref<10008x128xf32, #tpu.memory_space<vmem_shared>> -> memref<8x128xf32, #tpu.memory_space<vmem_shared>>
    %dma_wait3A_539 = arith.constant 0 : i32
    %dma_wait3A_540 = tpu.memref_slice %arg13[%add3A_91, %dma_wait3A_539] : memref<10008x128xf32, #tpu.memory_space<vmem_shared>> -> memref<8x128xf32, #tpu.memory_space<vmem_shared>>
    tpu.wait_dma2 semaphore(%arg14 : memref<!tpu.dma_semaphore, #tpu.memory_space<semaphore_mem>>) src(%arg12 : memref<8x128xf32, #tpu.memory_space<vmem>>) dst(%dma_wait3A_540 : memref<8x128xf32, #tpu.memory_space<vmem_shared>>)
    %dma_wait3A_541 = arith.constant 0 : i32
    %dma_wait3A_542 = tpu.memref_slice %arg13[%add3A_97, %dma_wait3A_541] : memref<10008x128xf32, #tpu.memory_space<vmem_shared>> -> memref<8x128xf32, #tpu.memory_space<vmem_shared>>
    %dma_wait3A_543 = arith.constant 0 : i32
    %dma_wait3A_544 = tpu.memref_slice %arg13[%add3A_97, %dma_wait3A_543] : memref<10008x128xf32, #tpu.memory_space<vmem_shared>> -> memref<8x128xf32, #tpu.memory_space<vmem_shared>>
    tpu.wait_dma2 semaphore(%arg14 : memref<!tpu.dma_semaphore, #tpu.memory_space<semaphore_mem>>) src(%arg12 : memref<8x128xf32, #tpu.memory_space<vmem>>) dst(%dma_wait3A_544 : memref<8x128xf32, #tpu.memory_space<vmem_shared>>)
    %dma_wait3A_545 = arith.constant 0 : i32
    %dma_wait3A_546 = tpu.memref_slice %arg13[%add3A_103, %dma_wait3A_545] : memref<10008x128xf32, #tpu.memory_space<vmem_shared>> -> memref<8x128xf32, #tpu.memory_space<vmem_shared>>
    %dma_wait3A_547 = arith.constant 0 : i32
    %dma_wait3A_548 = tpu.memref_slice %arg13[%add3A_103, %dma_wait3A_547] : memref<10008x128xf32, #tpu.memory_space<vmem_shared>> -> memref<8x128xf32, #tpu.memory_space<vmem_shared>>
    tpu.wait_dma2 semaphore(%arg14 : memref<!tpu.dma_semaphore, #tpu.memory_space<semaphore_mem>>) src(%arg12 : memref<8x128xf32, #tpu.memory_space<vmem>>) dst(%dma_wait3A_548 : memref<8x128xf32, #tpu.memory_space<vmem_shared>>)
    %dma_wait3A_549 = arith.constant 0 : i32
    %dma_wait3A_550 = tpu.memref_slice %arg13[%add3A_109, %dma_wait3A_549] : memref<10008x128xf32, #tpu.memory_space<vmem_shared>> -> memref<8x128xf32, #tpu.memory_space<vmem_shared>>
    %dma_wait3A_551 = arith.constant 0 : i32
    %dma_wait3A_552 = tpu.memref_slice %arg13[%add3A_109, %dma_wait3A_551] : memref<10008x128xf32, #tpu.memory_space<vmem_shared>> -> memref<8x128xf32, #tpu.memory_space<vmem_shared>>
    tpu.wait_dma2 semaphore(%arg14 : memref<!tpu.dma_semaphore, #tpu.memory_space<semaphore_mem>>) src(%arg12 : memref<8x128xf32, #tpu.memory_space<vmem>>) dst(%dma_wait3A_552 : memref<8x128xf32, #tpu.memory_space<vmem_shared>>)
    %dma_wait3A_553 = arith.constant 0 : i32
    %dma_wait3A_554 = tpu.memref_slice %arg13[%add3A_115, %dma_wait3A_553] : memref<10008x128xf32, #tpu.memory_space<vmem_shared>> -> memref<8x128xf32, #tpu.memory_space<vmem_shared>>
    %dma_wait3A_555 = arith.constant 0 : i32
    %dma_wait3A_556 = tpu.memref_slice %arg13[%add3A_115, %dma_wait3A_555] : memref<10008x128xf32, #tpu.memory_space<vmem_shared>> -> memref<8x128xf32, #tpu.memory_space<vmem_shared>>
    tpu.wait_dma2 semaphore(%arg14 : memref<!tpu.dma_semaphore, #tpu.memory_space<semaphore_mem>>) src(%arg12 : memref<8x128xf32, #tpu.memory_space<vmem>>) dst(%dma_wait3A_556 : memref<8x128xf32, #tpu.memory_space<vmem_shared>>)
    %dma_wait3A_557 = arith.constant 0 : i32
    %dma_wait3A_558 = tpu.memref_slice %arg13[%add3A_121, %dma_wait3A_557] : memref<10008x128xf32, #tpu.memory_space<vmem_shared>> -> memref<8x128xf32, #tpu.memory_space<vmem_shared>>
    %dma_wait3A_559 = arith.constant 0 : i32
    %dma_wait3A_560 = tpu.memref_slice %arg13[%add3A_121, %dma_wait3A_559] : memref<10008x128xf32, #tpu.memory_space<vmem_shared>> -> memref<8x128xf32, #tpu.memory_space<vmem_shared>>
    tpu.wait_dma2 semaphore(%arg14 : memref<!tpu.dma_semaphore, #tpu.memory_space<semaphore_mem>>) src(%arg12 : memref<8x128xf32, #tpu.memory_space<vmem>>) dst(%dma_wait3A_560 : memref<8x128xf32, #tpu.memory_space<vmem_shared>>)
    %dma_wait3A_561 = arith.constant 0 : i32
    %dma_wait3A_562 = tpu.memref_slice %arg13[%add3A_127, %dma_wait3A_561] : memref<10008x128xf32, #tpu.memory_space<vmem_shared>> -> memref<8x128xf32, #tpu.memory_space<vmem_shared>>
    %dma_wait3A_563 = arith.constant 0 : i32
    %dma_wait3A_564 = tpu.memref_slice %arg13[%add3A_127, %dma_wait3A_563] : memref<10008x128xf32, #tpu.memory_space<vmem_shared>> -> memref<8x128xf32, #tpu.memory_space<vmem_shared>>
    tpu.wait_dma2 semaphore(%arg14 : memref<!tpu.dma_semaphore, #tpu.memory_space<semaphore_mem>>) src(%arg12 : memref<8x128xf32, #tpu.memory_space<vmem>>) dst(%dma_wait3A_564 : memref<8x128xf32, #tpu.memory_space<vmem_shared>>)
    %dma_wait3A_565 = arith.constant 0 : i32
    %dma_wait3A_566 = tpu.memref_slice %arg13[%add3A_133, %dma_wait3A_565] : memref<10008x128xf32, #tpu.memory_space<vmem_shared>> -> memref<8x128xf32, #tpu.memory_space<vmem_shared>>
    %dma_wait3A_567 = arith.constant 0 : i32
    %dma_wait3A_568 = tpu.memref_slice %arg13[%add3A_133, %dma_wait3A_567] : memref<10008x128xf32, #tpu.memory_space<vmem_shared>> -> memref<8x128xf32, #tpu.memory_space<vmem_shared>>
    tpu.wait_dma2 semaphore(%arg14 : memref<!tpu.dma_semaphore, #tpu.memory_space<semaphore_mem>>) src(%arg12 : memref<8x128xf32, #tpu.memory_space<vmem>>) dst(%dma_wait3A_568 : memref<8x128xf32, #tpu.memory_space<vmem_shared>>)
    %dma_wait3A_569 = arith.constant 0 : i32
    %dma_wait3A_570 = tpu.memref_slice %arg13[%add3A_139, %dma_wait3A_569] : memref<10008x128xf32, #tpu.memory_space<vmem_shared>> -> memref<8x128xf32, #tpu.memory_space<vmem_shared>>
    %dma_wait3A_571 = arith.constant 0 : i32
    %dma_wait3A_572 = tpu.memref_slice %arg13[%add3A_139, %dma_wait3A_571] : memref<10008x128xf32, #tpu.memory_space<vmem_shared>> -> memref<8x128xf32, #tpu.memory_space<vmem_shared>>
    tpu.wait_dma2 semaphore(%arg14 : memref<!tpu.dma_semaphore, #tpu.memory_space<semaphore_mem>>) src(%arg12 : memref<8x128xf32, #tpu.memory_space<vmem>>) dst(%dma_wait3A_572 : memref<8x128xf32, #tpu.memory_space<vmem_shared>>)
    %dma_wait3A_573 = arith.constant 0 : i32
    %dma_wait3A_574 = tpu.memref_slice %arg13[%add3A_145, %dma_wait3A_573] : memref<10008x128xf32, #tpu.memory_space<vmem_shared>> -> memref<8x128xf32, #tpu.memory_space<vmem_shared>>
    %dma_wait3A_575 = arith.constant 0 : i32
    %dma_wait3A_576 = tpu.memref_slice %arg13[%add3A_145, %dma_wait3A_575] : memref<10008x128xf32, #tpu.memory_space<vmem_shared>> -> memref<8x128xf32, #tpu.memory_space<vmem_shared>>
    tpu.wait_dma2 semaphore(%arg14 : memref<!tpu.dma_semaphore, #tpu.memory_space<semaphore_mem>>) src(%arg12 : memref<8x128xf32, #tpu.memory_space<vmem>>) dst(%dma_wait3A_576 : memref<8x128xf32, #tpu.memory_space<vmem_shared>>)
    %dma_wait3A_577 = arith.constant 0 : i32
    %dma_wait3A_578 = tpu.memref_slice %arg13[%add3A_151, %dma_wait3A_577] : memref<10008x128xf32, #tpu.memory_space<vmem_shared>> -> memref<8x128xf32, #tpu.memory_space<vmem_shared>>
    %dma_wait3A_579 = arith.constant 0 : i32
    %dma_wait3A_580 = tpu.memref_slice %arg13[%add3A_151, %dma_wait3A_579] : memref<10008x128xf32, #tpu.memory_space<vmem_shared>> -> memref<8x128xf32, #tpu.memory_space<vmem_shared>>
    tpu.wait_dma2 semaphore(%arg14 : memref<!tpu.dma_semaphore, #tpu.memory_space<semaphore_mem>>) src(%arg12 : memref<8x128xf32, #tpu.memory_space<vmem>>) dst(%dma_wait3A_580 : memref<8x128xf32, #tpu.memory_space<vmem_shared>>)
    %dma_wait3A_581 = arith.constant 0 : i32
    %dma_wait3A_582 = tpu.memref_slice %arg13[%add3A_157, %dma_wait3A_581] : memref<10008x128xf32, #tpu.memory_space<vmem_shared>> -> memref<8x128xf32, #tpu.memory_space<vmem_shared>>
    %dma_wait3A_583 = arith.constant 0 : i32
    %dma_wait3A_584 = tpu.memref_slice %arg13[%add3A_157, %dma_wait3A_583] : memref<10008x128xf32, #tpu.memory_space<vmem_shared>> -> memref<8x128xf32, #tpu.memory_space<vmem_shared>>
    tpu.wait_dma2 semaphore(%arg14 : memref<!tpu.dma_semaphore, #tpu.memory_space<semaphore_mem>>) src(%arg12 : memref<8x128xf32, #tpu.memory_space<vmem>>) dst(%dma_wait3A_584 : memref<8x128xf32, #tpu.memory_space<vmem_shared>>)
    %dma_wait3A_585 = arith.constant 0 : i32
    %dma_wait3A_586 = tpu.memref_slice %arg13[%add3A_163, %dma_wait3A_585] : memref<10008x128xf32, #tpu.memory_space<vmem_shared>> -> memref<8x128xf32, #tpu.memory_space<vmem_shared>>
    %dma_wait3A_587 = arith.constant 0 : i32
    %dma_wait3A_588 = tpu.memref_slice %arg13[%add3A_163, %dma_wait3A_587] : memref<10008x128xf32, #tpu.memory_space<vmem_shared>> -> memref<8x128xf32, #tpu.memory_space<vmem_shared>>
    tpu.wait_dma2 semaphore(%arg14 : memref<!tpu.dma_semaphore, #tpu.memory_space<semaphore_mem>>) src(%arg12 : memref<8x128xf32, #tpu.memory_space<vmem>>) dst(%dma_wait3A_588 : memref<8x128xf32, #tpu.memory_space<vmem_shared>>)
    %dma_wait3A_589 = arith.constant 0 : i32
    %dma_wait3A_590 = tpu.memref_slice %arg13[%add3A_169, %dma_wait3A_589] : memref<10008x128xf32, #tpu.memory_space<vmem_shared>> -> memref<8x128xf32, #tpu.memory_space<vmem_shared>>
    %dma_wait3A_591 = arith.constant 0 : i32
    %dma_wait3A_592 = tpu.memref_slice %arg13[%add3A_169, %dma_wait3A_591] : memref<10008x128xf32, #tpu.memory_space<vmem_shared>> -> memref<8x128xf32, #tpu.memory_space<vmem_shared>>
    tpu.wait_dma2 semaphore(%arg14 : memref<!tpu.dma_semaphore, #tpu.memory_space<semaphore_mem>>) src(%arg12 : memref<8x128xf32, #tpu.memory_space<vmem>>) dst(%dma_wait3A_592 : memref<8x128xf32, #tpu.memory_space<vmem_shared>>)
    %dma_wait3A_593 = arith.constant 0 : i32
    %dma_wait3A_594 = tpu.memref_slice %arg13[%add3A_175, %dma_wait3A_593] : memref<10008x128xf32, #tpu.memory_space<vmem_shared>> -> memref<8x128xf32, #tpu.memory_space<vmem_shared>>
    %dma_wait3A_595 = arith.constant 0 : i32
    %dma_wait3A_596 = tpu.memref_slice %arg13[%add3A_175, %dma_wait3A_595] : memref<10008x128xf32, #tpu.memory_space<vmem_shared>> -> memref<8x128xf32, #tpu.memory_space<vmem_shared>>
    tpu.wait_dma2 semaphore(%arg14 : memref<!tpu.dma_semaphore, #tpu.memory_space<semaphore_mem>>) src(%arg12 : memref<8x128xf32, #tpu.memory_space<vmem>>) dst(%dma_wait3A_596 : memref<8x128xf32, #tpu.memory_space<vmem_shared>>)
    %dma_wait3A_597 = arith.constant 0 : i32
    %dma_wait3A_598 = tpu.memref_slice %arg13[%add3A_181, %dma_wait3A_597] : memref<10008x128xf32, #tpu.memory_space<vmem_shared>> -> memref<8x128xf32, #tpu.memory_space<vmem_shared>>
    %dma_wait3A_599 = arith.constant 0 : i32
    %dma_wait3A_600 = tpu.memref_slice %arg13[%add3A_181, %dma_wait3A_599] : memref<10008x128xf32, #tpu.memory_space<vmem_shared>> -> memref<8x128xf32, #tpu.memory_space<vmem_shared>>
    tpu.wait_dma2 semaphore(%arg14 : memref<!tpu.dma_semaphore, #tpu.memory_space<semaphore_mem>>) src(%arg12 : memref<8x128xf32, #tpu.memory_space<vmem>>) dst(%dma_wait3A_600 : memref<8x128xf32, #tpu.memory_space<vmem_shared>>)
    %dma_wait3A_601 = arith.constant 0 : i32
    %dma_wait3A_602 = tpu.memref_slice %arg13[%add3A_187, %dma_wait3A_601] : memref<10008x128xf32, #tpu.memory_space<vmem_shared>> -> memref<8x128xf32, #tpu.memory_space<vmem_shared>>
    %dma_wait3A_603 = arith.constant 0 : i32
    %dma_wait3A_604 = tpu.memref_slice %arg13[%add3A_187, %dma_wait3A_603] : memref<10008x128xf32, #tpu.memory_space<vmem_shared>> -> memref<8x128xf32, #tpu.memory_space<vmem_shared>>
    tpu.wait_dma2 semaphore(%arg14 : memref<!tpu.dma_semaphore, #tpu.memory_space<semaphore_mem>>) src(%arg12 : memref<8x128xf32, #tpu.memory_space<vmem>>) dst(%dma_wait3A_604 : memref<8x128xf32, #tpu.memory_space<vmem_shared>>)
    %dma_wait3A_605 = arith.constant 0 : i32
    %dma_wait3A_606 = tpu.memref_slice %arg13[%add3A_193, %dma_wait3A_605] : memref<10008x128xf32, #tpu.memory_space<vmem_shared>> -> memref<8x128xf32, #tpu.memory_space<vmem_shared>>
    %dma_wait3A_607 = arith.constant 0 : i32
    %dma_wait3A_608 = tpu.memref_slice %arg13[%add3A_193, %dma_wait3A_607] : memref<10008x128xf32, #tpu.memory_space<vmem_shared>> -> memref<8x128xf32, #tpu.memory_space<vmem_shared>>
    tpu.wait_dma2 semaphore(%arg14 : memref<!tpu.dma_semaphore, #tpu.memory_space<semaphore_mem>>) src(%arg12 : memref<8x128xf32, #tpu.memory_space<vmem>>) dst(%dma_wait3A_608 : memref<8x128xf32, #tpu.memory_space<vmem_shared>>)
    %dma_wait3A_609 = arith.constant 0 : i32
    %dma_wait3A_610 = tpu.memref_slice %arg13[%add3A_199, %dma_wait3A_609] : memref<10008x128xf32, #tpu.memory_space<vmem_shared>> -> memref<8x128xf32, #tpu.memory_space<vmem_shared>>
    %dma_wait3A_611 = arith.constant 0 : i32
    %dma_wait3A_612 = tpu.memref_slice %arg13[%add3A_199, %dma_wait3A_611] : memref<10008x128xf32, #tpu.memory_space<vmem_shared>> -> memref<8x128xf32, #tpu.memory_space<vmem_shared>>
    tpu.wait_dma2 semaphore(%arg14 : memref<!tpu.dma_semaphore, #tpu.memory_space<semaphore_mem>>) src(%arg12 : memref<8x128xf32, #tpu.memory_space<vmem>>) dst(%dma_wait3A_612 : memref<8x128xf32, #tpu.memory_space<vmem_shared>>)
    %dma_wait3A_613 = arith.constant 0 : i32
    %dma_wait3A_614 = tpu.memref_slice %arg13[%add3A_205, %dma_wait3A_613] : memref<10008x128xf32, #tpu.memory_space<vmem_shared>> -> memref<8x128xf32, #tpu.memory_space<vmem_shared>>
    %dma_wait3A_615 = arith.constant 0 : i32
    %dma_wait3A_616 = tpu.memref_slice %arg13[%add3A_205, %dma_wait3A_615] : memref<10008x128xf32, #tpu.memory_space<vmem_shared>> -> memref<8x128xf32, #tpu.memory_space<vmem_shared>>
    tpu.wait_dma2 semaphore(%arg14 : memref<!tpu.dma_semaphore, #tpu.memory_space<semaphore_mem>>) src(%arg12 : memref<8x128xf32, #tpu.memory_space<vmem>>) dst(%dma_wait3A_616 : memref<8x128xf32, #tpu.memory_space<vmem_shared>>)
    %dma_wait3A_617 = arith.constant 0 : i32
    %dma_wait3A_618 = tpu.memref_slice %arg13[%add3A_211, %dma_wait3A_617] : memref<10008x128xf32, #tpu.memory_space<vmem_shared>> -> memref<8x128xf32, #tpu.memory_space<vmem_shared>>
    %dma_wait3A_619 = arith.constant 0 : i32
    %dma_wait3A_620 = tpu.memref_slice %arg13[%add3A_211, %dma_wait3A_619] : memref<10008x128xf32, #tpu.memory_space<vmem_shared>> -> memref<8x128xf32, #tpu.memory_space<vmem_shared>>
    tpu.wait_dma2 semaphore(%arg14 : memref<!tpu.dma_semaphore, #tpu.memory_space<semaphore_mem>>) src(%arg12 : memref<8x128xf32, #tpu.memory_space<vmem>>) dst(%dma_wait3A_620 : memref<8x128xf32, #tpu.memory_space<vmem_shared>>)
    %dma_wait3A_621 = arith.constant 0 : i32
    %dma_wait3A_622 = tpu.memref_slice %arg13[%add3A_217, %dma_wait3A_621] : memref<10008x128xf32, #tpu.memory_space<vmem_shared>> -> memref<8x128xf32, #tpu.memory_space<vmem_shared>>
    %dma_wait3A_623 = arith.constant 0 : i32
    %dma_wait3A_624 = tpu.memref_slice %arg13[%add3A_217, %dma_wait3A_623] : memref<10008x128xf32, #tpu.memory_space<vmem_shared>> -> memref<8x128xf32, #tpu.memory_space<vmem_shared>>
    tpu.wait_dma2 semaphore(%arg14 : memref<!tpu.dma_semaphore, #tpu.memory_space<semaphore_mem>>) src(%arg12 : memref<8x128xf32, #tpu.memory_space<vmem>>) dst(%dma_wait3A_624 : memref<8x128xf32, #tpu.memory_space<vmem_shared>>)
    %dma_wait3A_625 = arith.constant 0 : i32
    %dma_wait3A_626 = tpu.memref_slice %arg13[%add3A_223, %dma_wait3A_625] : memref<10008x128xf32, #tpu.memory_space<vmem_shared>> -> memref<8x128xf32, #tpu.memory_space<vmem_shared>>
    %dma_wait3A_627 = arith.constant 0 : i32
    %dma_wait3A_628 = tpu.memref_slice %arg13[%add3A_223, %dma_wait3A_627] : memref<10008x128xf32, #tpu.memory_space<vmem_shared>> -> memref<8x128xf32, #tpu.memory_space<vmem_shared>>
    tpu.wait_dma2 semaphore(%arg14 : memref<!tpu.dma_semaphore, #tpu.memory_space<semaphore_mem>>) src(%arg12 : memref<8x128xf32, #tpu.memory_space<vmem>>) dst(%dma_wait3A_628 : memref<8x128xf32, #tpu.memory_space<vmem_shared>>)
    %dma_wait3A_629 = arith.constant 0 : i32
    %dma_wait3A_630 = tpu.memref_slice %arg13[%add3A_229, %dma_wait3A_629] : memref<10008x128xf32, #tpu.memory_space<vmem_shared>> -> memref<8x128xf32, #tpu.memory_space<vmem_shared>>
    %dma_wait3A_631 = arith.constant 0 : i32
    %dma_wait3A_632 = tpu.memref_slice %arg13[%add3A_229, %dma_wait3A_631] : memref<10008x128xf32, #tpu.memory_space<vmem_shared>> -> memref<8x128xf32, #tpu.memory_space<vmem_shared>>
    tpu.wait_dma2 semaphore(%arg14 : memref<!tpu.dma_semaphore, #tpu.memory_space<semaphore_mem>>) src(%arg12 : memref<8x128xf32, #tpu.memory_space<vmem>>) dst(%dma_wait3A_632 : memref<8x128xf32, #tpu.memory_space<vmem_shared>>)
    %dma_wait3A_633 = arith.constant 0 : i32
    %dma_wait3A_634 = tpu.memref_slice %arg13[%add3A_235, %dma_wait3A_633] : memref<10008x128xf32, #tpu.memory_space<vmem_shared>> -> memref<8x128xf32, #tpu.memory_space<vmem_shared>>
    %dma_wait3A_635 = arith.constant 0 : i32
    %dma_wait3A_636 = tpu.memref_slice %arg13[%add3A_235, %dma_wait3A_635] : memref<10008x128xf32, #tpu.memory_space<vmem_shared>> -> memref<8x128xf32, #tpu.memory_space<vmem_shared>>
    tpu.wait_dma2 semaphore(%arg14 : memref<!tpu.dma_semaphore, #tpu.memory_space<semaphore_mem>>) src(%arg12 : memref<8x128xf32, #tpu.memory_space<vmem>>) dst(%dma_wait3A_636 : memref<8x128xf32, #tpu.memory_space<vmem_shared>>)
    %dma_wait3A_637 = arith.constant 0 : i32
    %dma_wait3A_638 = tpu.memref_slice %arg13[%add3A_241, %dma_wait3A_637] : memref<10008x128xf32, #tpu.memory_space<vmem_shared>> -> memref<8x128xf32, #tpu.memory_space<vmem_shared>>
    %dma_wait3A_639 = arith.constant 0 : i32
    %dma_wait3A_640 = tpu.memref_slice %arg13[%add3A_241, %dma_wait3A_639] : memref<10008x128xf32, #tpu.memory_space<vmem_shared>> -> memref<8x128xf32, #tpu.memory_space<vmem_shared>>
    tpu.wait_dma2 semaphore(%arg14 : memref<!tpu.dma_semaphore, #tpu.memory_space<semaphore_mem>>) src(%arg12 : memref<8x128xf32, #tpu.memory_space<vmem>>) dst(%dma_wait3A_640 : memref<8x128xf32, #tpu.memory_space<vmem_shared>>)
    %dma_wait3A_641 = arith.constant 0 : i32
    %dma_wait3A_642 = tpu.memref_slice %arg13[%add3A_247, %dma_wait3A_641] : memref<10008x128xf32, #tpu.memory_space<vmem_shared>> -> memref<8x128xf32, #tpu.memory_space<vmem_shared>>
    %dma_wait3A_643 = arith.constant 0 : i32
    %dma_wait3A_644 = tpu.memref_slice %arg13[%add3A_247, %dma_wait3A_643] : memref<10008x128xf32, #tpu.memory_space<vmem_shared>> -> memref<8x128xf32, #tpu.memory_space<vmem_shared>>
    tpu.wait_dma2 semaphore(%arg14 : memref<!tpu.dma_semaphore, #tpu.memory_space<semaphore_mem>>) src(%arg12 : memref<8x128xf32, #tpu.memory_space<vmem>>) dst(%dma_wait3A_644 : memref<8x128xf32, #tpu.memory_space<vmem_shared>>)
    %dma_wait3A_645 = arith.constant 0 : i32
    %dma_wait3A_646 = tpu.memref_slice %arg13[%add3A_253, %dma_wait3A_645] : memref<10008x128xf32, #tpu.memory_space<vmem_shared>> -> memref<8x128xf32, #tpu.memory_space<vmem_shared>>
    %dma_wait3A_647 = arith.constant 0 : i32
    %dma_wait3A_648 = tpu.memref_slice %arg13[%add3A_253, %dma_wait3A_647] : memref<10008x128xf32, #tpu.memory_space<vmem_shared>> -> memref<8x128xf32, #tpu.memory_space<vmem_shared>>
    tpu.wait_dma2 semaphore(%arg14 : memref<!tpu.dma_semaphore, #tpu.memory_space<semaphore_mem>>) src(%arg12 : memref<8x128xf32, #tpu.memory_space<vmem>>) dst(%dma_wait3A_648 : memref<8x128xf32, #tpu.memory_space<vmem_shared>>)
    %dma_wait3A_649 = arith.constant 0 : i32
    %dma_wait3A_650 = tpu.memref_slice %arg13[%add3A_259, %dma_wait3A_649] : memref<10008x128xf32, #tpu.memory_space<vmem_shared>> -> memref<8x128xf32, #tpu.memory_space<vmem_shared>>
    %dma_wait3A_651 = arith.constant 0 : i32
    %dma_wait3A_652 = tpu.memref_slice %arg13[%add3A_259, %dma_wait3A_651] : memref<10008x128xf32, #tpu.memory_space<vmem_shared>> -> memref<8x128xf32, #tpu.memory_space<vmem_shared>>
    tpu.wait_dma2 semaphore(%arg14 : memref<!tpu.dma_semaphore, #tpu.memory_space<semaphore_mem>>) src(%arg12 : memref<8x128xf32, #tpu.memory_space<vmem>>) dst(%dma_wait3A_652 : memref<8x128xf32, #tpu.memory_space<vmem_shared>>)
    %dma_wait3A_653 = arith.constant 0 : i32
    %dma_wait3A_654 = tpu.memref_slice %arg13[%add3A_265, %dma_wait3A_653] : memref<10008x128xf32, #tpu.memory_space<vmem_shared>> -> memref<8x128xf32, #tpu.memory_space<vmem_shared>>
    %dma_wait3A_655 = arith.constant 0 : i32
    %dma_wait3A_656 = tpu.memref_slice %arg13[%add3A_265, %dma_wait3A_655] : memref<10008x128xf32, #tpu.memory_space<vmem_shared>> -> memref<8x128xf32, #tpu.memory_space<vmem_shared>>
    tpu.wait_dma2 semaphore(%arg14 : memref<!tpu.dma_semaphore, #tpu.memory_space<semaphore_mem>>) src(%arg12 : memref<8x128xf32, #tpu.memory_space<vmem>>) dst(%dma_wait3A_656 : memref<8x128xf32, #tpu.memory_space<vmem_shared>>)
    %dma_wait3A_657 = arith.constant 0 : i32
    %dma_wait3A_658 = tpu.memref_slice %arg13[%add3A_271, %dma_wait3A_657] : memref<10008x128xf32, #tpu.memory_space<vmem_shared>> -> memref<8x128xf32, #tpu.memory_space<vmem_shared>>
    %dma_wait3A_659 = arith.constant 0 : i32
    %dma_wait3A_660 = tpu.memref_slice %arg13[%add3A_271, %dma_wait3A_659] : memref<10008x128xf32, #tpu.memory_space<vmem_shared>> -> memref<8x128xf32, #tpu.memory_space<vmem_shared>>
    tpu.wait_dma2 semaphore(%arg14 : memref<!tpu.dma_semaphore, #tpu.memory_space<semaphore_mem>>) src(%arg12 : memref<8x128xf32, #tpu.memory_space<vmem>>) dst(%dma_wait3A_660 : memref<8x128xf32, #tpu.memory_space<vmem_shared>>)
    %dma_wait3A_661 = arith.constant 0 : i32
    %dma_wait3A_662 = tpu.memref_slice %arg13[%add3A_277, %dma_wait3A_661] : memref<10008x128xf32, #tpu.memory_space<vmem_shared>> -> memref<8x128xf32, #tpu.memory_space<vmem_shared>>
    %dma_wait3A_663 = arith.constant 0 : i32
    %dma_wait3A_664 = tpu.memref_slice %arg13[%add3A_277, %dma_wait3A_663] : memref<10008x128xf32, #tpu.memory_space<vmem_shared>> -> memref<8x128xf32, #tpu.memory_space<vmem_shared>>
    tpu.wait_dma2 semaphore(%arg14 : memref<!tpu.dma_semaphore, #tpu.memory_space<semaphore_mem>>) src(%arg12 : memref<8x128xf32, #tpu.memory_space<vmem>>) dst(%dma_wait3A_664 : memref<8x128xf32, #tpu.memory_space<vmem_shared>>)
    %dma_wait3A_665 = arith.constant 0 : i32
    %dma_wait3A_666 = tpu.memref_slice %arg13[%add3A_283, %dma_wait3A_665] : memref<10008x128xf32, #tpu.memory_space<vmem_shared>> -> memref<8x128xf32, #tpu.memory_space<vmem_shared>>
    %dma_wait3A_667 = arith.constant 0 : i32
    %dma_wait3A_668 = tpu.memref_slice %arg13[%add3A_283, %dma_wait3A_667] : memref<10008x128xf32, #tpu.memory_space<vmem_shared>> -> memref<8x128xf32, #tpu.memory_space<vmem_shared>>
    tpu.wait_dma2 semaphore(%arg14 : memref<!tpu.dma_semaphore, #tpu.memory_space<semaphore_mem>>) src(%arg12 : memref<8x128xf32, #tpu.memory_space<vmem>>) dst(%dma_wait3A_668 : memref<8x128xf32, #tpu.memory_space<vmem_shared>>)
    %dma_wait3A_669 = arith.constant 0 : i32
    %dma_wait3A_670 = tpu.memref_slice %arg13[%add3A_289, %dma_wait3A_669] : memref<10008x128xf32, #tpu.memory_space<vmem_shared>> -> memref<8x128xf32, #tpu.memory_space<vmem_shared>>
    %dma_wait3A_671 = arith.constant 0 : i32
    %dma_wait3A_672 = tpu.memref_slice %arg13[%add3A_289, %dma_wait3A_671] : memref<10008x128xf32, #tpu.memory_space<vmem_shared>> -> memref<8x128xf32, #tpu.memory_space<vmem_shared>>
    tpu.wait_dma2 semaphore(%arg14 : memref<!tpu.dma_semaphore, #tpu.memory_space<semaphore_mem>>) src(%arg12 : memref<8x128xf32, #tpu.memory_space<vmem>>) dst(%dma_wait3A_672 : memref<8x128xf32, #tpu.memory_space<vmem_shared>>)
    %dma_wait3A_673 = arith.constant 0 : i32
    %dma_wait3A_674 = tpu.memref_slice %arg13[%add3A_295, %dma_wait3A_673] : memref<10008x128xf32, #tpu.memory_space<vmem_shared>> -> memref<8x128xf32, #tpu.memory_space<vmem_shared>>
    %dma_wait3A_675 = arith.constant 0 : i32
    %dma_wait3A_676 = tpu.memref_slice %arg13[%add3A_295, %dma_wait3A_675] : memref<10008x128xf32, #tpu.memory_space<vmem_shared>> -> memref<8x128xf32, #tpu.memory_space<vmem_shared>>
    tpu.wait_dma2 semaphore(%arg14 : memref<!tpu.dma_semaphore, #tpu.memory_space<semaphore_mem>>) src(%arg12 : memref<8x128xf32, #tpu.memory_space<vmem>>) dst(%dma_wait3A_676 : memref<8x128xf32, #tpu.memory_space<vmem_shared>>)
    %dma_wait3A_677 = arith.constant 0 : i32
    %dma_wait3A_678 = tpu.memref_slice %arg13[%add3A_301, %dma_wait3A_677] : memref<10008x128xf32, #tpu.memory_space<vmem_shared>> -> memref<8x128xf32, #tpu.memory_space<vmem_shared>>
    %dma_wait3A_679 = arith.constant 0 : i32
    %dma_wait3A_680 = tpu.memref_slice %arg13[%add3A_301, %dma_wait3A_679] : memref<10008x128xf32, #tpu.memory_space<vmem_shared>> -> memref<8x128xf32, #tpu.memory_space<vmem_shared>>
    tpu.wait_dma2 semaphore(%arg14 : memref<!tpu.dma_semaphore, #tpu.memory_space<semaphore_mem>>) src(%arg12 : memref<8x128xf32, #tpu.memory_space<vmem>>) dst(%dma_wait3A_680 : memref<8x128xf32, #tpu.memory_space<vmem_shared>>)
    %dma_wait3A_681 = arith.constant 0 : i32
    %dma_wait3A_682 = tpu.memref_slice %arg13[%add3A_307, %dma_wait3A_681] : memref<10008x128xf32, #tpu.memory_space<vmem_shared>> -> memref<8x128xf32, #tpu.memory_space<vmem_shared>>
    %dma_wait3A_683 = arith.constant 0 : i32
    %dma_wait3A_684 = tpu.memref_slice %arg13[%add3A_307, %dma_wait3A_683] : memref<10008x128xf32, #tpu.memory_space<vmem_shared>> -> memref<8x128xf32, #tpu.memory_space<vmem_shared>>
    tpu.wait_dma2 semaphore(%arg14 : memref<!tpu.dma_semaphore, #tpu.memory_space<semaphore_mem>>) src(%arg12 : memref<8x128xf32, #tpu.memory_space<vmem>>) dst(%dma_wait3A_684 : memref<8x128xf32, #tpu.memory_space<vmem_shared>>)
    %dma_wait3A_685 = arith.constant 0 : i32
    %dma_wait3A_686 = tpu.memref_slice %arg13[%add3A_313, %dma_wait3A_685] : memref<10008x128xf32, #tpu.memory_space<vmem_shared>> -> memref<8x128xf32, #tpu.memory_space<vmem_shared>>
    %dma_wait3A_687 = arith.constant 0 : i32
    %dma_wait3A_688 = tpu.memref_slice %arg13[%add3A_313, %dma_wait3A_687] : memref<10008x128xf32, #tpu.memory_space<vmem_shared>> -> memref<8x128xf32, #tpu.memory_space<vmem_shared>>
    tpu.wait_dma2 semaphore(%arg14 : memref<!tpu.dma_semaphore, #tpu.memory_space<semaphore_mem>>) src(%arg12 : memref<8x128xf32, #tpu.memory_space<vmem>>) dst(%dma_wait3A_688 : memref<8x128xf32, #tpu.memory_space<vmem_shared>>)
    %dma_wait3A_689 = arith.constant 0 : i32
    %dma_wait3A_690 = tpu.memref_slice %arg13[%add3A_319, %dma_wait3A_689] : memref<10008x128xf32, #tpu.memory_space<vmem_shared>> -> memref<8x128xf32, #tpu.memory_space<vmem_shared>>
    %dma_wait3A_691 = arith.constant 0 : i32
    %dma_wait3A_692 = tpu.memref_slice %arg13[%add3A_319, %dma_wait3A_691] : memref<10008x128xf32, #tpu.memory_space<vmem_shared>> -> memref<8x128xf32, #tpu.memory_space<vmem_shared>>
    tpu.wait_dma2 semaphore(%arg14 : memref<!tpu.dma_semaphore, #tpu.memory_space<semaphore_mem>>) src(%arg12 : memref<8x128xf32, #tpu.memory_space<vmem>>) dst(%dma_wait3A_692 : memref<8x128xf32, #tpu.memory_space<vmem_shared>>)
    %dma_wait3A_693 = arith.constant 0 : i32
    %dma_wait3A_694 = tpu.memref_slice %arg13[%add3A_325, %dma_wait3A_693] : memref<10008x128xf32, #tpu.memory_space<vmem_shared>> -> memref<8x128xf32, #tpu.memory_space<vmem_shared>>
    %dma_wait3A_695 = arith.constant 0 : i32
    %dma_wait3A_696 = tpu.memref_slice %arg13[%add3A_325, %dma_wait3A_695] : memref<10008x128xf32, #tpu.memory_space<vmem_shared>> -> memref<8x128xf32, #tpu.memory_space<vmem_shared>>
    tpu.wait_dma2 semaphore(%arg14 : memref<!tpu.dma_semaphore, #tpu.memory_space<semaphore_mem>>) src(%arg12 : memref<8x128xf32, #tpu.memory_space<vmem>>) dst(%dma_wait3A_696 : memref<8x128xf32, #tpu.memory_space<vmem_shared>>)
    %dma_wait3A_697 = arith.constant 0 : i32
    %dma_wait3A_698 = tpu.memref_slice %arg13[%add3A_331, %dma_wait3A_697] : memref<10008x128xf32, #tpu.memory_space<vmem_shared>> -> memref<8x128xf32, #tpu.memory_space<vmem_shared>>
    %dma_wait3A_699 = arith.constant 0 : i32
    %dma_wait3A_700 = tpu.memref_slice %arg13[%add3A_331, %dma_wait3A_699] : memref<10008x128xf32, #tpu.memory_space<vmem_shared>> -> memref<8x128xf32, #tpu.memory_space<vmem_shared>>
    tpu.wait_dma2 semaphore(%arg14 : memref<!tpu.dma_semaphore, #tpu.memory_space<semaphore_mem>>) src(%arg12 : memref<8x128xf32, #tpu.memory_space<vmem>>) dst(%dma_wait3A_700 : memref<8x128xf32, #tpu.memory_space<vmem_shared>>)
    %dma_wait3A_701 = arith.constant 0 : i32
    %dma_wait3A_702 = tpu.memref_slice %arg13[%add3A_337, %dma_wait3A_701] : memref<10008x128xf32, #tpu.memory_space<vmem_shared>> -> memref<8x128xf32, #tpu.memory_space<vmem_shared>>
    %dma_wait3A_703 = arith.constant 0 : i32
    %dma_wait3A_704 = tpu.memref_slice %arg13[%add3A_337, %dma_wait3A_703] : memref<10008x128xf32, #tpu.memory_space<vmem_shared>> -> memref<8x128xf32, #tpu.memory_space<vmem_shared>>
    tpu.wait_dma2 semaphore(%arg14 : memref<!tpu.dma_semaphore, #tpu.memory_space<semaphore_mem>>) src(%arg12 : memref<8x128xf32, #tpu.memory_space<vmem>>) dst(%dma_wait3A_704 : memref<8x128xf32, #tpu.memory_space<vmem_shared>>)
    %dma_wait3A_705 = arith.constant 0 : i32
    %dma_wait3A_706 = tpu.memref_slice %arg13[%add3A_343, %dma_wait3A_705] : memref<10008x128xf32, #tpu.memory_space<vmem_shared>> -> memref<8x128xf32, #tpu.memory_space<vmem_shared>>
    %dma_wait3A_707 = arith.constant 0 : i32
    %dma_wait3A_708 = tpu.memref_slice %arg13[%add3A_343, %dma_wait3A_707] : memref<10008x128xf32, #tpu.memory_space<vmem_shared>> -> memref<8x128xf32, #tpu.memory_space<vmem_shared>>
    tpu.wait_dma2 semaphore(%arg14 : memref<!tpu.dma_semaphore, #tpu.memory_space<semaphore_mem>>) src(%arg12 : memref<8x128xf32, #tpu.memory_space<vmem>>) dst(%dma_wait3A_708 : memref<8x128xf32, #tpu.memory_space<vmem_shared>>)
    %dma_wait3A_709 = arith.constant 0 : i32
    %dma_wait3A_710 = tpu.memref_slice %arg13[%add3A_349, %dma_wait3A_709] : memref<10008x128xf32, #tpu.memory_space<vmem_shared>> -> memref<8x128xf32, #tpu.memory_space<vmem_shared>>
    %dma_wait3A_711 = arith.constant 0 : i32
    %dma_wait3A_712 = tpu.memref_slice %arg13[%add3A_349, %dma_wait3A_711] : memref<10008x128xf32, #tpu.memory_space<vmem_shared>> -> memref<8x128xf32, #tpu.memory_space<vmem_shared>>
    tpu.wait_dma2 semaphore(%arg14 : memref<!tpu.dma_semaphore, #tpu.memory_space<semaphore_mem>>) src(%arg12 : memref<8x128xf32, #tpu.memory_space<vmem>>) dst(%dma_wait3A_712 : memref<8x128xf32, #tpu.memory_space<vmem_shared>>)
    %dma_wait3A_713 = arith.constant 0 : i32
    %dma_wait3A_714 = tpu.memref_slice %arg13[%add3A_355, %dma_wait3A_713] : memref<10008x128xf32, #tpu.memory_space<vmem_shared>> -> memref<8x128xf32, #tpu.memory_space<vmem_shared>>
    %dma_wait3A_715 = arith.constant 0 : i32
    %dma_wait3A_716 = tpu.memref_slice %arg13[%add3A_355, %dma_wait3A_715] : memref<10008x128xf32, #tpu.memory_space<vmem_shared>> -> memref<8x128xf32, #tpu.memory_space<vmem_shared>>
    tpu.wait_dma2 semaphore(%arg14 : memref<!tpu.dma_semaphore, #tpu.memory_space<semaphore_mem>>) src(%arg12 : memref<8x128xf32, #tpu.memory_space<vmem>>) dst(%dma_wait3A_716 : memref<8x128xf32, #tpu.memory_space<vmem_shared>>)
    %dma_wait3A_717 = arith.constant 0 : i32
    %dma_wait3A_718 = tpu.memref_slice %arg13[%add3A_361, %dma_wait3A_717] : memref<10008x128xf32, #tpu.memory_space<vmem_shared>> -> memref<8x128xf32, #tpu.memory_space<vmem_shared>>
    %dma_wait3A_719 = arith.constant 0 : i32
    %dma_wait3A_720 = tpu.memref_slice %arg13[%add3A_361, %dma_wait3A_719] : memref<10008x128xf32, #tpu.memory_space<vmem_shared>> -> memref<8x128xf32, #tpu.memory_space<vmem_shared>>
    tpu.wait_dma2 semaphore(%arg14 : memref<!tpu.dma_semaphore, #tpu.memory_space<semaphore_mem>>) src(%arg12 : memref<8x128xf32, #tpu.memory_space<vmem>>) dst(%dma_wait3A_720 : memref<8x128xf32, #tpu.memory_space<vmem_shared>>)
    %dma_wait3A_721 = arith.constant 0 : i32
    %dma_wait3A_722 = tpu.memref_slice %arg13[%add3A_367, %dma_wait3A_721] : memref<10008x128xf32, #tpu.memory_space<vmem_shared>> -> memref<8x128xf32, #tpu.memory_space<vmem_shared>>
    %dma_wait3A_723 = arith.constant 0 : i32
    %dma_wait3A_724 = tpu.memref_slice %arg13[%add3A_367, %dma_wait3A_723] : memref<10008x128xf32, #tpu.memory_space<vmem_shared>> -> memref<8x128xf32, #tpu.memory_space<vmem_shared>>
    tpu.wait_dma2 semaphore(%arg14 : memref<!tpu.dma_semaphore, #tpu.memory_space<semaphore_mem>>) src(%arg12 : memref<8x128xf32, #tpu.memory_space<vmem>>) dst(%dma_wait3A_724 : memref<8x128xf32, #tpu.memory_space<vmem_shared>>)
    %dma_wait3A_725 = arith.constant 0 : i32
    %dma_wait3A_726 = tpu.memref_slice %arg13[%add3A_373, %dma_wait3A_725] : memref<10008x128xf32, #tpu.memory_space<vmem_shared>> -> memref<8x128xf32, #tpu.memory_space<vmem_shared>>
    %dma_wait3A_727 = arith.constant 0 : i32
    %dma_wait3A_728 = tpu.memref_slice %arg13[%add3A_373, %dma_wait3A_727] : memref<10008x128xf32, #tpu.memory_space<vmem_shared>> -> memref<8x128xf32, #tpu.memory_space<vmem_shared>>
    tpu.wait_dma2 semaphore(%arg14 : memref<!tpu.dma_semaphore, #tpu.memory_space<semaphore_mem>>) src(%arg12 : memref<8x128xf32, #tpu.memory_space<vmem>>) dst(%dma_wait3A_728 : memref<8x128xf32, #tpu.memory_space<vmem_shared>>)
    %dma_wait3A_729 = arith.constant 0 : i32
    %dma_wait3A_730 = tpu.memref_slice %arg13[%add3A_379, %dma_wait3A_729] : memref<10008x128xf32, #tpu.memory_space<vmem_shared>> -> memref<8x128xf32, #tpu.memory_space<vmem_shared>>
    %dma_wait3A_731 = arith.constant 0 : i32
    %dma_wait3A_732 = tpu.memref_slice %arg13[%add3A_379, %dma_wait3A_731] : memref<10008x128xf32, #tpu.memory_space<vmem_shared>> -> memref<8x128xf32, #tpu.memory_space<vmem_shared>>
    tpu.wait_dma2 semaphore(%arg14 : memref<!tpu.dma_semaphore, #tpu.memory_space<semaphore_mem>>) src(%arg12 : memref<8x128xf32, #tpu.memory_space<vmem>>) dst(%dma_wait3A_732 : memref<8x128xf32, #tpu.memory_space<vmem_shared>>)
    %dma_wait3A_733 = arith.constant 0 : i32
    %dma_wait3A_734 = tpu.memref_slice %arg13[%add3A_385, %dma_wait3A_733] : memref<10008x128xf32, #tpu.memory_space<vmem_shared>> -> memref<8x128xf32, #tpu.memory_space<vmem_shared>>
    %dma_wait3A_735 = arith.constant 0 : i32
    %dma_wait3A_736 = tpu.memref_slice %arg13[%add3A_385, %dma_wait3A_735] : memref<10008x128xf32, #tpu.memory_space<vmem_shared>> -> memref<8x128xf32, #tpu.memory_space<vmem_shared>>
    tpu.wait_dma2 semaphore(%arg14 : memref<!tpu.dma_semaphore, #tpu.memory_space<semaphore_mem>>) src(%arg12 : memref<8x128xf32, #tpu.memory_space<vmem>>) dst(%dma_wait3A_736 : memref<8x128xf32, #tpu.memory_space<vmem_shared>>)
    %dma_wait3A_737 = arith.constant 0 : i32
    %dma_wait3A_738 = tpu.memref_slice %arg13[%add3A_391, %dma_wait3A_737] : memref<10008x128xf32, #tpu.memory_space<vmem_shared>> -> memref<8x128xf32, #tpu.memory_space<vmem_shared>>
    %dma_wait3A_739 = arith.constant 0 : i32
    %dma_wait3A_740 = tpu.memref_slice %arg13[%add3A_391, %dma_wait3A_739] : memref<10008x128xf32, #tpu.memory_space<vmem_shared>> -> memref<8x128xf32, #tpu.memory_space<vmem_shared>>
    tpu.wait_dma2 semaphore(%arg14 : memref<!tpu.dma_semaphore, #tpu.memory_space<semaphore_mem>>) src(%arg12 : memref<8x128xf32, #tpu.memory_space<vmem>>) dst(%dma_wait3A_740 : memref<8x128xf32, #tpu.memory_space<vmem_shared>>)
    %dma_wait3A_741 = arith.constant 0 : i32
    %dma_wait3A_742 = tpu.memref_slice %arg13[%add3A_397, %dma_wait3A_741] : memref<10008x128xf32, #tpu.memory_space<vmem_shared>> -> memref<8x128xf32, #tpu.memory_space<vmem_shared>>
    %dma_wait3A_743 = arith.constant 0 : i32
    %dma_wait3A_744 = tpu.memref_slice %arg13[%add3A_397, %dma_wait3A_743] : memref<10008x128xf32, #tpu.memory_space<vmem_shared>> -> memref<8x128xf32, #tpu.memory_space<vmem_shared>>
    tpu.wait_dma2 semaphore(%arg14 : memref<!tpu.dma_semaphore, #tpu.memory_space<semaphore_mem>>) src(%arg12 : memref<8x128xf32, #tpu.memory_space<vmem>>) dst(%dma_wait3A_744 : memref<8x128xf32, #tpu.memory_space<vmem_shared>>)
    %dma_wait3A_745 = arith.constant 0 : i32
    %dma_wait3A_746 = tpu.memref_slice %arg13[%add3A_403, %dma_wait3A_745] : memref<10008x128xf32, #tpu.memory_space<vmem_shared>> -> memref<8x128xf32, #tpu.memory_space<vmem_shared>>
    %dma_wait3A_747 = arith.constant 0 : i32
    %dma_wait3A_748 = tpu.memref_slice %arg13[%add3A_403, %dma_wait3A_747] : memref<10008x128xf32, #tpu.memory_space<vmem_shared>> -> memref<8x128xf32, #tpu.memory_space<vmem_shared>>
    tpu.wait_dma2 semaphore(%arg14 : memref<!tpu.dma_semaphore, #tpu.memory_space<semaphore_mem>>) src(%arg12 : memref<8x128xf32, #tpu.memory_space<vmem>>) dst(%dma_wait3A_748 : memref<8x128xf32, #tpu.memory_space<vmem_shared>>)
    %dma_wait3A_749 = arith.constant 0 : i32
    %dma_wait3A_750 = tpu.memref_slice %arg13[%add3A_409, %dma_wait3A_749] : memref<10008x128xf32, #tpu.memory_space<vmem_shared>> -> memref<8x128xf32, #tpu.memory_space<vmem_shared>>
    %dma_wait3A_751 = arith.constant 0 : i32
    %dma_wait3A_752 = tpu.memref_slice %arg13[%add3A_409, %dma_wait3A_751] : memref<10008x128xf32, #tpu.memory_space<vmem_shared>> -> memref<8x128xf32, #tpu.memory_space<vmem_shared>>
    tpu.wait_dma2 semaphore(%arg14 : memref<!tpu.dma_semaphore, #tpu.memory_space<semaphore_mem>>) src(%arg12 : memref<8x128xf32, #tpu.memory_space<vmem>>) dst(%dma_wait3A_752 : memref<8x128xf32, #tpu.memory_space<vmem_shared>>)
    %dma_wait3A_753 = arith.constant 0 : i32
    %dma_wait3A_754 = tpu.memref_slice %arg13[%add3A_415, %dma_wait3A_753] : memref<10008x128xf32, #tpu.memory_space<vmem_shared>> -> memref<8x128xf32, #tpu.memory_space<vmem_shared>>
    %dma_wait3A_755 = arith.constant 0 : i32
    %dma_wait3A_756 = tpu.memref_slice %arg13[%add3A_415, %dma_wait3A_755] : memref<10008x128xf32, #tpu.memory_space<vmem_shared>> -> memref<8x128xf32, #tpu.memory_space<vmem_shared>>
    tpu.wait_dma2 semaphore(%arg14 : memref<!tpu.dma_semaphore, #tpu.memory_space<semaphore_mem>>) src(%arg12 : memref<8x128xf32, #tpu.memory_space<vmem>>) dst(%dma_wait3A_756 : memref<8x128xf32, #tpu.memory_space<vmem_shared>>)
    %dma_wait3A_757 = arith.constant 0 : i32
    %dma_wait3A_758 = tpu.memref_slice %arg13[%add3A_421, %dma_wait3A_757] : memref<10008x128xf32, #tpu.memory_space<vmem_shared>> -> memref<8x128xf32, #tpu.memory_space<vmem_shared>>
    %dma_wait3A_759 = arith.constant 0 : i32
    %dma_wait3A_760 = tpu.memref_slice %arg13[%add3A_421, %dma_wait3A_759] : memref<10008x128xf32, #tpu.memory_space<vmem_shared>> -> memref<8x128xf32, #tpu.memory_space<vmem_shared>>
    tpu.wait_dma2 semaphore(%arg14 : memref<!tpu.dma_semaphore, #tpu.memory_space<semaphore_mem>>) src(%arg12 : memref<8x128xf32, #tpu.memory_space<vmem>>) dst(%dma_wait3A_760 : memref<8x128xf32, #tpu.memory_space<vmem_shared>>)
    %dma_wait3A_761 = arith.constant 0 : i32
    %dma_wait3A_762 = tpu.memref_slice %arg13[%add3A_427, %dma_wait3A_761] : memref<10008x128xf32, #tpu.memory_space<vmem_shared>> -> memref<8x128xf32, #tpu.memory_space<vmem_shared>>
    %dma_wait3A_763 = arith.constant 0 : i32
    %dma_wait3A_764 = tpu.memref_slice %arg13[%add3A_427, %dma_wait3A_763] : memref<10008x128xf32, #tpu.memory_space<vmem_shared>> -> memref<8x128xf32, #tpu.memory_space<vmem_shared>>
    tpu.wait_dma2 semaphore(%arg14 : memref<!tpu.dma_semaphore, #tpu.memory_space<semaphore_mem>>) src(%arg12 : memref<8x128xf32, #tpu.memory_space<vmem>>) dst(%dma_wait3A_764 : memref<8x128xf32, #tpu.memory_space<vmem_shared>>)
    %dma_wait3A_765 = arith.constant 0 : i32
    %dma_wait3A_766 = tpu.memref_slice %arg13[%add3A_433, %dma_wait3A_765] : memref<10008x128xf32, #tpu.memory_space<vmem_shared>> -> memref<8x128xf32, #tpu.memory_space<vmem_shared>>
    %dma_wait3A_767 = arith.constant 0 : i32
    %dma_wait3A_768 = tpu.memref_slice %arg13[%add3A_433, %dma_wait3A_767] : memref<10008x128xf32, #tpu.memory_space<vmem_shared>> -> memref<8x128xf32, #tpu.memory_space<vmem_shared>>
    tpu.wait_dma2 semaphore(%arg14 : memref<!tpu.dma_semaphore, #tpu.memory_space<semaphore_mem>>) src(%arg12 : memref<8x128xf32, #tpu.memory_space<vmem>>) dst(%dma_wait3A_768 : memref<8x128xf32, #tpu.memory_space<vmem_shared>>)
    %dma_wait3A_769 = arith.constant 0 : i32
    %dma_wait3A_770 = tpu.memref_slice %arg13[%add3A_439, %dma_wait3A_769] : memref<10008x128xf32, #tpu.memory_space<vmem_shared>> -> memref<8x128xf32, #tpu.memory_space<vmem_shared>>
    %dma_wait3A_771 = arith.constant 0 : i32
    %dma_wait3A_772 = tpu.memref_slice %arg13[%add3A_439, %dma_wait3A_771] : memref<10008x128xf32, #tpu.memory_space<vmem_shared>> -> memref<8x128xf32, #tpu.memory_space<vmem_shared>>
    tpu.wait_dma2 semaphore(%arg14 : memref<!tpu.dma_semaphore, #tpu.memory_space<semaphore_mem>>) src(%arg12 : memref<8x128xf32, #tpu.memory_space<vmem>>) dst(%dma_wait3A_772 : memref<8x128xf32, #tpu.memory_space<vmem_shared>>)
    %dma_wait3A_773 = arith.constant 0 : i32
    %dma_wait3A_774 = tpu.memref_slice %arg13[%add3A_445, %dma_wait3A_773] : memref<10008x128xf32, #tpu.memory_space<vmem_shared>> -> memref<8x128xf32, #tpu.memory_space<vmem_shared>>
    %dma_wait3A_775 = arith.constant 0 : i32
    %dma_wait3A_776 = tpu.memref_slice %arg13[%add3A_445, %dma_wait3A_775] : memref<10008x128xf32, #tpu.memory_space<vmem_shared>> -> memref<8x128xf32, #tpu.memory_space<vmem_shared>>
    tpu.wait_dma2 semaphore(%arg14 : memref<!tpu.dma_semaphore, #tpu.memory_space<semaphore_mem>>) src(%arg12 : memref<8x128xf32, #tpu.memory_space<vmem>>) dst(%dma_wait3A_776 : memref<8x128xf32, #tpu.memory_space<vmem_shared>>)
    %dma_wait3A_777 = arith.constant 0 : i32
    %dma_wait3A_778 = tpu.memref_slice %arg13[%add3A_451, %dma_wait3A_777] : memref<10008x128xf32, #tpu.memory_space<vmem_shared>> -> memref<8x128xf32, #tpu.memory_space<vmem_shared>>
    %dma_wait3A_779 = arith.constant 0 : i32
    %dma_wait3A_780 = tpu.memref_slice %arg13[%add3A_451, %dma_wait3A_779] : memref<10008x128xf32, #tpu.memory_space<vmem_shared>> -> memref<8x128xf32, #tpu.memory_space<vmem_shared>>
    tpu.wait_dma2 semaphore(%arg14 : memref<!tpu.dma_semaphore, #tpu.memory_space<semaphore_mem>>) src(%arg12 : memref<8x128xf32, #tpu.memory_space<vmem>>) dst(%dma_wait3A_780 : memref<8x128xf32, #tpu.memory_space<vmem_shared>>)
    %dma_wait3A_781 = arith.constant 0 : i32
    %dma_wait3A_782 = tpu.memref_slice %arg13[%add3A_457, %dma_wait3A_781] : memref<10008x128xf32, #tpu.memory_space<vmem_shared>> -> memref<8x128xf32, #tpu.memory_space<vmem_shared>>
    %dma_wait3A_783 = arith.constant 0 : i32
    %dma_wait3A_784 = tpu.memref_slice %arg13[%add3A_457, %dma_wait3A_783] : memref<10008x128xf32, #tpu.memory_space<vmem_shared>> -> memref<8x128xf32, #tpu.memory_space<vmem_shared>>
    tpu.wait_dma2 semaphore(%arg14 : memref<!tpu.dma_semaphore, #tpu.memory_space<semaphore_mem>>) src(%arg12 : memref<8x128xf32, #tpu.memory_space<vmem>>) dst(%dma_wait3A_784 : memref<8x128xf32, #tpu.memory_space<vmem_shared>>)
    %dma_wait3A_785 = arith.constant 0 : i32
    %dma_wait3A_786 = tpu.memref_slice %arg13[%add3A_463, %dma_wait3A_785] : memref<10008x128xf32, #tpu.memory_space<vmem_shared>> -> memref<8x128xf32, #tpu.memory_space<vmem_shared>>
    %dma_wait3A_787 = arith.constant 0 : i32
    %dma_wait3A_788 = tpu.memref_slice %arg13[%add3A_463, %dma_wait3A_787] : memref<10008x128xf32, #tpu.memory_space<vmem_shared>> -> memref<8x128xf32, #tpu.memory_space<vmem_shared>>
    tpu.wait_dma2 semaphore(%arg14 : memref<!tpu.dma_semaphore, #tpu.memory_space<semaphore_mem>>) src(%arg12 : memref<8x128xf32, #tpu.memory_space<vmem>>) dst(%dma_wait3A_788 : memref<8x128xf32, #tpu.memory_space<vmem_shared>>)
    %dma_wait3A_789 = arith.constant 0 : i32
    %dma_wait3A_790 = tpu.memref_slice %arg13[%add3A_469, %dma_wait3A_789] : memref<10008x128xf32, #tpu.memory_space<vmem_shared>> -> memref<8x128xf32, #tpu.memory_space<vmem_shared>>
    %dma_wait3A_791 = arith.constant 0 : i32
    %dma_wait3A_792 = tpu.memref_slice %arg13[%add3A_469, %dma_wait3A_791] : memref<10008x128xf32, #tpu.memory_space<vmem_shared>> -> memref<8x128xf32, #tpu.memory_space<vmem_shared>>
    tpu.wait_dma2 semaphore(%arg14 : memref<!tpu.dma_semaphore, #tpu.memory_space<semaphore_mem>>) src(%arg12 : memref<8x128xf32, #tpu.memory_space<vmem>>) dst(%dma_wait3A_792 : memref<8x128xf32, #tpu.memory_space<vmem_shared>>)
    %dma_wait3A_793 = arith.constant 0 : i32
    %dma_wait3A_794 = tpu.memref_slice %arg13[%add3A_475, %dma_wait3A_793] : memref<10008x128xf32, #tpu.memory_space<vmem_shared>> -> memref<8x128xf32, #tpu.memory_space<vmem_shared>>
    %dma_wait3A_795 = arith.constant 0 : i32
    %dma_wait3A_796 = tpu.memref_slice %arg13[%add3A_475, %dma_wait3A_795] : memref<10008x128xf32, #tpu.memory_space<vmem_shared>> -> memref<8x128xf32, #tpu.memory_space<vmem_shared>>
    tpu.wait_dma2 semaphore(%arg14 : memref<!tpu.dma_semaphore, #tpu.memory_space<semaphore_mem>>) src(%arg12 : memref<8x128xf32, #tpu.memory_space<vmem>>) dst(%dma_wait3A_796 : memref<8x128xf32, #tpu.memory_space<vmem_shared>>)
    %dma_wait3A_797 = arith.constant 0 : i32
    %dma_wait3A_798 = tpu.memref_slice %arg13[%add3A_481, %dma_wait3A_797] : memref<10008x128xf32, #tpu.memory_space<vmem_shared>> -> memref<8x128xf32, #tpu.memory_space<vmem_shared>>
    %dma_wait3A_799 = arith.constant 0 : i32
    %dma_wait3A_800 = tpu.memref_slice %arg13[%add3A_481, %dma_wait3A_799] : memref<10008x128xf32, #tpu.memory_space<vmem_shared>> -> memref<8x128xf32, #tpu.memory_space<vmem_shared>>
    tpu.wait_dma2 semaphore(%arg14 : memref<!tpu.dma_semaphore, #tpu.memory_space<semaphore_mem>>) src(%arg12 : memref<8x128xf32, #tpu.memory_space<vmem>>) dst(%dma_wait3A_800 : memref<8x128xf32, #tpu.memory_space<vmem_shared>>)
    %dma_wait3A_801 = arith.constant 0 : i32
    %dma_wait3A_802 = tpu.memref_slice %arg13[%add3A_487, %dma_wait3A_801] : memref<10008x128xf32, #tpu.memory_space<vmem_shared>> -> memref<8x128xf32, #tpu.memory_space<vmem_shared>>
    %dma_wait3A_803 = arith.constant 0 : i32
    %dma_wait3A_804 = tpu.memref_slice %arg13[%add3A_487, %dma_wait3A_803] : memref<10008x128xf32, #tpu.memory_space<vmem_shared>> -> memref<8x128xf32, #tpu.memory_space<vmem_shared>>
    tpu.wait_dma2 semaphore(%arg14 : memref<!tpu.dma_semaphore, #tpu.memory_space<semaphore_mem>>) src(%arg12 : memref<8x128xf32, #tpu.memory_space<vmem>>) dst(%dma_wait3A_804 : memref<8x128xf32, #tpu.memory_space<vmem_shared>>)
    %dma_wait3A_805 = arith.constant 0 : i32
    %dma_wait3A_806 = arith.constant 0 : i32
    %dma_wait3A_807 = arith.constant 0 : i32
    %dma_wait3A_808 = tpu.memref_slice %arg3[%add3A, %dma_wait3A_805, %dma_wait3A_806, %dma_wait3A_807] : memref<32x2x40x128xi32, #tpu.memory_space<hbm>> -> memref<1x1x40x128xi32, #tpu.memory_space<hbm>>
    %dma_wait3A_809 = tpu.memref_squeeze %dma_wait3A_808 : memref<1x1x40x128xi32, #tpu.memory_space<hbm>> -> memref<40x128xi32, #tpu.memory_space<hbm>>
    %dma_wait3A_810 = arith.constant 0 : i32
    %dma_wait3A_811 = arith.constant 0 : i32
    %dma_wait3A_812 = tpu.memref_slice %arg3[%add3A, %dma_wait3A_805, %dma_wait3A_810, %dma_wait3A_811] : memref<32x2x40x128xi32, #tpu.memory_space<hbm>> -> memref<1x1x40x128xi32, #tpu.memory_space<hbm>>
    %dma_wait3A_813 = tpu.memref_squeeze %dma_wait3A_812 : memref<1x1x40x128xi32, #tpu.memory_space<hbm>> -> memref<40x128xi32, #tpu.memory_space<hbm>>
    tpu.wait_dma2 semaphore(%arg15 : memref<!tpu.dma_semaphore, #tpu.memory_space<semaphore_mem>>) src(%dma_wait3A_813 : memref<40x128xi32, #tpu.memory_space<hbm>>) dst(%arg10 : memref<40x128xi32, #tpu.memory_space<vmem>>)
    %dma_wait3A_814 = arith.constant 0 : i32
    %dma_wait3A_815 = arith.constant 0 : i32
    %dma_wait3A_816 = arith.constant 0 : i32
    %dma_wait3A_817 = tpu.memref_slice %arg4[%add3A, %dma_wait3A_814, %dma_wait3A_815, %dma_wait3A_816] : memref<32x2x40x128xi32, #tpu.memory_space<hbm>> -> memref<1x1x40x128xi32, #tpu.memory_space<hbm>>
    %dma_wait3A_818 = tpu.memref_squeeze %dma_wait3A_817 : memref<1x1x40x128xi32, #tpu.memory_space<hbm>> -> memref<40x128xi32, #tpu.memory_space<hbm>>
    %dma_wait3A_819 = arith.constant 0 : i32
    %dma_wait3A_820 = arith.constant 0 : i32
    %dma_wait3A_821 = tpu.memref_slice %arg4[%add3A, %dma_wait3A_814, %dma_wait3A_819, %dma_wait3A_820] : memref<32x2x40x128xi32, #tpu.memory_space<hbm>> -> memref<1x1x40x128xi32, #tpu.memory_space<hbm>>
    %dma_wait3A_822 = tpu.memref_squeeze %dma_wait3A_821 : memref<1x1x40x128xi32, #tpu.memory_space<hbm>> -> memref<40x128xi32, #tpu.memory_space<hbm>>
    tpu.wait_dma2 semaphore(%arg15 : memref<!tpu.dma_semaphore, #tpu.memory_space<semaphore_mem>>) src(%dma_wait3A_822 : memref<40x128xi32, #tpu.memory_space<hbm>>) dst(%arg11 : memref<40x128xi32, #tpu.memory_space<vmem>>)
    %barrier3A = arith.constant 0 : index
    tpu.barrier barrier_id(%barrier3A)
    %dma_start3A_823 = arith.constant 0 : i32
    %dma_start3A_824 = arith.constant 0 : i32
    %dma_start3A_825 = arith.constant 0 : i32
    %dma_start3A_826 = tpu.memref_slice %arg10[%dma_start3A_823, %dma_start3A_825] : memref<40x128xi32, #tpu.memory_space<vmem>> -> memref<1x64xi32, #tpu.memory_space<vmem>>
    %dma_start3A_827 = tpu.memref_squeeze %dma_start3A_826 : memref<1x64xi32, #tpu.memory_space<vmem>> -> memref<64xi32, #tpu.memory_space<vmem>>
    %dma_start3A_828 = arith.constant 0 : i32
    %dma_start3A_829 = arith.constant 0 : i32
    %dma_start3A_830 = tpu.memref_slice %arg2[%dma_start3A_828, %dma_start3A_829] : memref<10000x128xf32, #tpu.memory_space<hbm>> -> memref<10000x128xf32, #tpu.memory_space<hbm>>
    %dma_start3A_831 = tpu.memref_slice %arg16[%dma_start3A_824] : memref<4x!tpu.dma_semaphore, #tpu.memory_space<semaphore_mem>> -> memref<1x!tpu.dma_semaphore, #tpu.memory_space<semaphore_mem>>
    %dma_start3A_832 = tpu.memref_squeeze %dma_start3A_831 : memref<1x!tpu.dma_semaphore, #tpu.memory_space<semaphore_mem>> -> memref<!tpu.dma_semaphore, #tpu.memory_space<semaphore_mem>>
    tpu.enqueue_indirect_dma source(%dma_start3A_830 : memref<10000x128xf32, #tpu.memory_space<hbm>>) target(%arg6 : memref<64x128xf32, #tpu.memory_space<vmem>>) offsets(%dma_start3A_827 : memref<64xi32, #tpu.memory_space<vmem>>) semaphore(%dma_start3A_832 : memref<!tpu.dma_semaphore, #tpu.memory_space<semaphore_mem>>)
    %dma_start3A_833 = arith.constant 0 : i32
    %dma_start3A_834 = arith.constant 1 : i32
    %dma_start3A_835 = arith.constant 64 : i32
    %dma_start3A_836 = tpu.memref_slice %arg10[%dma_start3A_833, %dma_start3A_835] : memref<40x128xi32, #tpu.memory_space<vmem>> -> memref<1x64xi32, #tpu.memory_space<vmem>>
    %dma_start3A_837 = tpu.memref_squeeze %dma_start3A_836 : memref<1x64xi32, #tpu.memory_space<vmem>> -> memref<64xi32, #tpu.memory_space<vmem>>
    %dma_start3A_838 = arith.constant 0 : i32
    %dma_start3A_839 = arith.constant 0 : i32
    %dma_start3A_840 = tpu.memref_slice %arg2[%dma_start3A_838, %dma_start3A_839] : memref<10000x128xf32, #tpu.memory_space<hbm>> -> memref<10000x128xf32, #tpu.memory_space<hbm>>
    %dma_start3A_841 = tpu.memref_slice %arg16[%dma_start3A_834] : memref<4x!tpu.dma_semaphore, #tpu.memory_space<semaphore_mem>> -> memref<1x!tpu.dma_semaphore, #tpu.memory_space<semaphore_mem>>
    %dma_start3A_842 = tpu.memref_squeeze %dma_start3A_841 : memref<1x!tpu.dma_semaphore, #tpu.memory_space<semaphore_mem>> -> memref<!tpu.dma_semaphore, #tpu.memory_space<semaphore_mem>>
    tpu.enqueue_indirect_dma source(%dma_start3A_840 : memref<10000x128xf32, #tpu.memory_space<hbm>>) target(%arg7 : memref<64x128xf32, #tpu.memory_space<vmem>>) offsets(%dma_start3A_837 : memref<64xi32, #tpu.memory_space<vmem>>) semaphore(%dma_start3A_842 : memref<!tpu.dma_semaphore, #tpu.memory_space<semaphore_mem>>)
    %dma_start3A_843 = arith.constant 1 : i32
    %dma_start3A_844 = arith.constant 2 : i32
    %dma_start3A_845 = arith.constant 0 : i32
    %dma_start3A_846 = tpu.memref_slice %arg10[%dma_start3A_843, %dma_start3A_845] : memref<40x128xi32, #tpu.memory_space<vmem>> -> memref<1x64xi32, #tpu.memory_space<vmem>>
    %dma_start3A_847 = tpu.memref_squeeze %dma_start3A_846 : memref<1x64xi32, #tpu.memory_space<vmem>> -> memref<64xi32, #tpu.memory_space<vmem>>
    %dma_start3A_848 = arith.constant 0 : i32
    %dma_start3A_849 = arith.constant 0 : i32
    %dma_start3A_850 = tpu.memref_slice %arg2[%dma_start3A_848, %dma_start3A_849] : memref<10000x128xf32, #tpu.memory_space<hbm>> -> memref<10000x128xf32, #tpu.memory_space<hbm>>
    %dma_start3A_851 = tpu.memref_slice %arg16[%dma_start3A_844] : memref<4x!tpu.dma_semaphore, #tpu.memory_space<semaphore_mem>> -> memref<1x!tpu.dma_semaphore, #tpu.memory_space<semaphore_mem>>
    %dma_start3A_852 = tpu.memref_squeeze %dma_start3A_851 : memref<1x!tpu.dma_semaphore, #tpu.memory_space<semaphore_mem>> -> memref<!tpu.dma_semaphore, #tpu.memory_space<semaphore_mem>>
    tpu.enqueue_indirect_dma source(%dma_start3A_850 : memref<10000x128xf32, #tpu.memory_space<hbm>>) target(%arg8 : memref<64x128xf32, #tpu.memory_space<vmem>>) offsets(%dma_start3A_847 : memref<64xi32, #tpu.memory_space<vmem>>) semaphore(%dma_start3A_852 : memref<!tpu.dma_semaphore, #tpu.memory_space<semaphore_mem>>)
    %dma_start3A_853 = arith.constant 1 : i32
    %dma_start3A_854 = arith.constant 3 : i32
    %dma_start3A_855 = arith.constant 64 : i32
    %dma_start3A_856 = tpu.memref_slice %arg10[%dma_start3A_853, %dma_start3A_855] : memref<40x128xi32, #tpu.memory_space<vmem>> -> memref<1x64xi32, #tpu.memory_space<vmem>>
    %dma_start3A_857 = tpu.memref_squeeze %dma_start3A_856 : memref<1x64xi32, #tpu.memory_space<vmem>> -> memref<64xi32, #tpu.memory_space<vmem>>
    %dma_start3A_858 = arith.constant 0 : i32
    %dma_start3A_859 = arith.constant 0 : i32
    %dma_start3A_860 = tpu.memref_slice %arg2[%dma_start3A_858, %dma_start3A_859] : memref<10000x128xf32, #tpu.memory_space<hbm>> -> memref<10000x128xf32, #tpu.memory_space<hbm>>
    %dma_start3A_861 = tpu.memref_slice %arg16[%dma_start3A_854] : memref<4x!tpu.dma_semaphore, #tpu.memory_space<semaphore_mem>> -> memref<1x!tpu.dma_semaphore, #tpu.memory_space<semaphore_mem>>
    %dma_start3A_862 = tpu.memref_squeeze %dma_start3A_861 : memref<1x!tpu.dma_semaphore, #tpu.memory_space<semaphore_mem>> -> memref<!tpu.dma_semaphore, #tpu.memory_space<semaphore_mem>>
    tpu.enqueue_indirect_dma source(%dma_start3A_860 : memref<10000x128xf32, #tpu.memory_space<hbm>>) target(%arg9 : memref<64x128xf32, #tpu.memory_space<vmem>>) offsets(%dma_start3A_857 : memref<64xi32, #tpu.memory_space<vmem>>) semaphore(%dma_start3A_862 : memref<!tpu.dma_semaphore, #tpu.memory_space<semaphore_mem>>)
    %scan3A_863 = arith.constant 0 : i32
    %scan3A_864 = arith.constant 20 : i32
    %scan3A_865 = arith.addi %scan3A_863, %scan3A_864 : i32
    %scan3A_866 = arith.constant 1 : i32
    scf.for %scan3A_1039 = %scan3A_863 to %scan3A_865 step %scan3A_866  : i32 {
      %mul3A_1040 = arith.constant 1 : i32
      %mul3A_1041 = arith.muli %scan3A_1039, %mul3A_1040 : i32
      %add3A_1042 = arith.constant 0 : i32
      %add3A_1043 = arith.addi %add3A_1042, %mul3A_1041 : i32
      %dma_wait3A_1044 = arith.constant 0 : i32
      %dma_wait3A_1045 = arith.constant 0 : i32
      %dma_wait3A_1046 = arith.constant 0 : i32
      %dma_wait3A_1047 = tpu.memref_slice %arg10[%dma_wait3A_1044, %dma_wait3A_1046] : memref<40x128xi32, #tpu.memory_space<vmem>> -> memref<1x64xi32, #tpu.memory_space<vmem>>
      %dma_wait3A_1048 = tpu.memref_squeeze %dma_wait3A_1047 : memref<1x64xi32, #tpu.memory_space<vmem>> -> memref<64xi32, #tpu.memory_space<vmem>>
      %dma_wait3A_1049 = arith.constant 0 : i32
      %dma_wait3A_1050 = arith.constant 0 : i32
      %dma_wait3A_1051 = tpu.memref_slice %arg2[%dma_wait3A_1049, %dma_wait3A_1050] : memref<10000x128xf32, #tpu.memory_space<hbm>> -> memref<10000x128xf32, #tpu.memory_space<hbm>>
      %dma_wait3A_1052 = tpu.memref_slice %arg16[%dma_wait3A_1045] : memref<4x!tpu.dma_semaphore, #tpu.memory_space<semaphore_mem>> -> memref<1x!tpu.dma_semaphore, #tpu.memory_space<semaphore_mem>>
      %dma_wait3A_1053 = tpu.memref_squeeze %dma_wait3A_1052 : memref<1x!tpu.dma_semaphore, #tpu.memory_space<semaphore_mem>> -> memref<!tpu.dma_semaphore, #tpu.memory_space<semaphore_mem>>
      tpu.wait_indirect_dma semaphore(%dma_wait3A_1053 : memref<!tpu.dma_semaphore, #tpu.memory_space<semaphore_mem>>) src(%dma_wait3A_1051 : memref<10000x128xf32, #tpu.memory_space<hbm>>) dst(%arg6 : memref<64x128xf32, #tpu.memory_space<vmem>>)
      %mul3A_1054 = arith.constant 2 : i32
      %mul3A_1055 = arith.muli %add3A_1043, %mul3A_1054 : i32
      %add3A_1056 = arith.constant 0 : i32
      %add3A_1057 = arith.addi %mul3A_1055, %add3A_1056 : i32
      %dma_start3A_1058 = arith.constant 0 : i32
      %dma_start3A_1059 = arith.constant 0 : i32
      %dma_start3A_1060 = tpu.memref_slice %arg11[%add3A_1057, %dma_start3A_1059] : memref<40x128xi32, #tpu.memory_space<vmem>> -> memref<1x64xi32, #tpu.memory_space<vmem>>
      %dma_start3A_1061 = tpu.memref_squeeze %dma_start3A_1060 : memref<1x64xi32, #tpu.memory_space<vmem>> -> memref<64xi32, #tpu.memory_space<vmem>>
      %dma_start3A_1062 = arith.constant 0 : i32
      %dma_start3A_1063 = arith.constant 0 : i32
      %dma_start3A_1064 = tpu.memref_slice %arg13[%dma_start3A_1062, %dma_start3A_1063] : memref<10008x128xf32, #tpu.memory_space<vmem_shared>> -> memref<10008x128xf32, #tpu.memory_space<vmem_shared>>
      %dma_start3A_1065 = tpu.memref_slice %arg17[%dma_start3A_1058] : memref<4x!tpu.dma_semaphore, #tpu.memory_space<semaphore_mem>> -> memref<1x!tpu.dma_semaphore, #tpu.memory_space<semaphore_mem>>
      %dma_start3A_1066 = tpu.memref_squeeze %dma_start3A_1065 : memref<1x!tpu.dma_semaphore, #tpu.memory_space<semaphore_mem>> -> memref<!tpu.dma_semaphore, #tpu.memory_space<semaphore_mem>>
      tpu.enqueue_indirect_dma source(%arg6 : memref<64x128xf32, #tpu.memory_space<vmem>>) target(%dma_start3A_1064 : memref<10008x128xf32, #tpu.memory_space<vmem_shared>>) offsets(%dma_start3A_1061 : memref<64xi32, #tpu.memory_space<vmem>>) semaphore(%dma_start3A_1066 : memref<!tpu.dma_semaphore, #tpu.memory_space<semaphore_mem>>) {add = true}
      %lt3A_1067 = arith.constant 19 : i32
      %lt3A_1068 = arith.cmpi slt, %add3A_1043, %lt3A_1067 : i32
      %convert_element_type3A_1069 = arith.extui %lt3A_1068 : i1 to i32
      %cond3A_1070 = arith.constant 0 : i32
      %cond3A_1071 = arith.cmpi ne, %convert_element_type3A_1069, %cond3A_1070 : i32
      scf.if %cond3A_1071 {
        %dma_wait3A_1156 = arith.constant 0 : i32
        %dma_wait3A_1157 = arith.constant 0 : i32
        %dma_wait3A_1158 = arith.constant 0 : i32
        %dma_wait3A_1159 = tpu.memref_slice %arg11[%dma_wait3A_1156, %dma_wait3A_1158] : memref<40x128xi32, #tpu.memory_space<vmem>> -> memref<1x64xi32, #tpu.memory_space<vmem>>
        %dma_wait3A_1160 = tpu.memref_squeeze %dma_wait3A_1159 : memref<1x64xi32, #tpu.memory_space<vmem>> -> memref<64xi32, #tpu.memory_space<vmem>>
        %dma_wait3A_1161 = arith.constant 0 : i32
        %dma_wait3A_1162 = arith.constant 0 : i32
        %dma_wait3A_1163 = tpu.memref_slice %arg13[%dma_wait3A_1161, %dma_wait3A_1162] : memref<10008x128xf32, #tpu.memory_space<vmem_shared>> -> memref<10008x128xf32, #tpu.memory_space<vmem_shared>>
        %dma_wait3A_1164 = tpu.memref_slice %arg17[%dma_wait3A_1157] : memref<4x!tpu.dma_semaphore, #tpu.memory_space<semaphore_mem>> -> memref<1x!tpu.dma_semaphore, #tpu.memory_space<semaphore_mem>>
        %dma_wait3A_1165 = tpu.memref_squeeze %dma_wait3A_1164 : memref<1x!tpu.dma_semaphore, #tpu.memory_space<semaphore_mem>> -> memref<!tpu.dma_semaphore, #tpu.memory_space<semaphore_mem>>
        tpu.wait_indirect_dma semaphore(%dma_wait3A_1165 : memref<!tpu.dma_semaphore, #tpu.memory_space<semaphore_mem>>) src(%arg6 : memref<64x128xf32, #tpu.memory_space<vmem>>) dst(%dma_wait3A_1163 : memref<10008x128xf32, #tpu.memory_space<vmem_shared>>)
        %add3A_1166 = arith.constant 1 : i32
        %add3A_1167 = arith.addi %add3A_1043, %add3A_1166 : i32
        %mul3A_1168 = arith.constant 2 : i32
        %mul3A_1169 = arith.muli %add3A_1167, %mul3A_1168 : i32
        %add3A_1170 = arith.constant 0 : i32
        %add3A_1171 = arith.addi %mul3A_1169, %add3A_1170 : i32
        %dma_start3A_1172 = arith.constant 0 : i32
        %dma_start3A_1173 = arith.constant 0 : i32
        %dma_start3A_1174 = tpu.memref_slice %arg10[%add3A_1171, %dma_start3A_1173] : memref<40x128xi32, #tpu.memory_space<vmem>> -> memref<1x64xi32, #tpu.memory_space<vmem>>
        %dma_start3A_1175 = tpu.memref_squeeze %dma_start3A_1174 : memref<1x64xi32, #tpu.memory_space<vmem>> -> memref<64xi32, #tpu.memory_space<vmem>>
        %dma_start3A_1176 = arith.constant 0 : i32
        %dma_start3A_1177 = arith.constant 0 : i32
        %dma_start3A_1178 = tpu.memref_slice %arg2[%dma_start3A_1176, %dma_start3A_1177] : memref<10000x128xf32, #tpu.memory_space<hbm>> -> memref<10000x128xf32, #tpu.memory_space<hbm>>
        %dma_start3A_1179 = tpu.memref_slice %arg16[%dma_start3A_1172] : memref<4x!tpu.dma_semaphore, #tpu.memory_space<semaphore_mem>> -> memref<1x!tpu.dma_semaphore, #tpu.memory_space<semaphore_mem>>
        %dma_start3A_1180 = tpu.memref_squeeze %dma_start3A_1179 : memref<1x!tpu.dma_semaphore, #tpu.memory_space<semaphore_mem>> -> memref<!tpu.dma_semaphore, #tpu.memory_space<semaphore_mem>>
        tpu.enqueue_indirect_dma source(%dma_start3A_1178 : memref<10000x128xf32, #tpu.memory_space<hbm>>) target(%arg6 : memref<64x128xf32, #tpu.memory_space<vmem>>) offsets(%dma_start3A_1175 : memref<64xi32, #tpu.memory_space<vmem>>) semaphore(%dma_start3A_1180 : memref<!tpu.dma_semaphore, #tpu.memory_space<semaphore_mem>>)
      } else {
      }
      %dma_wait3A_1072 = arith.constant 0 : i32
      %dma_wait3A_1073 = arith.constant 1 : i32
      %dma_wait3A_1074 = arith.constant 64 : i32
      %dma_wait3A_1075 = tpu.memref_slice %arg10[%dma_wait3A_1072, %dma_wait3A_1074] : memref<40x128xi32, #tpu.memory_space<vmem>> -> memref<1x64xi32, #tpu.memory_space<vmem>>
      %dma_wait3A_1076 = tpu.memref_squeeze %dma_wait3A_1075 : memref<1x64xi32, #tpu.memory_space<vmem>> -> memref<64xi32, #tpu.memory_space<vmem>>
      %dma_wait3A_1077 = arith.constant 0 : i32
      %dma_wait3A_1078 = arith.constant 0 : i32
      %dma_wait3A_1079 = tpu.memref_slice %arg2[%dma_wait3A_1077, %dma_wait3A_1078] : memref<10000x128xf32, #tpu.memory_space<hbm>> -> memref<10000x128xf32, #tpu.memory_space<hbm>>
      %dma_wait3A_1080 = tpu.memref_slice %arg16[%dma_wait3A_1073] : memref<4x!tpu.dma_semaphore, #tpu.memory_space<semaphore_mem>> -> memref<1x!tpu.dma_semaphore, #tpu.memory_space<semaphore_mem>>
      %dma_wait3A_1081 = tpu.memref_squeeze %dma_wait3A_1080 : memref<1x!tpu.dma_semaphore, #tpu.memory_space<semaphore_mem>> -> memref<!tpu.dma_semaphore, #tpu.memory_space<semaphore_mem>>
      tpu.wait_indirect_dma semaphore(%dma_wait3A_1081 : memref<!tpu.dma_semaphore, #tpu.memory_space<semaphore_mem>>) src(%dma_wait3A_1079 : memref<10000x128xf32, #tpu.memory_space<hbm>>) dst(%arg7 : memref<64x128xf32, #tpu.memory_space<vmem>>)
      %mul3A_1082 = arith.constant 2 : i32
      %mul3A_1083 = arith.muli %add3A_1043, %mul3A_1082 : i32
      %add3A_1084 = arith.constant 0 : i32
      %add3A_1085 = arith.addi %mul3A_1083, %add3A_1084 : i32
      %dma_start3A_1086 = arith.constant 1 : i32
      %dma_start3A_1087 = arith.constant 64 : i32
      %dma_start3A_1088 = tpu.memref_slice %arg11[%add3A_1085, %dma_start3A_1087] : memref<40x128xi32, #tpu.memory_space<vmem>> -> memref<1x64xi32, #tpu.memory_space<vmem>>
      %dma_start3A_1089 = tpu.memref_squeeze %dma_start3A_1088 : memref<1x64xi32, #tpu.memory_space<vmem>> -> memref<64xi32, #tpu.memory_space<vmem>>
      %dma_start3A_1090 = arith.constant 0 : i32
      %dma_start3A_1091 = arith.constant 0 : i32
      %dma_start3A_1092 = tpu.memref_slice %arg13[%dma_start3A_1090, %dma_start3A_1091] : memref<10008x128xf32, #tpu.memory_space<vmem_shared>> -> memref<10008x128xf32, #tpu.memory_space<vmem_shared>>
      %dma_start3A_1093 = tpu.memref_slice %arg17[%dma_start3A_1086] : memref<4x!tpu.dma_semaphore, #tpu.memory_space<semaphore_mem>> -> memref<1x!tpu.dma_semaphore, #tpu.memory_space<semaphore_mem>>
      %dma_start3A_1094 = tpu.memref_squeeze %dma_start3A_1093 : memref<1x!tpu.dma_semaphore, #tpu.memory_space<semaphore_mem>> -> memref<!tpu.dma_semaphore, #tpu.memory_space<semaphore_mem>>
      tpu.enqueue_indirect_dma source(%arg7 : memref<64x128xf32, #tpu.memory_space<vmem>>) target(%dma_start3A_1092 : memref<10008x128xf32, #tpu.memory_space<vmem_shared>>) offsets(%dma_start3A_1089 : memref<64xi32, #tpu.memory_space<vmem>>) semaphore(%dma_start3A_1094 : memref<!tpu.dma_semaphore, #tpu.memory_space<semaphore_mem>>) {add = true}
      %lt3A_1095 = arith.constant 19 : i32
      %lt3A_1096 = arith.cmpi slt, %add3A_1043, %lt3A_1095 : i32
      %convert_element_type3A_1097 = arith.extui %lt3A_1096 : i1 to i32
      %cond3A_1098 = arith.constant 0 : i32
      %cond3A_1099 = arith.cmpi ne, %convert_element_type3A_1097, %cond3A_1098 : i32
      scf.if %cond3A_1099 {
        %dma_wait3A_1156 = arith.constant 0 : i32
        %dma_wait3A_1157 = arith.constant 1 : i32
        %dma_wait3A_1158 = arith.constant 64 : i32
        %dma_wait3A_1159 = tpu.memref_slice %arg11[%dma_wait3A_1156, %dma_wait3A_1158] : memref<40x128xi32, #tpu.memory_space<vmem>> -> memref<1x64xi32, #tpu.memory_space<vmem>>
        %dma_wait3A_1160 = tpu.memref_squeeze %dma_wait3A_1159 : memref<1x64xi32, #tpu.memory_space<vmem>> -> memref<64xi32, #tpu.memory_space<vmem>>
        %dma_wait3A_1161 = arith.constant 0 : i32
        %dma_wait3A_1162 = arith.constant 0 : i32
        %dma_wait3A_1163 = tpu.memref_slice %arg13[%dma_wait3A_1161, %dma_wait3A_1162] : memref<10008x128xf32, #tpu.memory_space<vmem_shared>> -> memref<10008x128xf32, #tpu.memory_space<vmem_shared>>
        %dma_wait3A_1164 = tpu.memref_slice %arg17[%dma_wait3A_1157] : memref<4x!tpu.dma_semaphore, #tpu.memory_space<semaphore_mem>> -> memref<1x!tpu.dma_semaphore, #tpu.memory_space<semaphore_mem>>
        %dma_wait3A_1165 = tpu.memref_squeeze %dma_wait3A_1164 : memref<1x!tpu.dma_semaphore, #tpu.memory_space<semaphore_mem>> -> memref<!tpu.dma_semaphore, #tpu.memory_space<semaphore_mem>>
        tpu.wait_indirect_dma semaphore(%dma_wait3A_1165 : memref<!tpu.dma_semaphore, #tpu.memory_space<semaphore_mem>>) src(%arg7 : memref<64x128xf32, #tpu.memory_space<vmem>>) dst(%dma_wait3A_1163 : memref<10008x128xf32, #tpu.memory_space<vmem_shared>>)
        %add3A_1166 = arith.constant 1 : i32
        %add3A_1167 = arith.addi %add3A_1043, %add3A_1166 : i32
        %mul3A_1168 = arith.constant 2 : i32
        %mul3A_1169 = arith.muli %add3A_1167, %mul3A_1168 : i32
        %add3A_1170 = arith.constant 0 : i32
        %add3A_1171 = arith.addi %mul3A_1169, %add3A_1170 : i32
        %dma_start3A_1172 = arith.constant 1 : i32
        %dma_start3A_1173 = arith.constant 64 : i32
        %dma_start3A_1174 = tpu.memref_slice %arg10[%add3A_1171, %dma_start3A_1173] : memref<40x128xi32, #tpu.memory_space<vmem>> -> memref<1x64xi32, #tpu.memory_space<vmem>>
        %dma_start3A_1175 = tpu.memref_squeeze %dma_start3A_1174 : memref<1x64xi32, #tpu.memory_space<vmem>> -> memref<64xi32, #tpu.memory_space<vmem>>
        %dma_start3A_1176 = arith.constant 0 : i32
        %dma_start3A_1177 = arith.constant 0 : i32
        %dma_start3A_1178 = tpu.memref_slice %arg2[%dma_start3A_1176, %dma_start3A_1177] : memref<10000x128xf32, #tpu.memory_space<hbm>> -> memref<10000x128xf32, #tpu.memory_space<hbm>>
        %dma_start3A_1179 = tpu.memref_slice %arg16[%dma_start3A_1172] : memref<4x!tpu.dma_semaphore, #tpu.memory_space<semaphore_mem>> -> memref<1x!tpu.dma_semaphore, #tpu.memory_space<semaphore_mem>>
        %dma_start3A_1180 = tpu.memref_squeeze %dma_start3A_1179 : memref<1x!tpu.dma_semaphore, #tpu.memory_space<semaphore_mem>> -> memref<!tpu.dma_semaphore, #tpu.memory_space<semaphore_mem>>
        tpu.enqueue_indirect_dma source(%dma_start3A_1178 : memref<10000x128xf32, #tpu.memory_space<hbm>>) target(%arg7 : memref<64x128xf32, #tpu.memory_space<vmem>>) offsets(%dma_start3A_1175 : memref<64xi32, #tpu.memory_space<vmem>>) semaphore(%dma_start3A_1180 : memref<!tpu.dma_semaphore, #tpu.memory_space<semaphore_mem>>)
      } else {
      }
      %dma_wait3A_1100 = arith.constant 1 : i32
      %dma_wait3A_1101 = arith.constant 2 : i32
      %dma_wait3A_1102 = arith.constant 0 : i32
      %dma_wait3A_1103 = tpu.memref_slice %arg10[%dma_wait3A_1100, %dma_wait3A_1102] : memref<40x128xi32, #tpu.memory_space<vmem>> -> memref<1x64xi32, #tpu.memory_space<vmem>>
      %dma_wait3A_1104 = tpu.memref_squeeze %dma_wait3A_1103 : memref<1x64xi32, #tpu.memory_space<vmem>> -> memref<64xi32, #tpu.memory_space<vmem>>
      %dma_wait3A_1105 = arith.constant 0 : i32
      %dma_wait3A_1106 = arith.constant 0 : i32
      %dma_wait3A_1107 = tpu.memref_slice %arg2[%dma_wait3A_1105, %dma_wait3A_1106] : memref<10000x128xf32, #tpu.memory_space<hbm>> -> memref<10000x128xf32, #tpu.memory_space<hbm>>
      %dma_wait3A_1108 = tpu.memref_slice %arg16[%dma_wait3A_1101] : memref<4x!tpu.dma_semaphore, #tpu.memory_space<semaphore_mem>> -> memref<1x!tpu.dma_semaphore, #tpu.memory_space<semaphore_mem>>
      %dma_wait3A_1109 = tpu.memref_squeeze %dma_wait3A_1108 : memref<1x!tpu.dma_semaphore, #tpu.memory_space<semaphore_mem>> -> memref<!tpu.dma_semaphore, #tpu.memory_space<semaphore_mem>>
      tpu.wait_indirect_dma semaphore(%dma_wait3A_1109 : memref<!tpu.dma_semaphore, #tpu.memory_space<semaphore_mem>>) src(%dma_wait3A_1107 : memref<10000x128xf32, #tpu.memory_space<hbm>>) dst(%arg8 : memref<64x128xf32, #tpu.memory_space<vmem>>)
      %mul3A_1110 = arith.constant 2 : i32
      %mul3A_1111 = arith.muli %add3A_1043, %mul3A_1110 : i32
      %add3A_1112 = arith.constant 1 : i32
      %add3A_1113 = arith.addi %mul3A_1111, %add3A_1112 : i32
      %dma_start3A_1114 = arith.constant 2 : i32
      %dma_start3A_1115 = arith.constant 0 : i32
      %dma_start3A_1116 = tpu.memref_slice %arg11[%add3A_1113, %dma_start3A_1115] : memref<40x128xi32, #tpu.memory_space<vmem>> -> memref<1x64xi32, #tpu.memory_space<vmem>>
      %dma_start3A_1117 = tpu.memref_squeeze %dma_start3A_1116 : memref<1x64xi32, #tpu.memory_space<vmem>> -> memref<64xi32, #tpu.memory_space<vmem>>
      %dma_start3A_1118 = arith.constant 0 : i32
      %dma_start3A_1119 = arith.constant 0 : i32
      %dma_start3A_1120 = tpu.memref_slice %arg13[%dma_start3A_1118, %dma_start3A_1119] : memref<10008x128xf32, #tpu.memory_space<vmem_shared>> -> memref<10008x128xf32, #tpu.memory_space<vmem_shared>>
      %dma_start3A_1121 = tpu.memref_slice %arg17[%dma_start3A_1114] : memref<4x!tpu.dma_semaphore, #tpu.memory_space<semaphore_mem>> -> memref<1x!tpu.dma_semaphore, #tpu.memory_space<semaphore_mem>>
      %dma_start3A_1122 = tpu.memref_squeeze %dma_start3A_1121 : memref<1x!tpu.dma_semaphore, #tpu.memory_space<semaphore_mem>> -> memref<!tpu.dma_semaphore, #tpu.memory_space<semaphore_mem>>
      tpu.enqueue_indirect_dma source(%arg8 : memref<64x128xf32, #tpu.memory_space<vmem>>) target(%dma_start3A_1120 : memref<10008x128xf32, #tpu.memory_space<vmem_shared>>) offsets(%dma_start3A_1117 : memref<64xi32, #tpu.memory_space<vmem>>) semaphore(%dma_start3A_1122 : memref<!tpu.dma_semaphore, #tpu.memory_space<semaphore_mem>>) {add = true}
      %lt3A_1123 = arith.constant 19 : i32
      %lt3A_1124 = arith.cmpi slt, %add3A_1043, %lt3A_1123 : i32
      %convert_element_type3A_1125 = arith.extui %lt3A_1124 : i1 to i32
      %cond3A_1126 = arith.constant 0 : i32
      %cond3A_1127 = arith.cmpi ne, %convert_element_type3A_1125, %cond3A_1126 : i32
      scf.if %cond3A_1127 {
        %dma_wait3A_1156 = arith.constant 1 : i32
        %dma_wait3A_1157 = arith.constant 2 : i32
        %dma_wait3A_1158 = arith.constant 0 : i32
        %dma_wait3A_1159 = tpu.memref_slice %arg11[%dma_wait3A_1156, %dma_wait3A_1158] : memref<40x128xi32, #tpu.memory_space<vmem>> -> memref<1x64xi32, #tpu.memory_space<vmem>>
        %dma_wait3A_1160 = tpu.memref_squeeze %dma_wait3A_1159 : memref<1x64xi32, #tpu.memory_space<vmem>> -> memref<64xi32, #tpu.memory_space<vmem>>
        %dma_wait3A_1161 = arith.constant 0 : i32
        %dma_wait3A_1162 = arith.constant 0 : i32
        %dma_wait3A_1163 = tpu.memref_slice %arg13[%dma_wait3A_1161, %dma_wait3A_1162] : memref<10008x128xf32, #tpu.memory_space<vmem_shared>> -> memref<10008x128xf32, #tpu.memory_space<vmem_shared>>
        %dma_wait3A_1164 = tpu.memref_slice %arg17[%dma_wait3A_1157] : memref<4x!tpu.dma_semaphore, #tpu.memory_space<semaphore_mem>> -> memref<1x!tpu.dma_semaphore, #tpu.memory_space<semaphore_mem>>
        %dma_wait3A_1165 = tpu.memref_squeeze %dma_wait3A_1164 : memref<1x!tpu.dma_semaphore, #tpu.memory_space<semaphore_mem>> -> memref<!tpu.dma_semaphore, #tpu.memory_space<semaphore_mem>>
        tpu.wait_indirect_dma semaphore(%dma_wait3A_1165 : memref<!tpu.dma_semaphore, #tpu.memory_space<semaphore_mem>>) src(%arg8 : memref<64x128xf32, #tpu.memory_space<vmem>>) dst(%dma_wait3A_1163 : memref<10008x128xf32, #tpu.memory_space<vmem_shared>>)
        %add3A_1166 = arith.constant 1 : i32
        %add3A_1167 = arith.addi %add3A_1043, %add3A_1166 : i32
        %mul3A_1168 = arith.constant 2 : i32
        %mul3A_1169 = arith.muli %add3A_1167, %mul3A_1168 : i32
        %add3A_1170 = arith.constant 1 : i32
        %add3A_1171 = arith.addi %mul3A_1169, %add3A_1170 : i32
        %dma_start3A_1172 = arith.constant 2 : i32
        %dma_start3A_1173 = arith.constant 0 : i32
        %dma_start3A_1174 = tpu.memref_slice %arg10[%add3A_1171, %dma_start3A_1173] : memref<40x128xi32, #tpu.memory_space<vmem>> -> memref<1x64xi32, #tpu.memory_space<vmem>>
        %dma_start3A_1175 = tpu.memref_squeeze %dma_start3A_1174 : memref<1x64xi32, #tpu.memory_space<vmem>> -> memref<64xi32, #tpu.memory_space<vmem>>
        %dma_start3A_1176 = arith.constant 0 : i32
        %dma_start3A_1177 = arith.constant 0 : i32
        %dma_start3A_1178 = tpu.memref_slice %arg2[%dma_start3A_1176, %dma_start3A_1177] : memref<10000x128xf32, #tpu.memory_space<hbm>> -> memref<10000x128xf32, #tpu.memory_space<hbm>>
        %dma_start3A_1179 = tpu.memref_slice %arg16[%dma_start3A_1172] : memref<4x!tpu.dma_semaphore, #tpu.memory_space<semaphore_mem>> -> memref<1x!tpu.dma_semaphore, #tpu.memory_space<semaphore_mem>>
        %dma_start3A_1180 = tpu.memref_squeeze %dma_start3A_1179 : memref<1x!tpu.dma_semaphore, #tpu.memory_space<semaphore_mem>> -> memref<!tpu.dma_semaphore, #tpu.memory_space<semaphore_mem>>
        tpu.enqueue_indirect_dma source(%dma_start3A_1178 : memref<10000x128xf32, #tpu.memory_space<hbm>>) target(%arg8 : memref<64x128xf32, #tpu.memory_space<vmem>>) offsets(%dma_start3A_1175 : memref<64xi32, #tpu.memory_space<vmem>>) semaphore(%dma_start3A_1180 : memref<!tpu.dma_semaphore, #tpu.memory_space<semaphore_mem>>)
      } else {
      }
      %dma_wait3A_1128 = arith.constant 1 : i32
      %dma_wait3A_1129 = arith.constant 3 : i32
      %dma_wait3A_1130 = arith.constant 64 : i32
      %dma_wait3A_1131 = tpu.memref_slice %arg10[%dma_wait3A_1128, %dma_wait3A_1130] : memref<40x128xi32, #tpu.memory_space<vmem>> -> memref<1x64xi32, #tpu.memory_space<vmem>>
      %dma_wait3A_1132 = tpu.memref_squeeze %dma_wait3A_1131 : memref<1x64xi32, #tpu.memory_space<vmem>> -> memref<64xi32, #tpu.memory_space<vmem>>
      %dma_wait3A_1133 = arith.constant 0 : i32
      %dma_wait3A_1134 = arith.constant 0 : i32
      %dma_wait3A_1135 = tpu.memref_slice %arg2[%dma_wait3A_1133, %dma_wait3A_1134] : memref<10000x128xf32, #tpu.memory_space<hbm>> -> memref<10000x128xf32, #tpu.memory_space<hbm>>
      %dma_wait3A_1136 = tpu.memref_slice %arg16[%dma_wait3A_1129] : memref<4x!tpu.dma_semaphore, #tpu.memory_space<semaphore_mem>> -> memref<1x!tpu.dma_semaphore, #tpu.memory_space<semaphore_mem>>
      %dma_wait3A_1137 = tpu.memref_squeeze %dma_wait3A_1136 : memref<1x!tpu.dma_semaphore, #tpu.memory_space<semaphore_mem>> -> memref<!tpu.dma_semaphore, #tpu.memory_space<semaphore_mem>>
      tpu.wait_indirect_dma semaphore(%dma_wait3A_1137 : memref<!tpu.dma_semaphore, #tpu.memory_space<semaphore_mem>>) src(%dma_wait3A_1135 : memref<10000x128xf32, #tpu.memory_space<hbm>>) dst(%arg9 : memref<64x128xf32, #tpu.memory_space<vmem>>)
      %mul3A_1138 = arith.constant 2 : i32
      %mul3A_1139 = arith.muli %add3A_1043, %mul3A_1138 : i32
      %add3A_1140 = arith.constant 1 : i32
      %add3A_1141 = arith.addi %mul3A_1139, %add3A_1140 : i32
      %dma_start3A_1142 = arith.constant 3 : i32
      %dma_start3A_1143 = arith.constant 64 : i32
      %dma_start3A_1144 = tpu.memref_slice %arg11[%add3A_1141, %dma_start3A_1143] : memref<40x128xi32, #tpu.memory_space<vmem>> -> memref<1x64xi32, #tpu.memory_space<vmem>>
      %dma_start3A_1145 = tpu.memref_squeeze %dma_start3A_1144 : memref<1x64xi32, #tpu.memory_space<vmem>> -> memref<64xi32, #tpu.memory_space<vmem>>
      %dma_start3A_1146 = arith.constant 0 : i32
      %dma_start3A_1147 = arith.constant 0 : i32
      %dma_start3A_1148 = tpu.memref_slice %arg13[%dma_start3A_1146, %dma_start3A_1147] : memref<10008x128xf32, #tpu.memory_space<vmem_shared>> -> memref<10008x128xf32, #tpu.memory_space<vmem_shared>>
      %dma_start3A_1149 = tpu.memref_slice %arg17[%dma_start3A_1142] : memref<4x!tpu.dma_semaphore, #tpu.memory_space<semaphore_mem>> -> memref<1x!tpu.dma_semaphore, #tpu.memory_space<semaphore_mem>>
      %dma_start3A_1150 = tpu.memref_squeeze %dma_start3A_1149 : memref<1x!tpu.dma_semaphore, #tpu.memory_space<semaphore_mem>> -> memref<!tpu.dma_semaphore, #tpu.memory_space<semaphore_mem>>
      tpu.enqueue_indirect_dma source(%arg9 : memref<64x128xf32, #tpu.memory_space<vmem>>) target(%dma_start3A_1148 : memref<10008x128xf32, #tpu.memory_space<vmem_shared>>) offsets(%dma_start3A_1145 : memref<64xi32, #tpu.memory_space<vmem>>) semaphore(%dma_start3A_1150 : memref<!tpu.dma_semaphore, #tpu.memory_space<semaphore_mem>>) {add = true}
      %lt3A_1151 = arith.constant 19 : i32
      %lt3A_1152 = arith.cmpi slt, %add3A_1043, %lt3A_1151 : i32
      %convert_element_type3A_1153 = arith.extui %lt3A_1152 : i1 to i32
      %cond3A_1154 = arith.constant 0 : i32
      %cond3A_1155 = arith.cmpi ne, %convert_element_type3A_1153, %cond3A_1154 : i32
      scf.if %cond3A_1155 {
        %dma_wait3A_1156 = arith.constant 1 : i32
        %dma_wait3A_1157 = arith.constant 3 : i32
        %dma_wait3A_1158 = arith.constant 64 : i32
        %dma_wait3A_1159 = tpu.memref_slice %arg11[%dma_wait3A_1156, %dma_wait3A_1158] : memref<40x128xi32, #tpu.memory_space<vmem>> -> memref<1x64xi32, #tpu.memory_space<vmem>>
        %dma_wait3A_1160 = tpu.memref_squeeze %dma_wait3A_1159 : memref<1x64xi32, #tpu.memory_space<vmem>> -> memref<64xi32, #tpu.memory_space<vmem>>
        %dma_wait3A_1161 = arith.constant 0 : i32
        %dma_wait3A_1162 = arith.constant 0 : i32
        %dma_wait3A_1163 = tpu.memref_slice %arg13[%dma_wait3A_1161, %dma_wait3A_1162] : memref<10008x128xf32, #tpu.memory_space<vmem_shared>> -> memref<10008x128xf32, #tpu.memory_space<vmem_shared>>
        %dma_wait3A_1164 = tpu.memref_slice %arg17[%dma_wait3A_1157] : memref<4x!tpu.dma_semaphore, #tpu.memory_space<semaphore_mem>> -> memref<1x!tpu.dma_semaphore, #tpu.memory_space<semaphore_mem>>
        %dma_wait3A_1165 = tpu.memref_squeeze %dma_wait3A_1164 : memref<1x!tpu.dma_semaphore, #tpu.memory_space<semaphore_mem>> -> memref<!tpu.dma_semaphore, #tpu.memory_space<semaphore_mem>>
        tpu.wait_indirect_dma semaphore(%dma_wait3A_1165 : memref<!tpu.dma_semaphore, #tpu.memory_space<semaphore_mem>>) src(%arg9 : memref<64x128xf32, #tpu.memory_space<vmem>>) dst(%dma_wait3A_1163 : memref<10008x128xf32, #tpu.memory_space<vmem_shared>>)
        %add3A_1166 = arith.constant 1 : i32
        %add3A_1167 = arith.addi %add3A_1043, %add3A_1166 : i32
        %mul3A_1168 = arith.constant 2 : i32
        %mul3A_1169 = arith.muli %add3A_1167, %mul3A_1168 : i32
        %add3A_1170 = arith.constant 1 : i32
        %add3A_1171 = arith.addi %mul3A_1169, %add3A_1170 : i32
        %dma_start3A_1172 = arith.constant 3 : i32
        %dma_start3A_1173 = arith.constant 64 : i32
        %dma_start3A_1174 = tpu.memref_slice %arg10[%add3A_1171, %dma_start3A_1173] : memref<40x128xi32, #tpu.memory_space<vmem>> -> memref<1x64xi32, #tpu.memory_space<vmem>>
        %dma_start3A_1175 = tpu.memref_squeeze %dma_start3A_1174 : memref<1x64xi32, #tpu.memory_space<vmem>> -> memref<64xi32, #tpu.memory_space<vmem>>
        %dma_start3A_1176 = arith.constant 0 : i32
        %dma_start3A_1177 = arith.constant 0 : i32
        %dma_start3A_1178 = tpu.memref_slice %arg2[%dma_start3A_1176, %dma_start3A_1177] : memref<10000x128xf32, #tpu.memory_space<hbm>> -> memref<10000x128xf32, #tpu.memory_space<hbm>>
        %dma_start3A_1179 = tpu.memref_slice %arg16[%dma_start3A_1172] : memref<4x!tpu.dma_semaphore, #tpu.memory_space<semaphore_mem>> -> memref<1x!tpu.dma_semaphore, #tpu.memory_space<semaphore_mem>>
        %dma_start3A_1180 = tpu.memref_squeeze %dma_start3A_1179 : memref<1x!tpu.dma_semaphore, #tpu.memory_space<semaphore_mem>> -> memref<!tpu.dma_semaphore, #tpu.memory_space<semaphore_mem>>
        tpu.enqueue_indirect_dma source(%dma_start3A_1178 : memref<10000x128xf32, #tpu.memory_space<hbm>>) target(%arg9 : memref<64x128xf32, #tpu.memory_space<vmem>>) offsets(%dma_start3A_1175 : memref<64xi32, #tpu.memory_space<vmem>>) semaphore(%dma_start3A_1180 : memref<!tpu.dma_semaphore, #tpu.memory_space<semaphore_mem>>)
      } else {
      }
    }
    %scan3A_867 = arith.constant 20 : i32
    %dma_wait3A_868 = arith.constant 0 : i32
    %dma_wait3A_869 = arith.constant 0 : i32
    %dma_wait3A_870 = arith.constant 0 : i32
    %dma_wait3A_871 = tpu.memref_slice %arg11[%dma_wait3A_868, %dma_wait3A_870] : memref<40x128xi32, #tpu.memory_space<vmem>> -> memref<1x64xi32, #tpu.memory_space<vmem>>
    %dma_wait3A_872 = tpu.memref_squeeze %dma_wait3A_871 : memref<1x64xi32, #tpu.memory_space<vmem>> -> memref<64xi32, #tpu.memory_space<vmem>>
    %dma_wait3A_873 = arith.constant 0 : i32
    %dma_wait3A_874 = arith.constant 0 : i32
    %dma_wait3A_875 = tpu.memref_slice %arg13[%dma_wait3A_873, %dma_wait3A_874] : memref<10008x128xf32, #tpu.memory_space<vmem_shared>> -> memref<10008x128xf32, #tpu.memory_space<vmem_shared>>
    %dma_wait3A_876 = tpu.memref_slice %arg17[%dma_wait3A_869] : memref<4x!tpu.dma_semaphore, #tpu.memory_space<semaphore_mem>> -> memref<1x!tpu.dma_semaphore, #tpu.memory_space<semaphore_mem>>
    %dma_wait3A_877 = tpu.memref_squeeze %dma_wait3A_876 : memref<1x!tpu.dma_semaphore, #tpu.memory_space<semaphore_mem>> -> memref<!tpu.dma_semaphore, #tpu.memory_space<semaphore_mem>>
    tpu.wait_indirect_dma semaphore(%dma_wait3A_877 : memref<!tpu.dma_semaphore, #tpu.memory_space<semaphore_mem>>) src(%arg6 : memref<64x128xf32, #tpu.memory_space<vmem>>) dst(%dma_wait3A_875 : memref<10008x128xf32, #tpu.memory_space<vmem_shared>>)
    %dma_wait3A_878 = arith.constant 0 : i32
    %dma_wait3A_879 = arith.constant 1 : i32
    %dma_wait3A_880 = arith.constant 64 : i32
    %dma_wait3A_881 = tpu.memref_slice %arg11[%dma_wait3A_878, %dma_wait3A_880] : memref<40x128xi32, #tpu.memory_space<vmem>> -> memref<1x64xi32, #tpu.memory_space<vmem>>
    %dma_wait3A_882 = tpu.memref_squeeze %dma_wait3A_881 : memref<1x64xi32, #tpu.memory_space<vmem>> -> memref<64xi32, #tpu.memory_space<vmem>>
    %dma_wait3A_883 = arith.constant 0 : i32
    %dma_wait3A_884 = arith.constant 0 : i32
    %dma_wait3A_885 = tpu.memref_slice %arg13[%dma_wait3A_883, %dma_wait3A_884] : memref<10008x128xf32, #tpu.memory_space<vmem_shared>> -> memref<10008x128xf32, #tpu.memory_space<vmem_shared>>
    %dma_wait3A_886 = tpu.memref_slice %arg17[%dma_wait3A_879] : memref<4x!tpu.dma_semaphore, #tpu.memory_space<semaphore_mem>> -> memref<1x!tpu.dma_semaphore, #tpu.memory_space<semaphore_mem>>
    %dma_wait3A_887 = tpu.memref_squeeze %dma_wait3A_886 : memref<1x!tpu.dma_semaphore, #tpu.memory_space<semaphore_mem>> -> memref<!tpu.dma_semaphore, #tpu.memory_space<semaphore_mem>>
    tpu.wait_indirect_dma semaphore(%dma_wait3A_887 : memref<!tpu.dma_semaphore, #tpu.memory_space<semaphore_mem>>) src(%arg7 : memref<64x128xf32, #tpu.memory_space<vmem>>) dst(%dma_wait3A_885 : memref<10008x128xf32, #tpu.memory_space<vmem_shared>>)
    %dma_wait3A_888 = arith.constant 1 : i32
    %dma_wait3A_889 = arith.constant 2 : i32
    %dma_wait3A_890 = arith.constant 0 : i32
    %dma_wait3A_891 = tpu.memref_slice %arg11[%dma_wait3A_888, %dma_wait3A_890] : memref<40x128xi32, #tpu.memory_space<vmem>> -> memref<1x64xi32, #tpu.memory_space<vmem>>
    %dma_wait3A_892 = tpu.memref_squeeze %dma_wait3A_891 : memref<1x64xi32, #tpu.memory_space<vmem>> -> memref<64xi32, #tpu.memory_space<vmem>>
    %dma_wait3A_893 = arith.constant 0 : i32
    %dma_wait3A_894 = arith.constant 0 : i32
    %dma_wait3A_895 = tpu.memref_slice %arg13[%dma_wait3A_893, %dma_wait3A_894] : memref<10008x128xf32, #tpu.memory_space<vmem_shared>> -> memref<10008x128xf32, #tpu.memory_space<vmem_shared>>
    %dma_wait3A_896 = tpu.memref_slice %arg17[%dma_wait3A_889] : memref<4x!tpu.dma_semaphore, #tpu.memory_space<semaphore_mem>> -> memref<1x!tpu.dma_semaphore, #tpu.memory_space<semaphore_mem>>
    %dma_wait3A_897 = tpu.memref_squeeze %dma_wait3A_896 : memref<1x!tpu.dma_semaphore, #tpu.memory_space<semaphore_mem>> -> memref<!tpu.dma_semaphore, #tpu.memory_space<semaphore_mem>>
    tpu.wait_indirect_dma semaphore(%dma_wait3A_897 : memref<!tpu.dma_semaphore, #tpu.memory_space<semaphore_mem>>) src(%arg8 : memref<64x128xf32, #tpu.memory_space<vmem>>) dst(%dma_wait3A_895 : memref<10008x128xf32, #tpu.memory_space<vmem_shared>>)
    %dma_wait3A_898 = arith.constant 1 : i32
    %dma_wait3A_899 = arith.constant 3 : i32
    %dma_wait3A_900 = arith.constant 64 : i32
    %dma_wait3A_901 = tpu.memref_slice %arg11[%dma_wait3A_898, %dma_wait3A_900] : memref<40x128xi32, #tpu.memory_space<vmem>> -> memref<1x64xi32, #tpu.memory_space<vmem>>
    %dma_wait3A_902 = tpu.memref_squeeze %dma_wait3A_901 : memref<1x64xi32, #tpu.memory_space<vmem>> -> memref<64xi32, #tpu.memory_space<vmem>>
    %dma_wait3A_903 = arith.constant 0 : i32
    %dma_wait3A_904 = arith.constant 0 : i32
    %dma_wait3A_905 = tpu.memref_slice %arg13[%dma_wait3A_903, %dma_wait3A_904] : memref<10008x128xf32, #tpu.memory_space<vmem_shared>> -> memref<10008x128xf32, #tpu.memory_space<vmem_shared>>
    %dma_wait3A_906 = tpu.memref_slice %arg17[%dma_wait3A_899] : memref<4x!tpu.dma_semaphore, #tpu.memory_space<semaphore_mem>> -> memref<1x!tpu.dma_semaphore, #tpu.memory_space<semaphore_mem>>
    %dma_wait3A_907 = tpu.memref_squeeze %dma_wait3A_906 : memref<1x!tpu.dma_semaphore, #tpu.memory_space<semaphore_mem>> -> memref<!tpu.dma_semaphore, #tpu.memory_space<semaphore_mem>>
    tpu.wait_indirect_dma semaphore(%dma_wait3A_907 : memref<!tpu.dma_semaphore, #tpu.memory_space<semaphore_mem>>) src(%arg9 : memref<64x128xf32, #tpu.memory_space<vmem>>) dst(%dma_wait3A_905 : memref<10008x128xf32, #tpu.memory_space<vmem_shared>>)
    %dma_start3A_908 = arith.constant 1 : i32
    %dma_start3A_909 = arith.constant 0 : i32
    %dma_start3A_910 = arith.constant 0 : i32
    %dma_start3A_911 = tpu.memref_slice %arg3[%add3A, %dma_start3A_908, %dma_start3A_909, %dma_start3A_910] : memref<32x2x40x128xi32, #tpu.memory_space<hbm>> -> memref<1x1x40x128xi32, #tpu.memory_space<hbm>>
    %dma_start3A_912 = tpu.memref_squeeze %dma_start3A_911 : memref<1x1x40x128xi32, #tpu.memory_space<hbm>> -> memref<40x128xi32, #tpu.memory_space<hbm>>
    %dma_start3A_913 = arith.constant 0 : i32
    %dma_start3A_914 = arith.constant 0 : i32
    %dma_start3A_915 = tpu.memref_slice %arg3[%add3A, %dma_start3A_908, %dma_start3A_913, %dma_start3A_914] : memref<32x2x40x128xi32, #tpu.memory_space<hbm>> -> memref<1x1x40x128xi32, #tpu.memory_space<hbm>>
    %dma_start3A_916 = tpu.memref_squeeze %dma_start3A_915 : memref<1x1x40x128xi32, #tpu.memory_space<hbm>> -> memref<40x128xi32, #tpu.memory_space<hbm>>
    tpu.enqueue_dma source(%dma_start3A_916 : memref<40x128xi32, #tpu.memory_space<hbm>>) target(%arg10 : memref<40x128xi32, #tpu.memory_space<vmem>>) target_semaphore(%arg15 : memref<!tpu.dma_semaphore, #tpu.memory_space<semaphore_mem>>)
    %dma_start3A_917 = arith.constant 1 : i32
    %dma_start3A_918 = arith.constant 0 : i32
    %dma_start3A_919 = arith.constant 0 : i32
    %dma_start3A_920 = tpu.memref_slice %arg4[%add3A, %dma_start3A_917, %dma_start3A_918, %dma_start3A_919] : memref<32x2x40x128xi32, #tpu.memory_space<hbm>> -> memref<1x1x40x128xi32, #tpu.memory_space<hbm>>
    %dma_start3A_921 = tpu.memref_squeeze %dma_start3A_920 : memref<1x1x40x128xi32, #tpu.memory_space<hbm>> -> memref<40x128xi32, #tpu.memory_space<hbm>>
    %dma_start3A_922 = arith.constant 0 : i32
    %dma_start3A_923 = arith.constant 0 : i32
    %dma_start3A_924 = tpu.memref_slice %arg4[%add3A, %dma_start3A_917, %dma_start3A_922, %dma_start3A_923] : memref<32x2x40x128xi32, #tpu.memory_space<hbm>> -> memref<1x1x40x128xi32, #tpu.memory_space<hbm>>
    %dma_start3A_925 = tpu.memref_squeeze %dma_start3A_924 : memref<1x1x40x128xi32, #tpu.memory_space<hbm>> -> memref<40x128xi32, #tpu.memory_space<hbm>>
    tpu.enqueue_dma source(%dma_start3A_925 : memref<40x128xi32, #tpu.memory_space<hbm>>) target(%arg11 : memref<40x128xi32, #tpu.memory_space<vmem>>) target_semaphore(%arg15 : memref<!tpu.dma_semaphore, #tpu.memory_space<semaphore_mem>>)
    %dma_wait3A_926 = arith.constant 1 : i32
    %dma_wait3A_927 = arith.constant 0 : i32
    %dma_wait3A_928 = arith.constant 0 : i32
    %dma_wait3A_929 = tpu.memref_slice %arg3[%add3A, %dma_wait3A_926, %dma_wait3A_927, %dma_wait3A_928] : memref<32x2x40x128xi32, #tpu.memory_space<hbm>> -> memref<1x1x40x128xi32, #tpu.memory_space<hbm>>
    %dma_wait3A_930 = tpu.memref_squeeze %dma_wait3A_929 : memref<1x1x40x128xi32, #tpu.memory_space<hbm>> -> memref<40x128xi32, #tpu.memory_space<hbm>>
    %dma_wait3A_931 = arith.constant 0 : i32
    %dma_wait3A_932 = arith.constant 0 : i32
    %dma_wait3A_933 = tpu.memref_slice %arg3[%add3A, %dma_wait3A_926, %dma_wait3A_931, %dma_wait3A_932] : memref<32x2x40x128xi32, #tpu.memory_space<hbm>> -> memref<1x1x40x128xi32, #tpu.memory_space<hbm>>
    %dma_wait3A_934 = tpu.memref_squeeze %dma_wait3A_933 : memref<1x1x40x128xi32, #tpu.memory_space<hbm>> -> memref<40x128xi32, #tpu.memory_space<hbm>>
    tpu.wait_dma2 semaphore(%arg15 : memref<!tpu.dma_semaphore, #tpu.memory_space<semaphore_mem>>) src(%dma_wait3A_934 : memref<40x128xi32, #tpu.memory_space<hbm>>) dst(%arg10 : memref<40x128xi32, #tpu.memory_space<vmem>>)
    %dma_wait3A_935 = arith.constant 1 : i32
    %dma_wait3A_936 = arith.constant 0 : i32
    %dma_wait3A_937 = arith.constant 0 : i32
    %dma_wait3A_938 = tpu.memref_slice %arg4[%add3A, %dma_wait3A_935, %dma_wait3A_936, %dma_wait3A_937] : memref<32x2x40x128xi32, #tpu.memory_space<hbm>> -> memref<1x1x40x128xi32, #tpu.memory_space<hbm>>
    %dma_wait3A_939 = tpu.memref_squeeze %dma_wait3A_938 : memref<1x1x40x128xi32, #tpu.memory_space<hbm>> -> memref<40x128xi32, #tpu.memory_space<hbm>>
    %dma_wait3A_940 = arith.constant 0 : i32
    %dma_wait3A_941 = arith.constant 0 : i32
    %dma_wait3A_942 = tpu.memref_slice %arg4[%add3A, %dma_wait3A_935, %dma_wait3A_940, %dma_wait3A_941] : memref<32x2x40x128xi32, #tpu.memory_space<hbm>> -> memref<1x1x40x128xi32, #tpu.memory_space<hbm>>
    %dma_wait3A_943 = tpu.memref_squeeze %dma_wait3A_942 : memref<1x1x40x128xi32, #tpu.memory_space<hbm>> -> memref<40x128xi32, #tpu.memory_space<hbm>>
    tpu.wait_dma2 semaphore(%arg15 : memref<!tpu.dma_semaphore, #tpu.memory_space<semaphore_mem>>) src(%dma_wait3A_943 : memref<40x128xi32, #tpu.memory_space<hbm>>) dst(%arg11 : memref<40x128xi32, #tpu.memory_space<vmem>>)
    %dma_start3A_944 = arith.constant 0 : i32
    %dma_start3A_945 = arith.constant 0 : i32
    %dma_start3A_946 = arith.constant 0 : i32
    %dma_start3A_947 = tpu.memref_slice %arg10[%dma_start3A_944, %dma_start3A_946] : memref<40x128xi32, #tpu.memory_space<vmem>> -> memref<1x64xi32, #tpu.memory_space<vmem>>
    %dma_start3A_948 = tpu.memref_squeeze %dma_start3A_947 : memref<1x64xi32, #tpu.memory_space<vmem>> -> memref<64xi32, #tpu.memory_space<vmem>>
    %dma_start3A_949 = arith.constant 0 : i32
    %dma_start3A_950 = arith.constant 0 : i32
    %dma_start3A_951 = tpu.memref_slice %arg2[%dma_start3A_949, %dma_start3A_950] : memref<10000x128xf32, #tpu.memory_space<hbm>> -> memref<10000x128xf32, #tpu.memory_space<hbm>>
    %dma_start3A_952 = tpu.memref_slice %arg16[%dma_start3A_945] : memref<4x!tpu.dma_semaphore, #tpu.memory_space<semaphore_mem>> -> memref<1x!tpu.dma_semaphore, #tpu.memory_space<semaphore_mem>>
    %dma_start3A_953 = tpu.memref_squeeze %dma_start3A_952 : memref<1x!tpu.dma_semaphore, #tpu.memory_space<semaphore_mem>> -> memref<!tpu.dma_semaphore, #tpu.memory_space<semaphore_mem>>
    tpu.enqueue_indirect_dma source(%dma_start3A_951 : memref<10000x128xf32, #tpu.memory_space<hbm>>) target(%arg6 : memref<64x128xf32, #tpu.memory_space<vmem>>) offsets(%dma_start3A_948 : memref<64xi32, #tpu.memory_space<vmem>>) semaphore(%dma_start3A_953 : memref<!tpu.dma_semaphore, #tpu.memory_space<semaphore_mem>>)
    %dma_start3A_954 = arith.constant 0 : i32
    %dma_start3A_955 = arith.constant 1 : i32
    %dma_start3A_956 = arith.constant 64 : i32
    %dma_start3A_957 = tpu.memref_slice %arg10[%dma_start3A_954, %dma_start3A_956] : memref<40x128xi32, #tpu.memory_space<vmem>> -> memref<1x64xi32, #tpu.memory_space<vmem>>
    %dma_start3A_958 = tpu.memref_squeeze %dma_start3A_957 : memref<1x64xi32, #tpu.memory_space<vmem>> -> memref<64xi32, #tpu.memory_space<vmem>>
    %dma_start3A_959 = arith.constant 0 : i32
    %dma_start3A_960 = arith.constant 0 : i32
    %dma_start3A_961 = tpu.memref_slice %arg2[%dma_start3A_959, %dma_start3A_960] : memref<10000x128xf32, #tpu.memory_space<hbm>> -> memref<10000x128xf32, #tpu.memory_space<hbm>>
    %dma_start3A_962 = tpu.memref_slice %arg16[%dma_start3A_955] : memref<4x!tpu.dma_semaphore, #tpu.memory_space<semaphore_mem>> -> memref<1x!tpu.dma_semaphore, #tpu.memory_space<semaphore_mem>>
    %dma_start3A_963 = tpu.memref_squeeze %dma_start3A_962 : memref<1x!tpu.dma_semaphore, #tpu.memory_space<semaphore_mem>> -> memref<!tpu.dma_semaphore, #tpu.memory_space<semaphore_mem>>
    tpu.enqueue_indirect_dma source(%dma_start3A_961 : memref<10000x128xf32, #tpu.memory_space<hbm>>) target(%arg7 : memref<64x128xf32, #tpu.memory_space<vmem>>) offsets(%dma_start3A_958 : memref<64xi32, #tpu.memory_space<vmem>>) semaphore(%dma_start3A_963 : memref<!tpu.dma_semaphore, #tpu.memory_space<semaphore_mem>>)
    %dma_start3A_964 = arith.constant 1 : i32
    %dma_start3A_965 = arith.constant 2 : i32
    %dma_start3A_966 = arith.constant 0 : i32
    %dma_start3A_967 = tpu.memref_slice %arg10[%dma_start3A_964, %dma_start3A_966] : memref<40x128xi32, #tpu.memory_space<vmem>> -> memref<1x64xi32, #tpu.memory_space<vmem>>
    %dma_start3A_968 = tpu.memref_squeeze %dma_start3A_967 : memref<1x64xi32, #tpu.memory_space<vmem>> -> memref<64xi32, #tpu.memory_space<vmem>>
    %dma_start3A_969 = arith.constant 0 : i32
    %dma_start3A_970 = arith.constant 0 : i32
    %dma_start3A_971 = tpu.memref_slice %arg2[%dma_start3A_969, %dma_start3A_970] : memref<10000x128xf32, #tpu.memory_space<hbm>> -> memref<10000x128xf32, #tpu.memory_space<hbm>>
    %dma_start3A_972 = tpu.memref_slice %arg16[%dma_start3A_965] : memref<4x!tpu.dma_semaphore, #tpu.memory_space<semaphore_mem>> -> memref<1x!tpu.dma_semaphore, #tpu.memory_space<semaphore_mem>>
    %dma_start3A_973 = tpu.memref_squeeze %dma_start3A_972 : memref<1x!tpu.dma_semaphore, #tpu.memory_space<semaphore_mem>> -> memref<!tpu.dma_semaphore, #tpu.memory_space<semaphore_mem>>
    tpu.enqueue_indirect_dma source(%dma_start3A_971 : memref<10000x128xf32, #tpu.memory_space<hbm>>) target(%arg8 : memref<64x128xf32, #tpu.memory_space<vmem>>) offsets(%dma_start3A_968 : memref<64xi32, #tpu.memory_space<vmem>>) semaphore(%dma_start3A_973 : memref<!tpu.dma_semaphore, #tpu.memory_space<semaphore_mem>>)
    %dma_start3A_974 = arith.constant 1 : i32
    %dma_start3A_975 = arith.constant 3 : i32
    %dma_start3A_976 = arith.constant 64 : i32
    %dma_start3A_977 = tpu.memref_slice %arg10[%dma_start3A_974, %dma_start3A_976] : memref<40x128xi32, #tpu.memory_space<vmem>> -> memref<1x64xi32, #tpu.memory_space<vmem>>
    %dma_start3A_978 = tpu.memref_squeeze %dma_start3A_977 : memref<1x64xi32, #tpu.memory_space<vmem>> -> memref<64xi32, #tpu.memory_space<vmem>>
    %dma_start3A_979 = arith.constant 0 : i32
    %dma_start3A_980 = arith.constant 0 : i32
    %dma_start3A_981 = tpu.memref_slice %arg2[%dma_start3A_979, %dma_start3A_980] : memref<10000x128xf32, #tpu.memory_space<hbm>> -> memref<10000x128xf32, #tpu.memory_space<hbm>>
    %dma_start3A_982 = tpu.memref_slice %arg16[%dma_start3A_975] : memref<4x!tpu.dma_semaphore, #tpu.memory_space<semaphore_mem>> -> memref<1x!tpu.dma_semaphore, #tpu.memory_space<semaphore_mem>>
    %dma_start3A_983 = tpu.memref_squeeze %dma_start3A_982 : memref<1x!tpu.dma_semaphore, #tpu.memory_space<semaphore_mem>> -> memref<!tpu.dma_semaphore, #tpu.memory_space<semaphore_mem>>
    tpu.enqueue_indirect_dma source(%dma_start3A_981 : memref<10000x128xf32, #tpu.memory_space<hbm>>) target(%arg9 : memref<64x128xf32, #tpu.memory_space<vmem>>) offsets(%dma_start3A_978 : memref<64xi32, #tpu.memory_space<vmem>>) semaphore(%dma_start3A_983 : memref<!tpu.dma_semaphore, #tpu.memory_space<semaphore_mem>>)
    %scan3A_984 = arith.constant 0 : i32
    %scan3A_985 = arith.constant 20 : i32
    %scan3A_986 = arith.addi %scan3A_984, %scan3A_985 : i32
    %scan3A_987 = arith.constant 1 : i32
    scf.for %scan3A_1039 = %scan3A_984 to %scan3A_986 step %scan3A_987  : i32 {
      %mul3A_1040 = arith.constant 1 : i32
      %mul3A_1041 = arith.muli %scan3A_1039, %mul3A_1040 : i32
      %add3A_1042 = arith.constant 0 : i32
      %add3A_1043 = arith.addi %add3A_1042, %mul3A_1041 : i32
      %dma_wait3A_1044 = arith.constant 0 : i32
      %dma_wait3A_1045 = arith.constant 0 : i32
      %dma_wait3A_1046 = arith.constant 0 : i32
      %dma_wait3A_1047 = tpu.memref_slice %arg10[%dma_wait3A_1044, %dma_wait3A_1046] : memref<40x128xi32, #tpu.memory_space<vmem>> -> memref<1x64xi32, #tpu.memory_space<vmem>>
      %dma_wait3A_1048 = tpu.memref_squeeze %dma_wait3A_1047 : memref<1x64xi32, #tpu.memory_space<vmem>> -> memref<64xi32, #tpu.memory_space<vmem>>
      %dma_wait3A_1049 = arith.constant 0 : i32
      %dma_wait3A_1050 = arith.constant 0 : i32
      %dma_wait3A_1051 = tpu.memref_slice %arg2[%dma_wait3A_1049, %dma_wait3A_1050] : memref<10000x128xf32, #tpu.memory_space<hbm>> -> memref<10000x128xf32, #tpu.memory_space<hbm>>
      %dma_wait3A_1052 = tpu.memref_slice %arg16[%dma_wait3A_1045] : memref<4x!tpu.dma_semaphore, #tpu.memory_space<semaphore_mem>> -> memref<1x!tpu.dma_semaphore, #tpu.memory_space<semaphore_mem>>
      %dma_wait3A_1053 = tpu.memref_squeeze %dma_wait3A_1052 : memref<1x!tpu.dma_semaphore, #tpu.memory_space<semaphore_mem>> -> memref<!tpu.dma_semaphore, #tpu.memory_space<semaphore_mem>>
      tpu.wait_indirect_dma semaphore(%dma_wait3A_1053 : memref<!tpu.dma_semaphore, #tpu.memory_space<semaphore_mem>>) src(%dma_wait3A_1051 : memref<10000x128xf32, #tpu.memory_space<hbm>>) dst(%arg6 : memref<64x128xf32, #tpu.memory_space<vmem>>)
      %mul3A_1054 = arith.constant 2 : i32
      %mul3A_1055 = arith.muli %add3A_1043, %mul3A_1054 : i32
      %add3A_1056 = arith.constant 0 : i32
      %add3A_1057 = arith.addi %mul3A_1055, %add3A_1056 : i32
      %dma_start3A_1058 = arith.constant 0 : i32
      %dma_start3A_1059 = arith.constant 0 : i32
      %dma_start3A_1060 = tpu.memref_slice %arg11[%add3A_1057, %dma_start3A_1059] : memref<40x128xi32, #tpu.memory_space<vmem>> -> memref<1x64xi32, #tpu.memory_space<vmem>>
      %dma_start3A_1061 = tpu.memref_squeeze %dma_start3A_1060 : memref<1x64xi32, #tpu.memory_space<vmem>> -> memref<64xi32, #tpu.memory_space<vmem>>
      %dma_start3A_1062 = arith.constant 0 : i32
      %dma_start3A_1063 = arith.constant 0 : i32
      %dma_start3A_1064 = tpu.memref_slice %arg13[%dma_start3A_1062, %dma_start3A_1063] : memref<10008x128xf32, #tpu.memory_space<vmem_shared>> -> memref<10008x128xf32, #tpu.memory_space<vmem_shared>>
      %dma_start3A_1065 = tpu.memref_slice %arg17[%dma_start3A_1058] : memref<4x!tpu.dma_semaphore, #tpu.memory_space<semaphore_mem>> -> memref<1x!tpu.dma_semaphore, #tpu.memory_space<semaphore_mem>>
      %dma_start3A_1066 = tpu.memref_squeeze %dma_start3A_1065 : memref<1x!tpu.dma_semaphore, #tpu.memory_space<semaphore_mem>> -> memref<!tpu.dma_semaphore, #tpu.memory_space<semaphore_mem>>
      tpu.enqueue_indirect_dma source(%arg6 : memref<64x128xf32, #tpu.memory_space<vmem>>) target(%dma_start3A_1064 : memref<10008x128xf32, #tpu.memory_space<vmem_shared>>) offsets(%dma_start3A_1061 : memref<64xi32, #tpu.memory_space<vmem>>) semaphore(%dma_start3A_1066 : memref<!tpu.dma_semaphore, #tpu.memory_space<semaphore_mem>>) {add = true}
      %lt3A_1067 = arith.constant 19 : i32
      %lt3A_1068 = arith.cmpi slt, %add3A_1043, %lt3A_1067 : i32
      %convert_element_type3A_1069 = arith.extui %lt3A_1068 : i1 to i32
      %cond3A_1070 = arith.constant 0 : i32
      %cond3A_1071 = arith.cmpi ne, %convert_element_type3A_1069, %cond3A_1070 : i32
      scf.if %cond3A_1071 {
        %dma_wait3A_1156 = arith.constant 0 : i32
        %dma_wait3A_1157 = arith.constant 0 : i32
        %dma_wait3A_1158 = arith.constant 0 : i32
        %dma_wait3A_1159 = tpu.memref_slice %arg11[%dma_wait3A_1156, %dma_wait3A_1158] : memref<40x128xi32, #tpu.memory_space<vmem>> -> memref<1x64xi32, #tpu.memory_space<vmem>>
        %dma_wait3A_1160 = tpu.memref_squeeze %dma_wait3A_1159 : memref<1x64xi32, #tpu.memory_space<vmem>> -> memref<64xi32, #tpu.memory_space<vmem>>
        %dma_wait3A_1161 = arith.constant 0 : i32
        %dma_wait3A_1162 = arith.constant 0 : i32
        %dma_wait3A_1163 = tpu.memref_slice %arg13[%dma_wait3A_1161, %dma_wait3A_1162] : memref<10008x128xf32, #tpu.memory_space<vmem_shared>> -> memref<10008x128xf32, #tpu.memory_space<vmem_shared>>
        %dma_wait3A_1164 = tpu.memref_slice %arg17[%dma_wait3A_1157] : memref<4x!tpu.dma_semaphore, #tpu.memory_space<semaphore_mem>> -> memref<1x!tpu.dma_semaphore, #tpu.memory_space<semaphore_mem>>
        %dma_wait3A_1165 = tpu.memref_squeeze %dma_wait3A_1164 : memref<1x!tpu.dma_semaphore, #tpu.memory_space<semaphore_mem>> -> memref<!tpu.dma_semaphore, #tpu.memory_space<semaphore_mem>>
        tpu.wait_indirect_dma semaphore(%dma_wait3A_1165 : memref<!tpu.dma_semaphore, #tpu.memory_space<semaphore_mem>>) src(%arg6 : memref<64x128xf32, #tpu.memory_space<vmem>>) dst(%dma_wait3A_1163 : memref<10008x128xf32, #tpu.memory_space<vmem_shared>>)
        %add3A_1166 = arith.constant 1 : i32
        %add3A_1167 = arith.addi %add3A_1043, %add3A_1166 : i32
        %mul3A_1168 = arith.constant 2 : i32
        %mul3A_1169 = arith.muli %add3A_1167, %mul3A_1168 : i32
        %add3A_1170 = arith.constant 0 : i32
        %add3A_1171 = arith.addi %mul3A_1169, %add3A_1170 : i32
        %dma_start3A_1172 = arith.constant 0 : i32
        %dma_start3A_1173 = arith.constant 0 : i32
        %dma_start3A_1174 = tpu.memref_slice %arg10[%add3A_1171, %dma_start3A_1173] : memref<40x128xi32, #tpu.memory_space<vmem>> -> memref<1x64xi32, #tpu.memory_space<vmem>>
        %dma_start3A_1175 = tpu.memref_squeeze %dma_start3A_1174 : memref<1x64xi32, #tpu.memory_space<vmem>> -> memref<64xi32, #tpu.memory_space<vmem>>
        %dma_start3A_1176 = arith.constant 0 : i32
        %dma_start3A_1177 = arith.constant 0 : i32
        %dma_start3A_1178 = tpu.memref_slice %arg2[%dma_start3A_1176, %dma_start3A_1177] : memref<10000x128xf32, #tpu.memory_space<hbm>> -> memref<10000x128xf32, #tpu.memory_space<hbm>>
        %dma_start3A_1179 = tpu.memref_slice %arg16[%dma_start3A_1172] : memref<4x!tpu.dma_semaphore, #tpu.memory_space<semaphore_mem>> -> memref<1x!tpu.dma_semaphore, #tpu.memory_space<semaphore_mem>>
        %dma_start3A_1180 = tpu.memref_squeeze %dma_start3A_1179 : memref<1x!tpu.dma_semaphore, #tpu.memory_space<semaphore_mem>> -> memref<!tpu.dma_semaphore, #tpu.memory_space<semaphore_mem>>
        tpu.enqueue_indirect_dma source(%dma_start3A_1178 : memref<10000x128xf32, #tpu.memory_space<hbm>>) target(%arg6 : memref<64x128xf32, #tpu.memory_space<vmem>>) offsets(%dma_start3A_1175 : memref<64xi32, #tpu.memory_space<vmem>>) semaphore(%dma_start3A_1180 : memref<!tpu.dma_semaphore, #tpu.memory_space<semaphore_mem>>)
      } else {
      }
      %dma_wait3A_1072 = arith.constant 0 : i32
      %dma_wait3A_1073 = arith.constant 1 : i32
      %dma_wait3A_1074 = arith.constant 64 : i32
      %dma_wait3A_1075 = tpu.memref_slice %arg10[%dma_wait3A_1072, %dma_wait3A_1074] : memref<40x128xi32, #tpu.memory_space<vmem>> -> memref<1x64xi32, #tpu.memory_space<vmem>>
      %dma_wait3A_1076 = tpu.memref_squeeze %dma_wait3A_1075 : memref<1x64xi32, #tpu.memory_space<vmem>> -> memref<64xi32, #tpu.memory_space<vmem>>
      %dma_wait3A_1077 = arith.constant 0 : i32
      %dma_wait3A_1078 = arith.constant 0 : i32
      %dma_wait3A_1079 = tpu.memref_slice %arg2[%dma_wait3A_1077, %dma_wait3A_1078] : memref<10000x128xf32, #tpu.memory_space<hbm>> -> memref<10000x128xf32, #tpu.memory_space<hbm>>
      %dma_wait3A_1080 = tpu.memref_slice %arg16[%dma_wait3A_1073] : memref<4x!tpu.dma_semaphore, #tpu.memory_space<semaphore_mem>> -> memref<1x!tpu.dma_semaphore, #tpu.memory_space<semaphore_mem>>
      %dma_wait3A_1081 = tpu.memref_squeeze %dma_wait3A_1080 : memref<1x!tpu.dma_semaphore, #tpu.memory_space<semaphore_mem>> -> memref<!tpu.dma_semaphore, #tpu.memory_space<semaphore_mem>>
      tpu.wait_indirect_dma semaphore(%dma_wait3A_1081 : memref<!tpu.dma_semaphore, #tpu.memory_space<semaphore_mem>>) src(%dma_wait3A_1079 : memref<10000x128xf32, #tpu.memory_space<hbm>>) dst(%arg7 : memref<64x128xf32, #tpu.memory_space<vmem>>)
      %mul3A_1082 = arith.constant 2 : i32
      %mul3A_1083 = arith.muli %add3A_1043, %mul3A_1082 : i32
      %add3A_1084 = arith.constant 0 : i32
      %add3A_1085 = arith.addi %mul3A_1083, %add3A_1084 : i32
      %dma_start3A_1086 = arith.constant 1 : i32
      %dma_start3A_1087 = arith.constant 64 : i32
      %dma_start3A_1088 = tpu.memref_slice %arg11[%add3A_1085, %dma_start3A_1087] : memref<40x128xi32, #tpu.memory_space<vmem>> -> memref<1x64xi32, #tpu.memory_space<vmem>>
      %dma_start3A_1089 = tpu.memref_squeeze %dma_start3A_1088 : memref<1x64xi32, #tpu.memory_space<vmem>> -> memref<64xi32, #tpu.memory_space<vmem>>
      %dma_start3A_1090 = arith.constant 0 : i32
      %dma_start3A_1091 = arith.constant 0 : i32
      %dma_start3A_1092 = tpu.memref_slice %arg13[%dma_start3A_1090, %dma_start3A_1091] : memref<10008x128xf32, #tpu.memory_space<vmem_shared>> -> memref<10008x128xf32, #tpu.memory_space<vmem_shared>>
      %dma_start3A_1093 = tpu.memref_slice %arg17[%dma_start3A_1086] : memref<4x!tpu.dma_semaphore, #tpu.memory_space<semaphore_mem>> -> memref<1x!tpu.dma_semaphore, #tpu.memory_space<semaphore_mem>>
      %dma_start3A_1094 = tpu.memref_squeeze %dma_start3A_1093 : memref<1x!tpu.dma_semaphore, #tpu.memory_space<semaphore_mem>> -> memref<!tpu.dma_semaphore, #tpu.memory_space<semaphore_mem>>
      tpu.enqueue_indirect_dma source(%arg7 : memref<64x128xf32, #tpu.memory_space<vmem>>) target(%dma_start3A_1092 : memref<10008x128xf32, #tpu.memory_space<vmem_shared>>) offsets(%dma_start3A_1089 : memref<64xi32, #tpu.memory_space<vmem>>) semaphore(%dma_start3A_1094 : memref<!tpu.dma_semaphore, #tpu.memory_space<semaphore_mem>>) {add = true}
      %lt3A_1095 = arith.constant 19 : i32
      %lt3A_1096 = arith.cmpi slt, %add3A_1043, %lt3A_1095 : i32
      %convert_element_type3A_1097 = arith.extui %lt3A_1096 : i1 to i32
      %cond3A_1098 = arith.constant 0 : i32
      %cond3A_1099 = arith.cmpi ne, %convert_element_type3A_1097, %cond3A_1098 : i32
      scf.if %cond3A_1099 {
        %dma_wait3A_1156 = arith.constant 0 : i32
        %dma_wait3A_1157 = arith.constant 1 : i32
        %dma_wait3A_1158 = arith.constant 64 : i32
        %dma_wait3A_1159 = tpu.memref_slice %arg11[%dma_wait3A_1156, %dma_wait3A_1158] : memref<40x128xi32, #tpu.memory_space<vmem>> -> memref<1x64xi32, #tpu.memory_space<vmem>>
        %dma_wait3A_1160 = tpu.memref_squeeze %dma_wait3A_1159 : memref<1x64xi32, #tpu.memory_space<vmem>> -> memref<64xi32, #tpu.memory_space<vmem>>
        %dma_wait3A_1161 = arith.constant 0 : i32
        %dma_wait3A_1162 = arith.constant 0 : i32
        %dma_wait3A_1163 = tpu.memref_slice %arg13[%dma_wait3A_1161, %dma_wait3A_1162] : memref<10008x128xf32, #tpu.memory_space<vmem_shared>> -> memref<10008x128xf32, #tpu.memory_space<vmem_shared>>
        %dma_wait3A_1164 = tpu.memref_slice %arg17[%dma_wait3A_1157] : memref<4x!tpu.dma_semaphore, #tpu.memory_space<semaphore_mem>> -> memref<1x!tpu.dma_semaphore, #tpu.memory_space<semaphore_mem>>
        %dma_wait3A_1165 = tpu.memref_squeeze %dma_wait3A_1164 : memref<1x!tpu.dma_semaphore, #tpu.memory_space<semaphore_mem>> -> memref<!tpu.dma_semaphore, #tpu.memory_space<semaphore_mem>>
        tpu.wait_indirect_dma semaphore(%dma_wait3A_1165 : memref<!tpu.dma_semaphore, #tpu.memory_space<semaphore_mem>>) src(%arg7 : memref<64x128xf32, #tpu.memory_space<vmem>>) dst(%dma_wait3A_1163 : memref<10008x128xf32, #tpu.memory_space<vmem_shared>>)
        %add3A_1166 = arith.constant 1 : i32
        %add3A_1167 = arith.addi %add3A_1043, %add3A_1166 : i32
        %mul3A_1168 = arith.constant 2 : i32
        %mul3A_1169 = arith.muli %add3A_1167, %mul3A_1168 : i32
        %add3A_1170 = arith.constant 0 : i32
        %add3A_1171 = arith.addi %mul3A_1169, %add3A_1170 : i32
        %dma_start3A_1172 = arith.constant 1 : i32
        %dma_start3A_1173 = arith.constant 64 : i32
        %dma_start3A_1174 = tpu.memref_slice %arg10[%add3A_1171, %dma_start3A_1173] : memref<40x128xi32, #tpu.memory_space<vmem>> -> memref<1x64xi32, #tpu.memory_space<vmem>>
        %dma_start3A_1175 = tpu.memref_squeeze %dma_start3A_1174 : memref<1x64xi32, #tpu.memory_space<vmem>> -> memref<64xi32, #tpu.memory_space<vmem>>
        %dma_start3A_1176 = arith.constant 0 : i32
        %dma_start3A_1177 = arith.constant 0 : i32
        %dma_start3A_1178 = tpu.memref_slice %arg2[%dma_start3A_1176, %dma_start3A_1177] : memref<10000x128xf32, #tpu.memory_space<hbm>> -> memref<10000x128xf32, #tpu.memory_space<hbm>>
        %dma_start3A_1179 = tpu.memref_slice %arg16[%dma_start3A_1172] : memref<4x!tpu.dma_semaphore, #tpu.memory_space<semaphore_mem>> -> memref<1x!tpu.dma_semaphore, #tpu.memory_space<semaphore_mem>>
        %dma_start3A_1180 = tpu.memref_squeeze %dma_start3A_1179 : memref<1x!tpu.dma_semaphore, #tpu.memory_space<semaphore_mem>> -> memref<!tpu.dma_semaphore, #tpu.memory_space<semaphore_mem>>
        tpu.enqueue_indirect_dma source(%dma_start3A_1178 : memref<10000x128xf32, #tpu.memory_space<hbm>>) target(%arg7 : memref<64x128xf32, #tpu.memory_space<vmem>>) offsets(%dma_start3A_1175 : memref<64xi32, #tpu.memory_space<vmem>>) semaphore(%dma_start3A_1180 : memref<!tpu.dma_semaphore, #tpu.memory_space<semaphore_mem>>)
      } else {
      }
      %dma_wait3A_1100 = arith.constant 1 : i32
      %dma_wait3A_1101 = arith.constant 2 : i32
      %dma_wait3A_1102 = arith.constant 0 : i32
      %dma_wait3A_1103 = tpu.memref_slice %arg10[%dma_wait3A_1100, %dma_wait3A_1102] : memref<40x128xi32, #tpu.memory_space<vmem>> -> memref<1x64xi32, #tpu.memory_space<vmem>>
      %dma_wait3A_1104 = tpu.memref_squeeze %dma_wait3A_1103 : memref<1x64xi32, #tpu.memory_space<vmem>> -> memref<64xi32, #tpu.memory_space<vmem>>
      %dma_wait3A_1105 = arith.constant 0 : i32
      %dma_wait3A_1106 = arith.constant 0 : i32
      %dma_wait3A_1107 = tpu.memref_slice %arg2[%dma_wait3A_1105, %dma_wait3A_1106] : memref<10000x128xf32, #tpu.memory_space<hbm>> -> memref<10000x128xf32, #tpu.memory_space<hbm>>
      %dma_wait3A_1108 = tpu.memref_slice %arg16[%dma_wait3A_1101] : memref<4x!tpu.dma_semaphore, #tpu.memory_space<semaphore_mem>> -> memref<1x!tpu.dma_semaphore, #tpu.memory_space<semaphore_mem>>
      %dma_wait3A_1109 = tpu.memref_squeeze %dma_wait3A_1108 : memref<1x!tpu.dma_semaphore, #tpu.memory_space<semaphore_mem>> -> memref<!tpu.dma_semaphore, #tpu.memory_space<semaphore_mem>>
      tpu.wait_indirect_dma semaphore(%dma_wait3A_1109 : memref<!tpu.dma_semaphore, #tpu.memory_space<semaphore_mem>>) src(%dma_wait3A_1107 : memref<10000x128xf32, #tpu.memory_space<hbm>>) dst(%arg8 : memref<64x128xf32, #tpu.memory_space<vmem>>)
      %mul3A_1110 = arith.constant 2 : i32
      %mul3A_1111 = arith.muli %add3A_1043, %mul3A_1110 : i32
      %add3A_1112 = arith.constant 1 : i32
      %add3A_1113 = arith.addi %mul3A_1111, %add3A_1112 : i32
      %dma_start3A_1114 = arith.constant 2 : i32
      %dma_start3A_1115 = arith.constant 0 : i32
      %dma_start3A_1116 = tpu.memref_slice %arg11[%add3A_1113, %dma_start3A_1115] : memref<40x128xi32, #tpu.memory_space<vmem>> -> memref<1x64xi32, #tpu.memory_space<vmem>>
      %dma_start3A_1117 = tpu.memref_squeeze %dma_start3A_1116 : memref<1x64xi32, #tpu.memory_space<vmem>> -> memref<64xi32, #tpu.memory_space<vmem>>
      %dma_start3A_1118 = arith.constant 0 : i32
      %dma_start3A_1119 = arith.constant 0 : i32
      %dma_start3A_1120 = tpu.memref_slice %arg13[%dma_start3A_1118, %dma_start3A_1119] : memref<10008x128xf32, #tpu.memory_space<vmem_shared>> -> memref<10008x128xf32, #tpu.memory_space<vmem_shared>>
      %dma_start3A_1121 = tpu.memref_slice %arg17[%dma_start3A_1114] : memref<4x!tpu.dma_semaphore, #tpu.memory_space<semaphore_mem>> -> memref<1x!tpu.dma_semaphore, #tpu.memory_space<semaphore_mem>>
      %dma_start3A_1122 = tpu.memref_squeeze %dma_start3A_1121 : memref<1x!tpu.dma_semaphore, #tpu.memory_space<semaphore_mem>> -> memref<!tpu.dma_semaphore, #tpu.memory_space<semaphore_mem>>
      tpu.enqueue_indirect_dma source(%arg8 : memref<64x128xf32, #tpu.memory_space<vmem>>) target(%dma_start3A_1120 : memref<10008x128xf32, #tpu.memory_space<vmem_shared>>) offsets(%dma_start3A_1117 : memref<64xi32, #tpu.memory_space<vmem>>) semaphore(%dma_start3A_1122 : memref<!tpu.dma_semaphore, #tpu.memory_space<semaphore_mem>>) {add = true}
      %lt3A_1123 = arith.constant 19 : i32
      %lt3A_1124 = arith.cmpi slt, %add3A_1043, %lt3A_1123 : i32
      %convert_element_type3A_1125 = arith.extui %lt3A_1124 : i1 to i32
      %cond3A_1126 = arith.constant 0 : i32
      %cond3A_1127 = arith.cmpi ne, %convert_element_type3A_1125, %cond3A_1126 : i32
      scf.if %cond3A_1127 {
        %dma_wait3A_1156 = arith.constant 1 : i32
        %dma_wait3A_1157 = arith.constant 2 : i32
        %dma_wait3A_1158 = arith.constant 0 : i32
        %dma_wait3A_1159 = tpu.memref_slice %arg11[%dma_wait3A_1156, %dma_wait3A_1158] : memref<40x128xi32, #tpu.memory_space<vmem>> -> memref<1x64xi32, #tpu.memory_space<vmem>>
        %dma_wait3A_1160 = tpu.memref_squeeze %dma_wait3A_1159 : memref<1x64xi32, #tpu.memory_space<vmem>> -> memref<64xi32, #tpu.memory_space<vmem>>
        %dma_wait3A_1161 = arith.constant 0 : i32
        %dma_wait3A_1162 = arith.constant 0 : i32
        %dma_wait3A_1163 = tpu.memref_slice %arg13[%dma_wait3A_1161, %dma_wait3A_1162] : memref<10008x128xf32, #tpu.memory_space<vmem_shared>> -> memref<10008x128xf32, #tpu.memory_space<vmem_shared>>
        %dma_wait3A_1164 = tpu.memref_slice %arg17[%dma_wait3A_1157] : memref<4x!tpu.dma_semaphore, #tpu.memory_space<semaphore_mem>> -> memref<1x!tpu.dma_semaphore, #tpu.memory_space<semaphore_mem>>
        %dma_wait3A_1165 = tpu.memref_squeeze %dma_wait3A_1164 : memref<1x!tpu.dma_semaphore, #tpu.memory_space<semaphore_mem>> -> memref<!tpu.dma_semaphore, #tpu.memory_space<semaphore_mem>>
        tpu.wait_indirect_dma semaphore(%dma_wait3A_1165 : memref<!tpu.dma_semaphore, #tpu.memory_space<semaphore_mem>>) src(%arg8 : memref<64x128xf32, #tpu.memory_space<vmem>>) dst(%dma_wait3A_1163 : memref<10008x128xf32, #tpu.memory_space<vmem_shared>>)
        %add3A_1166 = arith.constant 1 : i32
        %add3A_1167 = arith.addi %add3A_1043, %add3A_1166 : i32
        %mul3A_1168 = arith.constant 2 : i32
        %mul3A_1169 = arith.muli %add3A_1167, %mul3A_1168 : i32
        %add3A_1170 = arith.constant 1 : i32
        %add3A_1171 = arith.addi %mul3A_1169, %add3A_1170 : i32
        %dma_start3A_1172 = arith.constant 2 : i32
        %dma_start3A_1173 = arith.constant 0 : i32
        %dma_start3A_1174 = tpu.memref_slice %arg10[%add3A_1171, %dma_start3A_1173] : memref<40x128xi32, #tpu.memory_space<vmem>> -> memref<1x64xi32, #tpu.memory_space<vmem>>
        %dma_start3A_1175 = tpu.memref_squeeze %dma_start3A_1174 : memref<1x64xi32, #tpu.memory_space<vmem>> -> memref<64xi32, #tpu.memory_space<vmem>>
        %dma_start3A_1176 = arith.constant 0 : i32
        %dma_start3A_1177 = arith.constant 0 : i32
        %dma_start3A_1178 = tpu.memref_slice %arg2[%dma_start3A_1176, %dma_start3A_1177] : memref<10000x128xf32, #tpu.memory_space<hbm>> -> memref<10000x128xf32, #tpu.memory_space<hbm>>
        %dma_start3A_1179 = tpu.memref_slice %arg16[%dma_start3A_1172] : memref<4x!tpu.dma_semaphore, #tpu.memory_space<semaphore_mem>> -> memref<1x!tpu.dma_semaphore, #tpu.memory_space<semaphore_mem>>
        %dma_start3A_1180 = tpu.memref_squeeze %dma_start3A_1179 : memref<1x!tpu.dma_semaphore, #tpu.memory_space<semaphore_mem>> -> memref<!tpu.dma_semaphore, #tpu.memory_space<semaphore_mem>>
        tpu.enqueue_indirect_dma source(%dma_start3A_1178 : memref<10000x128xf32, #tpu.memory_space<hbm>>) target(%arg8 : memref<64x128xf32, #tpu.memory_space<vmem>>) offsets(%dma_start3A_1175 : memref<64xi32, #tpu.memory_space<vmem>>) semaphore(%dma_start3A_1180 : memref<!tpu.dma_semaphore, #tpu.memory_space<semaphore_mem>>)
      } else {
      }
      %dma_wait3A_1128 = arith.constant 1 : i32
      %dma_wait3A_1129 = arith.constant 3 : i32
      %dma_wait3A_1130 = arith.constant 64 : i32
      %dma_wait3A_1131 = tpu.memref_slice %arg10[%dma_wait3A_1128, %dma_wait3A_1130] : memref<40x128xi32, #tpu.memory_space<vmem>> -> memref<1x64xi32, #tpu.memory_space<vmem>>
      %dma_wait3A_1132 = tpu.memref_squeeze %dma_wait3A_1131 : memref<1x64xi32, #tpu.memory_space<vmem>> -> memref<64xi32, #tpu.memory_space<vmem>>
      %dma_wait3A_1133 = arith.constant 0 : i32
      %dma_wait3A_1134 = arith.constant 0 : i32
      %dma_wait3A_1135 = tpu.memref_slice %arg2[%dma_wait3A_1133, %dma_wait3A_1134] : memref<10000x128xf32, #tpu.memory_space<hbm>> -> memref<10000x128xf32, #tpu.memory_space<hbm>>
      %dma_wait3A_1136 = tpu.memref_slice %arg16[%dma_wait3A_1129] : memref<4x!tpu.dma_semaphore, #tpu.memory_space<semaphore_mem>> -> memref<1x!tpu.dma_semaphore, #tpu.memory_space<semaphore_mem>>
      %dma_wait3A_1137 = tpu.memref_squeeze %dma_wait3A_1136 : memref<1x!tpu.dma_semaphore, #tpu.memory_space<semaphore_mem>> -> memref<!tpu.dma_semaphore, #tpu.memory_space<semaphore_mem>>
      tpu.wait_indirect_dma semaphore(%dma_wait3A_1137 : memref<!tpu.dma_semaphore, #tpu.memory_space<semaphore_mem>>) src(%dma_wait3A_1135 : memref<10000x128xf32, #tpu.memory_space<hbm>>) dst(%arg9 : memref<64x128xf32, #tpu.memory_space<vmem>>)
      %mul3A_1138 = arith.constant 2 : i32
      %mul3A_1139 = arith.muli %add3A_1043, %mul3A_1138 : i32
      %add3A_1140 = arith.constant 1 : i32
      %add3A_1141 = arith.addi %mul3A_1139, %add3A_1140 : i32
      %dma_start3A_1142 = arith.constant 3 : i32
      %dma_start3A_1143 = arith.constant 64 : i32
      %dma_start3A_1144 = tpu.memref_slice %arg11[%add3A_1141, %dma_start3A_1143] : memref<40x128xi32, #tpu.memory_space<vmem>> -> memref<1x64xi32, #tpu.memory_space<vmem>>
      %dma_start3A_1145 = tpu.memref_squeeze %dma_start3A_1144 : memref<1x64xi32, #tpu.memory_space<vmem>> -> memref<64xi32, #tpu.memory_space<vmem>>
      %dma_start3A_1146 = arith.constant 0 : i32
      %dma_start3A_1147 = arith.constant 0 : i32
      %dma_start3A_1148 = tpu.memref_slice %arg13[%dma_start3A_1146, %dma_start3A_1147] : memref<10008x128xf32, #tpu.memory_space<vmem_shared>> -> memref<10008x128xf32, #tpu.memory_space<vmem_shared>>
      %dma_start3A_1149 = tpu.memref_slice %arg17[%dma_start3A_1142] : memref<4x!tpu.dma_semaphore, #tpu.memory_space<semaphore_mem>> -> memref<1x!tpu.dma_semaphore, #tpu.memory_space<semaphore_mem>>
      %dma_start3A_1150 = tpu.memref_squeeze %dma_start3A_1149 : memref<1x!tpu.dma_semaphore, #tpu.memory_space<semaphore_mem>> -> memref<!tpu.dma_semaphore, #tpu.memory_space<semaphore_mem>>
      tpu.enqueue_indirect_dma source(%arg9 : memref<64x128xf32, #tpu.memory_space<vmem>>) target(%dma_start3A_1148 : memref<10008x128xf32, #tpu.memory_space<vmem_shared>>) offsets(%dma_start3A_1145 : memref<64xi32, #tpu.memory_space<vmem>>) semaphore(%dma_start3A_1150 : memref<!tpu.dma_semaphore, #tpu.memory_space<semaphore_mem>>) {add = true}
      %lt3A_1151 = arith.constant 19 : i32
      %lt3A_1152 = arith.cmpi slt, %add3A_1043, %lt3A_1151 : i32
      %convert_element_type3A_1153 = arith.extui %lt3A_1152 : i1 to i32
      %cond3A_1154 = arith.constant 0 : i32
      %cond3A_1155 = arith.cmpi ne, %convert_element_type3A_1153, %cond3A_1154 : i32
      scf.if %cond3A_1155 {
        %dma_wait3A_1156 = arith.constant 1 : i32
        %dma_wait3A_1157 = arith.constant 3 : i32
        %dma_wait3A_1158 = arith.constant 64 : i32
        %dma_wait3A_1159 = tpu.memref_slice %arg11[%dma_wait3A_1156, %dma_wait3A_1158] : memref<40x128xi32, #tpu.memory_space<vmem>> -> memref<1x64xi32, #tpu.memory_space<vmem>>
        %dma_wait3A_1160 = tpu.memref_squeeze %dma_wait3A_1159 : memref<1x64xi32, #tpu.memory_space<vmem>> -> memref<64xi32, #tpu.memory_space<vmem>>
        %dma_wait3A_1161 = arith.constant 0 : i32
        %dma_wait3A_1162 = arith.constant 0 : i32
        %dma_wait3A_1163 = tpu.memref_slice %arg13[%dma_wait3A_1161, %dma_wait3A_1162] : memref<10008x128xf32, #tpu.memory_space<vmem_shared>> -> memref<10008x128xf32, #tpu.memory_space<vmem_shared>>
        %dma_wait3A_1164 = tpu.memref_slice %arg17[%dma_wait3A_1157] : memref<4x!tpu.dma_semaphore, #tpu.memory_space<semaphore_mem>> -> memref<1x!tpu.dma_semaphore, #tpu.memory_space<semaphore_mem>>
        %dma_wait3A_1165 = tpu.memref_squeeze %dma_wait3A_1164 : memref<1x!tpu.dma_semaphore, #tpu.memory_space<semaphore_mem>> -> memref<!tpu.dma_semaphore, #tpu.memory_space<semaphore_mem>>
        tpu.wait_indirect_dma semaphore(%dma_wait3A_1165 : memref<!tpu.dma_semaphore, #tpu.memory_space<semaphore_mem>>) src(%arg9 : memref<64x128xf32, #tpu.memory_space<vmem>>) dst(%dma_wait3A_1163 : memref<10008x128xf32, #tpu.memory_space<vmem_shared>>)
        %add3A_1166 = arith.constant 1 : i32
        %add3A_1167 = arith.addi %add3A_1043, %add3A_1166 : i32
        %mul3A_1168 = arith.constant 2 : i32
        %mul3A_1169 = arith.muli %add3A_1167, %mul3A_1168 : i32
        %add3A_1170 = arith.constant 1 : i32
        %add3A_1171 = arith.addi %mul3A_1169, %add3A_1170 : i32
        %dma_start3A_1172 = arith.constant 3 : i32
        %dma_start3A_1173 = arith.constant 64 : i32
        %dma_start3A_1174 = tpu.memref_slice %arg10[%add3A_1171, %dma_start3A_1173] : memref<40x128xi32, #tpu.memory_space<vmem>> -> memref<1x64xi32, #tpu.memory_space<vmem>>
        %dma_start3A_1175 = tpu.memref_squeeze %dma_start3A_1174 : memref<1x64xi32, #tpu.memory_space<vmem>> -> memref<64xi32, #tpu.memory_space<vmem>>
        %dma_start3A_1176 = arith.constant 0 : i32
        %dma_start3A_1177 = arith.constant 0 : i32
        %dma_start3A_1178 = tpu.memref_slice %arg2[%dma_start3A_1176, %dma_start3A_1177] : memref<10000x128xf32, #tpu.memory_space<hbm>> -> memref<10000x128xf32, #tpu.memory_space<hbm>>
        %dma_start3A_1179 = tpu.memref_slice %arg16[%dma_start3A_1172] : memref<4x!tpu.dma_semaphore, #tpu.memory_space<semaphore_mem>> -> memref<1x!tpu.dma_semaphore, #tpu.memory_space<semaphore_mem>>
        %dma_start3A_1180 = tpu.memref_squeeze %dma_start3A_1179 : memref<1x!tpu.dma_semaphore, #tpu.memory_space<semaphore_mem>> -> memref<!tpu.dma_semaphore, #tpu.memory_space<semaphore_mem>>
        tpu.enqueue_indirect_dma source(%dma_start3A_1178 : memref<10000x128xf32, #tpu.memory_space<hbm>>) target(%arg9 : memref<64x128xf32, #tpu.memory_space<vmem>>) offsets(%dma_start3A_1175 : memref<64xi32, #tpu.memory_space<vmem>>) semaphore(%dma_start3A_1180 : memref<!tpu.dma_semaphore, #tpu.memory_space<semaphore_mem>>)
      } else {
      }
    }
    %scan3A_988 = arith.constant 20 : i32
    %dma_wait3A_989 = arith.constant 0 : i32
    %dma_wait3A_990 = arith.constant 0 : i32
    %dma_wait3A_991 = arith.constant 0 : i32
    %dma_wait3A_992 = tpu.memref_slice %arg11[%dma_wait3A_989, %dma_wait3A_991] : memref<40x128xi32, #tpu.memory_space<vmem>> -> memref<1x64xi32, #tpu.memory_space<vmem>>
    %dma_wait3A_993 = tpu.memref_squeeze %dma_wait3A_992 : memref<1x64xi32, #tpu.memory_space<vmem>> -> memref<64xi32, #tpu.memory_space<vmem>>
    %dma_wait3A_994 = arith.constant 0 : i32
    %dma_wait3A_995 = arith.constant 0 : i32
    %dma_wait3A_996 = tpu.memref_slice %arg13[%dma_wait3A_994, %dma_wait3A_995] : memref<10008x128xf32, #tpu.memory_space<vmem_shared>> -> memref<10008x128xf32, #tpu.memory_space<vmem_shared>>
    %dma_wait3A_997 = tpu.memref_slice %arg17[%dma_wait3A_990] : memref<4x!tpu.dma_semaphore, #tpu.memory_space<semaphore_mem>> -> memref<1x!tpu.dma_semaphore, #tpu.memory_space<semaphore_mem>>
    %dma_wait3A_998 = tpu.memref_squeeze %dma_wait3A_997 : memref<1x!tpu.dma_semaphore, #tpu.memory_space<semaphore_mem>> -> memref<!tpu.dma_semaphore, #tpu.memory_space<semaphore_mem>>
    tpu.wait_indirect_dma semaphore(%dma_wait3A_998 : memref<!tpu.dma_semaphore, #tpu.memory_space<semaphore_mem>>) src(%arg6 : memref<64x128xf32, #tpu.memory_space<vmem>>) dst(%dma_wait3A_996 : memref<10008x128xf32, #tpu.memory_space<vmem_shared>>)
    %dma_wait3A_999 = arith.constant 0 : i32
    %dma_wait3A_1000 = arith.constant 1 : i32
    %dma_wait3A_1001 = arith.constant 64 : i32
    %dma_wait3A_1002 = tpu.memref_slice %arg11[%dma_wait3A_999, %dma_wait3A_1001] : memref<40x128xi32, #tpu.memory_space<vmem>> -> memref<1x64xi32, #tpu.memory_space<vmem>>
    %dma_wait3A_1003 = tpu.memref_squeeze %dma_wait3A_1002 : memref<1x64xi32, #tpu.memory_space<vmem>> -> memref<64xi32, #tpu.memory_space<vmem>>
    %dma_wait3A_1004 = arith.constant 0 : i32
    %dma_wait3A_1005 = arith.constant 0 : i32
    %dma_wait3A_1006 = tpu.memref_slice %arg13[%dma_wait3A_1004, %dma_wait3A_1005] : memref<10008x128xf32, #tpu.memory_space<vmem_shared>> -> memref<10008x128xf32, #tpu.memory_space<vmem_shared>>
    %dma_wait3A_1007 = tpu.memref_slice %arg17[%dma_wait3A_1000] : memref<4x!tpu.dma_semaphore, #tpu.memory_space<semaphore_mem>> -> memref<1x!tpu.dma_semaphore, #tpu.memory_space<semaphore_mem>>
    %dma_wait3A_1008 = tpu.memref_squeeze %dma_wait3A_1007 : memref<1x!tpu.dma_semaphore, #tpu.memory_space<semaphore_mem>> -> memref<!tpu.dma_semaphore, #tpu.memory_space<semaphore_mem>>
    tpu.wait_indirect_dma semaphore(%dma_wait3A_1008 : memref<!tpu.dma_semaphore, #tpu.memory_space<semaphore_mem>>) src(%arg7 : memref<64x128xf32, #tpu.memory_space<vmem>>) dst(%dma_wait3A_1006 : memref<10008x128xf32, #tpu.memory_space<vmem_shared>>)
    %dma_wait3A_1009 = arith.constant 1 : i32
    %dma_wait3A_1010 = arith.constant 2 : i32
    %dma_wait3A_1011 = arith.constant 0 : i32
    %dma_wait3A_1012 = tpu.memref_slice %arg11[%dma_wait3A_1009, %dma_wait3A_1011] : memref<40x128xi32, #tpu.memory_space<vmem>> -> memref<1x64xi32, #tpu.memory_space<vmem>>
    %dma_wait3A_1013 = tpu.memref_squeeze %dma_wait3A_1012 : memref<1x64xi32, #tpu.memory_space<vmem>> -> memref<64xi32, #tpu.memory_space<vmem>>
    %dma_wait3A_1014 = arith.constant 0 : i32
    %dma_wait3A_1015 = arith.constant 0 : i32
    %dma_wait3A_1016 = tpu.memref_slice %arg13[%dma_wait3A_1014, %dma_wait3A_1015] : memref<10008x128xf32, #tpu.memory_space<vmem_shared>> -> memref<10008x128xf32, #tpu.memory_space<vmem_shared>>
    %dma_wait3A_1017 = tpu.memref_slice %arg17[%dma_wait3A_1010] : memref<4x!tpu.dma_semaphore, #tpu.memory_space<semaphore_mem>> -> memref<1x!tpu.dma_semaphore, #tpu.memory_space<semaphore_mem>>
    %dma_wait3A_1018 = tpu.memref_squeeze %dma_wait3A_1017 : memref<1x!tpu.dma_semaphore, #tpu.memory_space<semaphore_mem>> -> memref<!tpu.dma_semaphore, #tpu.memory_space<semaphore_mem>>
    tpu.wait_indirect_dma semaphore(%dma_wait3A_1018 : memref<!tpu.dma_semaphore, #tpu.memory_space<semaphore_mem>>) src(%arg8 : memref<64x128xf32, #tpu.memory_space<vmem>>) dst(%dma_wait3A_1016 : memref<10008x128xf32, #tpu.memory_space<vmem_shared>>)
    %dma_wait3A_1019 = arith.constant 1 : i32
    %dma_wait3A_1020 = arith.constant 3 : i32
    %dma_wait3A_1021 = arith.constant 64 : i32
    %dma_wait3A_1022 = tpu.memref_slice %arg11[%dma_wait3A_1019, %dma_wait3A_1021] : memref<40x128xi32, #tpu.memory_space<vmem>> -> memref<1x64xi32, #tpu.memory_space<vmem>>
    %dma_wait3A_1023 = tpu.memref_squeeze %dma_wait3A_1022 : memref<1x64xi32, #tpu.memory_space<vmem>> -> memref<64xi32, #tpu.memory_space<vmem>>
    %dma_wait3A_1024 = arith.constant 0 : i32
    %dma_wait3A_1025 = arith.constant 0 : i32
    %dma_wait3A_1026 = tpu.memref_slice %arg13[%dma_wait3A_1024, %dma_wait3A_1025] : memref<10008x128xf32, #tpu.memory_space<vmem_shared>> -> memref<10008x128xf32, #tpu.memory_space<vmem_shared>>
    %dma_wait3A_1027 = tpu.memref_slice %arg17[%dma_wait3A_1020] : memref<4x!tpu.dma_semaphore, #tpu.memory_space<semaphore_mem>> -> memref<1x!tpu.dma_semaphore, #tpu.memory_space<semaphore_mem>>
    %dma_wait3A_1028 = tpu.memref_squeeze %dma_wait3A_1027 : memref<1x!tpu.dma_semaphore, #tpu.memory_space<semaphore_mem>> -> memref<!tpu.dma_semaphore, #tpu.memory_space<semaphore_mem>>
    tpu.wait_indirect_dma semaphore(%dma_wait3A_1028 : memref<!tpu.dma_semaphore, #tpu.memory_space<semaphore_mem>>) src(%arg9 : memref<64x128xf32, #tpu.memory_space<vmem>>) dst(%dma_wait3A_1026 : memref<10008x128xf32, #tpu.memory_space<vmem_shared>>)
    %barrier3A_1029 = arith.constant 0 : index
    tpu.barrier barrier_id(%barrier3A_1029)
    %lt3A = arith.constant 15 : i32
    %lt3A_1030 = arith.cmpi slt, %arg1, %lt3A : i32
    %convert_element_type3A_1031 = arith.extui %lt3A_1030 : i1 to i32
    %cond3A_1032 = arith.constant 0 : i32
    %cond3A_1033 = arith.cmpi ne, %convert_element_type3A_1031, %cond3A_1032 : i32
    scf.if %cond3A_1033 {
      "tpu.region"() ({
        %run_scoped3A = tpu.sem_alloc : memref<!tpu.dma_semaphore, #tpu.memory_space<semaphore_mem>>
        %dma_start3A_1039 = arith.constant 0 : i32
        %dma_start3A_1040 = tpu.memref_slice %arg5[%arg0, %mul3A_23, %dma_start3A_1039] : memref<2x10000x128xf32, #tpu.memory_space<hbm>> -> memref<1x624x128xf32, #tpu.memory_space<hbm>>
        %dma_start3A_1041 = tpu.memref_squeeze %dma_start3A_1040 : memref<1x624x128xf32, #tpu.memory_space<hbm>> -> memref<624x128xf32, #tpu.memory_space<hbm>>
        %dma_start3A_1042 = arith.constant 0 : i32
        %dma_start3A_1043 = tpu.memref_slice %arg13[%mul3A_23, %dma_start3A_1042] : memref<10008x128xf32, #tpu.memory_space<vmem_shared>> -> memref<624x128xf32, #tpu.memory_space<vmem_shared>>
        tpu.enqueue_dma source(%dma_start3A_1043 : memref<624x128xf32, #tpu.memory_space<vmem_shared>>) target(%dma_start3A_1041 : memref<624x128xf32, #tpu.memory_space<hbm>>) target_semaphore(%run_scoped3A : memref<!tpu.dma_semaphore, #tpu.memory_space<semaphore_mem>>)
        %dma_wait3A_1044 = arith.constant 0 : i32
        %dma_wait3A_1045 = tpu.memref_slice %arg5[%arg0, %mul3A_23, %dma_wait3A_1044] : memref<2x10000x128xf32, #tpu.memory_space<hbm>> -> memref<1x624x128xf32, #tpu.memory_space<hbm>>
        %dma_wait3A_1046 = tpu.memref_squeeze %dma_wait3A_1045 : memref<1x624x128xf32, #tpu.memory_space<hbm>> -> memref<624x128xf32, #tpu.memory_space<hbm>>
        %dma_wait3A_1047 = arith.constant 0 : i32
        %dma_wait3A_1048 = tpu.memref_slice %arg13[%mul3A_23, %dma_wait3A_1047] : memref<10008x128xf32, #tpu.memory_space<vmem_shared>> -> memref<624x128xf32, #tpu.memory_space<vmem_shared>>
        tpu.wait_dma2 semaphore(%run_scoped3A : memref<!tpu.dma_semaphore, #tpu.memory_space<semaphore_mem>>) src(%dma_wait3A_1048 : memref<624x128xf32, #tpu.memory_space<vmem_shared>>) dst(%dma_wait3A_1046 : memref<624x128xf32, #tpu.memory_space<hbm>>)
        tpu.yield
      }) : () -> ()
    } else {
    }
    %eq3A_1034 = arith.constant 15 : i32
    %eq3A_1035 = arith.cmpi eq, %arg1, %eq3A_1034 : i32
    %convert_element_type3A_1036 = arith.extui %eq3A_1035 : i1 to i32
    %cond3A_1037 = arith.constant 0 : i32
    %cond3A_1038 = arith.cmpi ne, %convert_element_type3A_1036, %cond3A_1037 : i32
    scf.if %cond3A_1038 {
      "tpu.region"() ({
        %run_scoped3A = tpu.sem_alloc : memref<!tpu.dma_semaphore, #tpu.memory_space<semaphore_mem>>
        %dma_start3A_1039 = arith.constant 0 : i32
        %dma_start3A_1040 = tpu.memref_slice %arg5[%arg0, %mul3A_23, %dma_start3A_1039] : memref<2x10000x128xf32, #tpu.memory_space<hbm>> -> memref<1x640x128xf32, #tpu.memory_space<hbm>>
        %dma_start3A_1041 = tpu.memref_squeeze %dma_start3A_1040 : memref<1x640x128xf32, #tpu.memory_space<hbm>> -> memref<640x128xf32, #tpu.memory_space<hbm>>
        %dma_start3A_1042 = arith.constant 0 : i32
        %dma_start3A_1043 = tpu.memref_slice %arg13[%mul3A_23, %dma_start3A_1042] : memref<10008x128xf32, #tpu.memory_space<vmem_shared>> -> memref<640x128xf32, #tpu.memory_space<vmem_shared>>
        tpu.enqueue_dma source(%dma_start3A_1043 : memref<640x128xf32, #tpu.memory_space<vmem_shared>>) target(%dma_start3A_1041 : memref<640x128xf32, #tpu.memory_space<hbm>>) target_semaphore(%run_scoped3A : memref<!tpu.dma_semaphore, #tpu.memory_space<semaphore_mem>>)
        %dma_wait3A_1044 = arith.constant 0 : i32
        %dma_wait3A_1045 = tpu.memref_slice %arg5[%arg0, %mul3A_23, %dma_wait3A_1044] : memref<2x10000x128xf32, #tpu.memory_space<hbm>> -> memref<1x640x128xf32, #tpu.memory_space<hbm>>
        %dma_wait3A_1046 = tpu.memref_squeeze %dma_wait3A_1045 : memref<1x640x128xf32, #tpu.memory_space<hbm>> -> memref<640x128xf32, #tpu.memory_space<hbm>>
        %dma_wait3A_1047 = arith.constant 0 : i32
        %dma_wait3A_1048 = tpu.memref_slice %arg13[%mul3A_23, %dma_wait3A_1047] : memref<10008x128xf32, #tpu.memory_space<vmem_shared>> -> memref<640x128xf32, #tpu.memory_space<vmem_shared>>
        tpu.wait_dma2 semaphore(%run_scoped3A : memref<!tpu.dma_semaphore, #tpu.memory_space<semaphore_mem>>) src(%dma_wait3A_1048 : memref<640x128xf32, #tpu.memory_space<vmem_shared>>) dst(%dma_wait3A_1046 : memref<640x128xf32, #tpu.memory_space<hbm>>)
        tpu.yield
      }) : () -> ()
    } else {
    }
    return
  }
}

module attributes {stable_mosaic.version = 14 : i64} {
  func.func @body(%arg0: i32, %arg1: memref<2000x128xf32, #tpu.memory_space<vmem>>, %arg2: memref<2000x128xf32, #tpu.memory_space<vmem>>, %arg3: memref<2000x128xf32, #tpu.memory_space<vmem>>, %arg4: memref<128x128xf32, #tpu.memory_space<vmem>>, %arg5: memref<1x128xf32, #tpu.memory_space<vmem>>, %arg6: memref<128x128xf32, #tpu.memory_space<vmem>>, %arg7: memref<1x128xf32, #tpu.memory_space<vmem>>, %arg8: memref<2000x128xf32, #tpu.memory_space<vmem>>) attributes {dimension_semantics = [#tpu.dimension_semantics<arbitrary>], iteration_bounds = array<i64: 5>, scalar_prefetch = 0 : i64, scratch_operands = 0 : i64, tpu.core_type = #tpu.core_type<tc>, window_params = [{transform_indices = @transform_0, window_bounds = array<i64: 2000, 128>}, {transform_indices = @transform_1, window_bounds = array<i64: 2000, 128>}, {transform_indices = @transform_2, window_bounds = array<i64: 2000, 128>}, {pipeline_mode = #tpu.pipeline_mode<synchronous>, transform_indices = @transform_3, window_bounds = array<i64: 128, 128>}, {pipeline_mode = #tpu.pipeline_mode<synchronous>, transform_indices = @transform_4, window_bounds = array<i64: 1, 128>}, {pipeline_mode = #tpu.pipeline_mode<synchronous>, transform_indices = @transform_5, window_bounds = array<i64: 128, 128>}, {pipeline_mode = #tpu.pipeline_mode<synchronous>, transform_indices = @transform_6, window_bounds = array<i64: 1, 128>}, {transform_indices = @transform_7, window_bounds = array<i64: 2000, 128>}]} {
    %get3A = arith.constant 0 : index
    %get3A_0 = arith.constant 0 : index
    %get3A_1 = vector.load %arg1[%get3A, %get3A_0] : memref<2000x128xf32, #tpu.memory_space<vmem>>, vector<2000x128xf32>
    %get3A_2 = arith.constant 0 : index
    %get3A_3 = arith.constant 0 : index
    %get3A_4 = vector.load %arg2[%get3A_2, %get3A_3] : memref<2000x128xf32, #tpu.memory_space<vmem>>, vector<2000x128xf32>
    %add3A = arith.addf %get3A_1, %get3A_4 : vector<2000x128xf32>
    %get3A_5 = arith.constant 0 : index
    %get3A_6 = arith.constant 0 : index
    %get3A_7 = vector.load %arg3[%get3A_5, %get3A_6] : memref<2000x128xf32, #tpu.memory_space<vmem>>, vector<2000x128xf32>
    %add3A_8 = arith.addf %add3A, %get3A_7 : vector<2000x128xf32>
    %get3A_9 = arith.constant 0 : index
    %get3A_10 = arith.constant 0 : index
    %get3A_11 = vector.load %arg4[%get3A_9, %get3A_10] : memref<128x128xf32, #tpu.memory_space<vmem>>, vector<128x128xf32>
    %dot_general3A = arith.constant dense<0.000000e+00> : vector<2000x128xf32>
    %dot_general3A_12 = tpu.matmul %add3A_8, %get3A_11, %dot_general3A {dimension_numbers = #tpu.dot_dimension_numbers<[1], [0], [0], [1], [0, 0, 1, 1], [], []>, precision = #tpu.contract_precision<fp32>, transpose_lhs_hint = false} : vector<2000x128xf32>, vector<128x128xf32>, vector<2000x128xf32> -> vector<2000x128xf32>
    %get3A_13 = arith.constant 0 : index
    %get3A_14 = arith.constant 0 : index
    %get3A_15 = vector.load %arg5[%get3A_13, %get3A_14] : memref<1x128xf32, #tpu.memory_space<vmem>>, vector<1x128xf32>
    %add3A_16 = vector.broadcast %get3A_15 : vector<1x128xf32> to vector<2000x128xf32>
    %add3A_17 = arith.addf %dot_general3A_12, %add3A_16 : vector<2000x128xf32>
    %max3A = arith.constant 0.000000e+00 : f32
    %max3A_18 = vector.broadcast %max3A : f32 to vector<2000x128xf32>
    %max3A_19 = arith.maximumf %add3A_17, %max3A_18 : vector<2000x128xf32>
    %get3A_20 = arith.constant 0 : index
    %get3A_21 = arith.constant 0 : index
    %get3A_22 = vector.load %arg6[%get3A_20, %get3A_21] : memref<128x128xf32, #tpu.memory_space<vmem>>, vector<128x128xf32>
    %dot_general3A_23 = arith.constant dense<0.000000e+00> : vector<2000x128xf32>
    %dot_general3A_24 = tpu.matmul %max3A_19, %get3A_22, %dot_general3A_23 {dimension_numbers = #tpu.dot_dimension_numbers<[1], [0], [0], [1], [0, 0, 1, 1], [], []>, precision = #tpu.contract_precision<fp32>, transpose_lhs_hint = false} : vector<2000x128xf32>, vector<128x128xf32>, vector<2000x128xf32> -> vector<2000x128xf32>
    %get3A_25 = arith.constant 0 : index
    %get3A_26 = arith.constant 0 : index
    %get3A_27 = vector.load %arg7[%get3A_25, %get3A_26] : memref<1x128xf32, #tpu.memory_space<vmem>>, vector<1x128xf32>
    %add3A_28 = vector.broadcast %get3A_27 : vector<1x128xf32> to vector<2000x128xf32>
    %add3A_29 = arith.addf %dot_general3A_24, %add3A_28 : vector<2000x128xf32>
    %swap3A = arith.constant 0 : index
    %swap3A_30 = arith.constant 0 : index
    %swap3A_31 = vector.load %arg8[%swap3A, %swap3A_30] : memref<2000x128xf32, #tpu.memory_space<vmem>>, vector<2000x128xf32>
    tpu.vector_store %arg8[%swap3A, %swap3A_30], %add3A_29 {strides = array<i32>} : memref<2000x128xf32, #tpu.memory_space<vmem>>, vector<2000x128xf32>,
    return
  }
  func.func @transform_0(%arg0: i32) -> (i32, i32) {
    %c0_i32 = arith.constant 0 : i32
    %c0_i32_0 = arith.constant 0 : i32
    return %arg0, %c0_i32 : i32, i32
  }
  func.func @transform_1(%arg0: i32) -> (i32, i32) {
    %c0_i32 = arith.constant 0 : i32
    %c0_i32_0 = arith.constant 0 : i32
    return %arg0, %c0_i32 : i32, i32
  }
  func.func @transform_2(%arg0: i32) -> (i32, i32) {
    %c0_i32 = arith.constant 0 : i32
    %c0_i32_0 = arith.constant 0 : i32
    return %arg0, %c0_i32 : i32, i32
  }
  func.func @transform_3(%arg0: i32) -> (i32, i32) {
    %c0_i32 = arith.constant 0 : i32
    %c0_i32_0 = arith.constant 0 : i32
    %c0_i32_1 = arith.constant 0 : i32
    return %c0_i32, %c0_i32_0 : i32, i32
  }
  func.func @transform_4(%arg0: i32) -> (i32, i32) {
    %c0_i32 = arith.constant 0 : i32
    %c0_i32_0 = arith.constant 0 : i32
    %c0_i32_1 = arith.constant 0 : i32
    return %c0_i32, %c0_i32_0 : i32, i32
  }
  func.func @transform_5(%arg0: i32) -> (i32, i32) {
    %c0_i32 = arith.constant 0 : i32
    %c0_i32_0 = arith.constant 0 : i32
    %c0_i32_1 = arith.constant 0 : i32
    return %c0_i32, %c0_i32_0 : i32, i32
  }
  func.func @transform_6(%arg0: i32) -> (i32, i32) {
    %c0_i32 = arith.constant 0 : i32
    %c0_i32_0 = arith.constant 0 : i32
    %c0_i32_1 = arith.constant 0 : i32
    return %c0_i32, %c0_i32_0 : i32, i32
  }
  func.func @transform_7(%arg0: i32) -> (i32, i32) {
    %c0_i32 = arith.constant 0 : i32
    %c0_i32_0 = arith.constant 0 : i32
    return %arg0, %c0_i32 : i32, i32
  }
}

</mosaic_0001>

<sc_bundles>
// kernel: kernel.4.cloned.1.call-start
scs
__scs_entry_jumppad:
0x0: {  	(pc) =	sbr.rel $0x88, $3  }
0x1: {  	(tag) =	ssettag $0x0;
	lr =	simm.s32 $0x1  }
0x2: {  	[smem:$0x3F9B] =	sst lr;
	_ =	strace $0xD0000000  }
0x3: {  	_ = 	snop  }
0x4: {  	_ = 	snop  }
0x5: {  	_ = 	snop  }
0x6: {  	_ = 	snop  }
0x7: {  	_ = 	snop  }
__scs_overlays_trampoline_lowered:
0x8: {  	[smem:$0x3FAA] =	sst s0  }
0x9: {  	[smem:$0x3FAB] =	sst s1  }
0xa: {  	[smem:$0x3FAC] =	sst s2  }
0xb: {  	[smem:$0x3FAD] =	sst s3  }
0xc: {  	[smem:$0x3FAE] =	sst s4  }
0xd: {  	[smem:$0x3FAF] =	sst s5  }
0xe: {  	[smem:$0x3FB0] =	sst s6  }
0xf: {  	[smem:$0x3FB1] =	sst s7  }
0x10: {  	[smem:$0x3FB2] =	sst s8  }
0x11: {  	[smem:$0x3FB3] =	sst s9;
	s0 =	simm.s32 @!p0 $0x0  }
0x12: {  	s1 =	sld [smem:$0x3F99];
	s0 =	simm.s32 @p0 $0x1  }
0x13: {  	[smem:$0x3FB4] =	sst s0;
	s0 =	simm.s32 @!p1 $0x0  }
0x14: {  	s2 =	sld [smem:$0x3F98];
	s0 =	simm.s32 @p1 $0x1  }
0x15: {  	[smem:$0x3FB5] =	sst s0;
	s0 =	simm.s32 @!p2 $0x0  }
0x16: {  	s3 =	sld [smem:$0x3FDB];
	s0 =	simm.s32 @p2 $0x1  }
0x17: {  	s4 =	simm.s32 $0x1BF5;
	[smem:$0x3FB7] =	sst s0  }
0x18: {  	s0 =	sld [smem:$0x3F9A];
	_ =	swait.ge [sflag:s4], $0x0  }
0x19: {  	s7 =	sld [smem:$0x3F9B]  }
0x1a: {  	s8 =	sadd.s32 $0xFFFFE003, lr  }
0x1b: {  	s9 =	sadd.s32 $0xFFFFFEF7, lr;
	s5 =	simm.s32 $0xFFFFFFFF;
	p2 =	slt.u32 s8, $0xFFFFF086  }
0x1c: {  	p1 =	slt.u32 s9, $0xF7A;
	s5 =	simm.s32 @!p2 $0x0  }
0x1d: {  	s5 =	simm.s32 @p1 $0x1;
	p0 =	seq.s32 s7, s2  }
0x1e: {  	s7 =	smul.u32 @!p0 $0xF7A, s2;
	p2 =	seq.s32 @!p0 s5, $0x0  }
0x1f: {  	s9 =	smul.u32 $0xF7A, s1;
	s8 =	simm.s32 @!p0 $0x1BF5;
	p2 =	por !p2, p0  }
0x20: {  	[sflag:s8] =	ssyncset.s32 @!p0 $0xFFFFF086;
	s6 =	sadd.s32 @!p0 s3, s7;
	s7 =	simm.s32 @!p0 $0x108  }
0x21: {  	s3 =	sadd.s32 s3, s9;
	s6 =	sadd.s32 @!p0 $0x88, s6;
	s7 =	simm.s32 @p2 $0x1082  }
0x22: {  	[simem:s7], [sflag:s8] =	dma.local @!p0 [hbm:s6], $0xF7A  }
0x23: {  	s9 =	sor.u32 $0xD0000000, s2;
	s6 =	simm.s32 $0x108;
	_ =	swait.ge @!p0 [sflag:s8], $0x0  }
0x24: {  	s3 =	sadd.s32 $0x88, s3;
	s6 =	simm.s32 @!p1 $0x1082;
	[sflag:s4] =	ssyncset.s32 $0xFFFFF086  }
0x25: {  	[simem:s6], [sflag:s4] =	dma.local [hbm:s3], $0xF7A  }
0x26: {  	[smem:$0x3F9B] =	sst s1;
	(tag) =	ssettag s2;
	_ =	strace s9  }
0x27: {  	s1 =	sld [smem:$0x3FAB]  }
0x28: {  	s2 =	sld [smem:$0x3FAC]  }
0x29: {  	s4 =	sld [smem:$0x3FAE]  }
0x2a: {  	p0 =	seq.s32 s5, $0x0;
	s5 =	sld [smem:$0x3FAF]  }
0x2b: {  	s6 =	sld [smem:$0x3FB0]  }
0x2c: {  	s7 =	sld [smem:$0x3FB1]  }
0x2d: {  	s3 =	simm.s32 $0x108;
	s8 =	sld [smem:$0x3FB2]  }
0x2e: {  	s3 =	simm.s32 @!p0 $0x1082;
	s9 =	sld [smem:$0x3FB3]  }
0x2f: {  	lr =	sadd.s32 s0, s3;
	s0 =	sld [smem:$0x3FAA]  }
0x30: {  	s3 =	sld [smem:$0x3FAD]  }
0x31: {  	[smem:$0x3FB6] =	sst s10  }
0x32: {  	s10 =	sld [smem:$0x3FB4];
	_ =	sdelay $0x3  }
0x33: {  	p0 =	seq.s32 s10, $0x1;
	s10 =	sld [smem:$0x3FB6];
	_ =	sdelay $0x3  }
0x34: {  	[smem:$0x3FB6] =	sst s10  }
0x35: {  	s10 =	sld [smem:$0x3FB5];
	_ =	sdelay $0x3  }
0x36: {  	p1 =	seq.s32 s10, $0x1;
	s10 =	sld [smem:$0x3FB6];
	_ =	sdelay $0x3  }
0x37: {  	[smem:$0x3FB6] =	sst s10  }
0x38: {  	s10 =	sld [smem:$0x3FB7]  }
0x39: {  	_ = 	snop;
	(pc) =	sbr.ind lr, $3  }
0x3a: {  	_ = 	snop  }
0x3b: {  	_ = 	snop  }
0x3c: {  	p2 =	seq.s32 s10, $0x1;
	s10 =	sld [smem:$0x3FB6]  }
0x3d: {  	_ =	shalt  }
0x3e: {  	_ =	shalt  }
0x3f: {  	_ =	shalt  }
0x40: {  	_ =	shalt  }
0x41: {  	_ =	shalt  }
0x42: {  	_ =	shalt  }
0x43: {  	_ =	shalt  }
0x44: {  	_ =	shalt  }
0x45: {  	_ =	shalt  }
0x46: {  	_ =	shalt  }
0x47: {  	_ =	shalt  }
0x48: {  	_ =	shalt  }
0x49: {  	_ =	shalt  }
0x4a: {  	_ =	shalt  }
0x4b: {  	_ =	shalt  }
0x4c: {  	_ =	shalt  }
0x4d: {  	_ =	shalt  }
0x4e: {  	_ =	shalt  }
0x4f: {  	_ =	shalt  }
0x50: {  	_ =	shalt  }
0x51: {  	_ =	shalt  }
0x52: {  	_ =	shalt  }
0x53: {  	_ =	shalt  }
0x54: {  	_ =	shalt  }
0x55: {  	_ =	shalt  }
0x56: {  	_ =	shalt  }
0x57: {  	_ =	shalt  }
0x58: {  	_ =	shalt  }
0x59: {  	_ =	shalt  }
0x5a: {  	_ =	shalt  }
0x5b: {  	_ =	shalt  }
0x5c: {  	_ =	shalt  }
0x5d: {  	_ =	shalt  }
0x5e: {  	_ =	shalt  }
0x5f: {  	_ =	shalt  }
0x60: {  	_ =	shalt  }
0x61: {  	_ =	shalt  }
0x62: {  	_ =	shalt  }
0x63: {  	_ =	shalt  }
0x64: {  	_ =	shalt  }
0x65: {  	_ =	shalt  }
0x66: {  	_ =	shalt  }
0x67: {  	_ =	shalt  }
0x68: {  	_ =	shalt  }
0x69: {  	_ =	shalt  }
0x6a: {  	_ =	shalt  }
0x6b: {  	_ =	shalt  }
0x6c: {  	_ =	shalt  }
0x6d: {  	_ =	shalt  }
0x6e: {  	_ =	shalt  }
0x6f: {  	_ =	shalt  }
0x70: {  	_ =	shalt  }
0x71: {  	_ =	shalt  }
0x72: {  	_ =	shalt  }
0x73: {  	_ =	shalt  }
0x74: {  	_ =	shalt  }
0x75: {  	_ =	shalt  }
0x76: {  	_ =	shalt  }
0x77: {  	_ =	shalt  }
0x78: {  	_ =	shalt  }
0x79: {  	_ =	shalt  }
0x7a: {  	_ =	shalt  }
0x7b: {  	_ =	shalt  }
0x7c: {  	_ =	shalt  }
0x7d: {  	_ =	shalt  }
0x7e: {  	_ =	shalt  }
0x7f: {  	_ =	shalt  }
0x80: {  	_ =	shalt  }
0x81: {  	_ =	shalt  }
0x82: {  	_ =	shalt  }
0x83: {  	_ =	shalt  }
0x84: {  	_ =	shalt  }
0x85: {  	_ =	shalt  }
0x86: {  	_ =	shalt  }
0x87: {  	_ =	shalt  }
.Lfunc_end0:
.L_simem_size_0:
called_computation_lowered:
.L_overlay_start_0:
0x88: {  	s2 =	sld [smem:$0x3FD9]  }
0x89: {  	s3 =	sld [smem:$0x3FFE];
	_ =	sdelay $0x1  }
0x8a: {  	s1 =	srdreg.scid  }
0x8b: {  	s0 =	sand.u32 $0x1, s1  }
0x8c: {  	s17 =	sshll.u32 s0, $0xA;
	s2 =	sadd.s32 s3, s2  }
0x8d: {  	s2 =	sadd.s32 s2, s17  }
0x8e: {  	[smem:$0x3FC2] =	sst s2  }
0x8f: {  	_ = 	snop  }
0x90: {  	s2 =	sld [smem:$0x3FC9]  }
0x91: {  	s18 =	sld [smem:$0x3FD0];
	(tm) =	ssettm $0x1  }
0x92: {  	s4 =	sld [smem:$0x3FFB];
	_ =	sdelay $0x3  }
0x93: {  	_ =	strace s4  }
0x94: {  	s4 =	sld [smem:$0x3FFC];
	_ =	sdelay $0x3  }
0x95: {  	_ =	strace s4  }
0x96: {  	s4 =	sld [smem:$0x3FFD];
	_ =	sdelay $0x3  }
0x97: {  	_ =	strace s4  }
0x98: {  	_ =	strace $0x8FFFFFFF  }
0x99: {  	s19 =	sld [smem:$0x3FDB];
	_ =	sdelay $0x1  }
0x9a: {  	s5 =	simm.s32 $_scs_section_size  }
0x9b: {  	s6 =	simm.s32 $_size__tile_overlayer_lowered;
	s7 =	simm.s32 $_tile_overlayer_lowered  }
0x9c: {  	s22 =	simm.s32 $0x1BFF;
	s21 =	sshll.u32 s7, $0x1;
	s4 =	sadd.s32 s5, s19  }
0x9d: {  	s8 =	simm.s32 $0x0;
	s20 =	sshll.u32 s6, $0x1;
	s6 =	sadd.s32 s21, s4  }
0x9e: {  	[timem:s8], [sflag:s22] =	dma.local [hbm:s6], s20  }
0x9f: {  	_ =	swait.ge [sflag:s22], s20  }
0xa0: {  	s5 =	ssub.s32 $0x0, s20;
	[sflag:s22] =	ssyncset.done $0x0  }
0xa1: {  	[sflag:s22] =	ssyncadd.s32 s5;
	_ =	sdelay $0x1  }
0xa2: {  	s23 =	simm.s32 $0x1B8B  }
0xa3: {  	_ =	swait.ge [sflag:s23], $0x1  }
0xa4: {  	[sflag:s23] =	ssyncset.done $0x0  }
0xa5: {  	s25 =	simm.s32 $0x1B8E;
	s24 =	sld [smem:$0x3FFE];
	[sflag:s23] =	ssyncadd.s32 $0xFFFFFFFF  }
0xa6: {  	s26 =	simm.s32 $execute0_lowered;
	[smem:$0x3FD2] =	sst s25  }
0xa7: {  	s6 =	sshll.u32 s26, $0x1;
	_ =	strace $0x80000046;
	[dreg:$0x1] =	wrdreg $0xFFFFFFFF  }
0xa8: {  	s28 =	simm.s32 $_size_execute0_lowered;
	s4 =	sadd.s32 s4, s6;
	[dreg:$0x0] =	wrdreg $0x0  }
0xa9: {  	s6 =	sshll.u32 s28, $0x1;
	[dreg:$0x2] =	wrdreg s4  }
0xaa: {  	[dreg:$0x3] =	wrdreg s6  }
0xab: {  	[dreg:$0x4] =	wrdreg $0xC0  }
0xac: {  	_ =	task [dreg:s8], $0x5FFFF  }
0xad: {  	[dreg:$0x1] =	wrdreg $0xFFFFFFFF  }
0xae: {  	[dreg:$0x0] =	wrdreg $0x60  }
0xaf: {  	[dreg:$0x2] =	wrdreg s2  }
0xb0: {  	[dreg:$0x3] =	wrdreg s18  }
0xb1: {  	[dreg:$0x4] =	wrdreg s24  }
0xb2: {  	[dreg:$0x5] =	wrdreg $0xAC000  }
0xb3: {  	[dreg:$0x6] =	wrdreg $0x9  }
0xb4: {  	_ =	task.clear_ibuf [dreg:s8], $0x7FFFF;
	_ =	strace $0x90000046  }
0xb5: {  	s29 =	simm.s32 $0x9;
	_ =	strace $0x80000048  }
0xb6: {  	_ =	swait.ge [sflag:s29], $0x1  }
0xb7: {  	[sflag:s29] =	ssyncadd.s32 $0xFFFFFFFF  }
0xb8: {  	_ =	strace $0x90000048  }
0xb9: {  	_ =	sfence  }
0xba: {  	s30 =	sld [smem:$0x0];
	_ =	sdelay $0x2  }
0xbb: {  	s31 =	sshll.u32 s1, $0xD;
	s1 =	sshrl.u32 s1, $0x2  }
0xbc: {  	s3 =	sand.u32 $0x4000, s31;
	s1 =	sadd.s32 s1, s30  }
0xbd: {  	s0 =	sor.u32 s3, s0;
	s1 =	sshll.u32 s1, $0x11  }
0xbe: {  	s0 =	sor.u32 s1, s0  }
0xbf: {  	s0 =	sadd.s32 $0x8F2B, s0  }
0xc0: {  	[sflag:s0] =	ssyncadd.remote.s32 $0x1  }
0xc1: {  	_ =	sfence.sel $0xFFFF  }
0xc2: {  	[dreg:$0x0] =	wrdreg $0xFFFFFFFF;
	(pc) =	sbr.abs _section_cstart, $3  }
0xc3: {  	[dreg:$0x1] =	wrdreg $0xFFFFFFFF  }
0xc4: {  	_ =	task.clear_ibuf [dreg:s8], $0x2FFFF;
	_ =	strace $0x9FFFFFFF  }
0xc5: {  	(tm) =	ssettm $0x7FFFFFFF  }
tec
execute0_lowered:
.L_overlay_start_1:
0x0: {  	(tag) =	ssettag $0x1  }
0x1: {  	s5 =	srdreg.scid;
	s11 =	stileid.u32  }
0x2: {  	s1 =	rddreg [dreg:$0x0];
	s6 =	sand.u32 $0x1, s5;
	s22 =	sshll.u32 s11, $0x1  }
0x3: {  	s0 =	rddreg [dreg:$0x1];
	s5 =	sor.u32 s6, s22  }
0x4: {  	s2 =	rddreg [dreg:$0x2];
	s5 =	smul.u32 $0x2800, s5  }
0x5: {  	s3 =	rddreg [dreg:$0x3];
	s4 =	simm.s32 $0x0;
	s7 =	smul.u32 $0x4E000, s11  }
0x6: {  	[smem:$0x7FF] =	sst s4;
	s8 =	sadd.s32 $0xE00, s2;
	s23 =	sshrl.u32 s5, $0x3  }
0x7: {  	_ =	strace $0x80000047;
	s7 =	sshrl.u32 s7, $0x2;
	s24 =	sadd.s32 s0, s23  }
0x8: {  	s5 =	sadd.s32 s7, s3;
	s25 =	sadd.s32 s8, s23;
	[dreg:$0x5] =	wrdreg s24  }
0x9: {  	s26 =	sadd.s32 $0x400, s5;
	[dreg:$0x6] =	wrdreg s25  }
0xa: {  	s12 =	sadd.s32 $0x800, s5;
	[dreg:$0x7] =	wrdreg s26  }
0xb: {  	s13 =	sadd.s32 $0xC00, s5;
	[dreg:$0x8] =	wrdreg s12  }
0xc: {  	s14 =	sadd.s32 $0x1000, s5;
	[dreg:$0x9] =	wrdreg s13  }
0xd: {  	s15 =	sadd.s32 $0x1400, s5;
	[dreg:$0xa] =	wrdreg s14  }
0xe: {  	s19 =	smul.u32 $0x13800, s11;
	s16 =	sadd.s32 $0x1800, s5;
	[dreg:$0xb] =	wrdreg s15  }
0xf: {  	p0 =	sne.s32 s11, $0xF;
	s17 =	sadd.s32 $0x1C00, s5;
	[dreg:$0xc] =	wrdreg s16  }
0x10: {  	p1 =	seq.s32 s11, $0xF;
	s18 =	sadd.s32 $0x2000, s5;
	[dreg:$0xd] =	wrdreg s17  }
0x11: {  	s9 =	ssub.s32 $0x2, s6;
	s20 =	sadd.s32 $0x2800, s5;
	[dreg:$0xe] =	wrdreg s18  }
0x12: {  	s6 =	smul.u32 $0x138800, s6;
	s21 =	sadd.s32 $0x2C00, s5;
	[dreg:$0x10] =	wrdreg s20  }
0x13: {  	s10 =	sshrl.u32 s9, $0x1;
	s7 =	sadd.s32 $0x3800, s5;
	[dreg:$0x11] =	wrdreg s21  }
0x14: {  	s9 =	ssub.s32 s9, s10;
	s11 =	sadd.s32 $0x4800, s5;
	[dreg:$0x19] =	wrdreg s7  }
0x15: {  	s22 =	sadd.s32 s19, s6;
	s19 =	sadd.s32 $0x6800, s5;
	[dreg:$0x1d] =	wrdreg s11  }
0x16: {  	s10 =	sadd.s32 $0x280, s23;
	s12 =	sadd.s32 $0x2400, s5;
	[smem:$0x7CA] =	sst s19  }
0x17: {  	s0 =	sadd.s32 s0, s10;
	[dreg:$0xf] =	wrdreg s12  }
0x18: {  	s23 =	sadd.s32 s8, s10;
	[dreg:$0x12] =	wrdreg s0  }
0x19: {  	s2 =	sadd.s32 $0xAE00, s2;
	s24 =	sadd.s32 $0x3000, s5;
	[dreg:$0x13] =	wrdreg s23  }
0x1a: {  	s6 =	sshrl.u32 s6, $0x3;
	s26 =	sadd.s32 $0x3400, s5;
	[dreg:$0x14] =	wrdreg s24  }
0x1b: {  	s25 =	sadd.s32 s2, s6;
	s6 =	smax.u32 s9, $0x1;
	[dreg:$0x16] =	wrdreg s26  }
0x1c: {  	s8 =	sadd.s32 $0x3C00, s5;
	[dreg:$0x18] =	wrdreg s6  }
0x1d: {  	s9 =	sadd.s32 $0x4000, s5;
	[dreg:$0x1a] =	wrdreg s8  }
0x1e: {  	s10 =	sadd.s32 $0x4400, s5;
	[dreg:$0x1b] =	wrdreg s9  }
0x1f: {  	s13 =	sadd.s32 $0x5000, s5;
	[dreg:$0x1c] =	wrdreg s10  }
0x20: {  	s14 =	sadd.s32 $0x5400, s5;
	[dreg:$0x1f] =	wrdreg s13  }
0x21: {  	s15 =	sadd.s32 $0x5800, s5;
	[smem:$0x7C5] =	sst s14  }
0x22: {  	s16 =	sadd.s32 $0x5C00, s5;
	[smem:$0x7C6] =	sst s15  }
0x23: {  	s17 =	sadd.s32 $0x6000, s5;
	[smem:$0x7C7] =	sst s16  }
0x24: {  	s18 =	sadd.s32 $0x6400, s5;
	[smem:$0x7C8] =	sst s17  }
0x25: {  	s20 =	sadd.s32 $0x6C00, s5;
	[smem:$0x7C9] =	sst s18  }
0x26: {  	s21 =	sadd.s32 $0x7000, s5;
	[smem:$0x7CB] =	sst s20  }
0x27: {  	s7 =	sadd.s32 $0x9000, s5;
	[smem:$0x7CC] =	sst s21  }
0x28: {  	s11 =	sadd.s32 $0xA000, s5;
	[smem:$0x7D4] =	sst s7  }
0x29: {  	s19 =	sadd.s32 $0xC000, s5;
	[smem:$0x7D8] =	sst s11  }
0x2a: {  	s12 =	sadd.s32 $0x4C00, s5;
	[smem:$0x7E0] =	sst s19  }
0x2b: {  	s0 =	sshrl.u32 s22, $0x3;
	s22 =	sadd.s32 $0x7400, s5;
	[dreg:$0x1e] =	wrdreg s12  }
0x2c: {  	s23 =	sadd.s32 $0x7800, s5;
	[smem:$0x7CD] =	sst s22  }
0x2d: {  	s24 =	sadd.s32 $0x7C00, s5;
	[smem:$0x7CE] =	sst s23  }
0x2e: {  	s26 =	sadd.s32 $0x8400, s5;
	[smem:$0x7CF] =	sst s24  }
0x2f: {  	s6 =	sadd.s32 $0x8C00, s5;
	[smem:$0x7D1] =	sst s26  }
0x30: {  	s8 =	sadd.s32 $0x9400, s5;
	[smem:$0x7D3] =	sst s6  }
0x31: {  	s9 =	sadd.s32 $0x9800, s5;
	[smem:$0x7D5] =	sst s8  }
0x32: {  	s10 =	sadd.s32 $0x9C00, s5;
	[smem:$0x7D6] =	sst s9  }
0x33: {  	s13 =	sadd.s32 $0xA800, s5;
	[smem:$0x7D7] =	sst s10  }
0x34: {  	s14 =	sadd.s32 $0xAC00, s5;
	[smem:$0x7DA] =	sst s13  }
0x35: {  	s15 =	sadd.s32 $0xB000, s5;
	[smem:$0x7DB] =	sst s14  }
0x36: {  	s16 =	sadd.s32 $0xB400, s5;
	[smem:$0x7DC] =	sst s15  }
0x37: {  	s17 =	sadd.s32 $0xB800, s5;
	[smem:$0x7DD] =	sst s16  }
0x38: {  	s18 =	sadd.s32 $0xBC00, s5;
	[smem:$0x7DE] =	sst s17  }
0x39: {  	s20 =	sadd.s32 $0xC400, s5;
	[smem:$0x7DF] =	sst s18  }
0x3a: {  	s21 =	sadd.s32 $0xC800, s5;
	[smem:$0x7E1] =	sst s20  }
0x3b: {  	s7 =	sadd.s32 $0xE800, s5;
	[smem:$0x7E2] =	sst s21  }
0x3c: {  	s11 =	sadd.s32 $0xF800, s5;
	[smem:$0x7EA] =	sst s7  }
0x3d: {  	s19 =	sadd.s32 $0x11800, s5;
	[smem:$0x7EE] =	sst s11  }
0x3e: {  	s0 =	sadd.s32 s2, s0;
	[smem:$0x7F6] =	sst s19  }
0x3f: {  	s2 =	sadd.s32 $0x8800, s5;
	[dreg:$0x15] =	wrdreg s0  }
0x40: {  	s12 =	sadd.s32 $0xA400, s5;
	[smem:$0x7D2] =	sst s2  }
0x41: {  	s22 =	sadd.s32 $0xCC00, s5;
	[smem:$0x7D9] =	sst s12  }
0x42: {  	s23 =	sadd.s32 $0xD000, s5;
	[smem:$0x7E3] =	sst s22  }
0x43: {  	s24 =	sadd.s32 $0xD400, s5;
	[smem:$0x7E4] =	sst s23  }
0x44: {  	s26 =	sadd.s32 $0xDC00, s5;
	[smem:$0x7E5] =	sst s24  }
0x45: {  	s6 =	sadd.s32 $0xE400, s5;
	[smem:$0x7E7] =	sst s26  }
0x46: {  	s8 =	sadd.s32 $0xEC00, s5;
	[smem:$0x7E9] =	sst s6  }
0x47: {  	s9 =	sadd.s32 $0xF000, s5;
	[smem:$0x7EB] =	sst s8  }
0x48: {  	s28 =	simm.s32 $0x9;
	s10 =	sadd.s32 $0xF400, s5;
	[smem:$0x7EC] =	sst s9  }
0x49: {  	s29 =	simm.s32 $0x6;
	s13 =	sadd.s32 $0x10000, s5;
	[smem:$0x7ED] =	sst s10  }
0x4a: {  	s30 =	simm.s32 $0xA;
	s14 =	sadd.s32 $0x10400, s5;
	[smem:$0x7F0] =	sst s13  }
0x4b: {  	s31 =	simm.s32 $0xA700;
	s15 =	sadd.s32 $0x10800, s5;
	[smem:$0x7F1] =	sst s14  }
0x4c: {  	s16 =	sadd.s32 $0x10C00, s5;
	s17 =	sadd.s32 $0x11000, s5;
	[smem:$0x7F2] =	sst s15  }
0x4d: {  	s18 =	sadd.s32 $0x11400, s5;
	s20 =	sadd.s32 $0x11C00, s5;
	[smem:$0x7F3] =	sst s16  }
0x4e: {  	s21 =	sadd.s32 $0x12000, s5;
	s11 =	simm.s32 $0x8000;
	[smem:$0x7F4] =	sst s17  }
0x4f: {  	s0 =	sadd.s32 $0x24900, s25;
	s25 =	sadd.s32 $0x8000, s5;
	[smem:$0x7F5] =	sst s18  }
0x50: {  	s2 =	sadd.s32 $0xE000, s5;
	s12 =	sadd.s32 $0xFC00, s5;
	[smem:$0x7F7] =	sst s20  }
0x51: {  	[smem:$0x7F8] =	sst s21;
	s22 =	sadd.s32 $0x12400, s5;
	s23 =	sadd.s32 $0x12800, s5  }
0x52: {  	s24 =	sadd.s32 $0x12C00, s5;
	s26 =	sadd.s32 $0x13400, s5;
	[dreg:$0x17] =	wrdreg s0  }
0x53: {  	s9 =	sadd.s32 $0x138000, s3;
	s10 =	sadd.s32 $0x138400, s3;
	[smem:$0x7D0] =	sst s25  }
0x54: {  	s13 =	simm.s32 $0xA800;
	s14 =	simm.s32 $0x1;
	[smem:$0x7E8] =	sst s2  }
0x55: {  	s15 =	simm.s32 $0x2;
	s16 =	simm.s32 $0x40;
	[smem:$0x7EF] =	sst s12  }
0x56: {  	s18 =	simm.s32 $0x2000;
	s20 =	simm.s32 $0x4000;
	[smem:$0x7F9] =	sst s22  }
0x57: {  	s21 =	simm.s32 $0x80C0;
	s17 =	simm.s32 $0xA7C0;
	[smem:$0x7FA] =	sst s23  }
0x58: {  	s6 =	simm.s32 $0x0;
	s25 =	sadd.s32 $0xD800, s5;
	[smem:$0x7FB] =	sst s24  }
0x59: {  	[smem:$0x7FD] =	sst s26;
	s22 =	simm.s32 $0x6000;
	s23 =	simm.s32 $0x3  }
0x5a: {  	s24 =	simm.s32 $0x7;
	s26 =	simm.s32 $0x8;
	s12 =	simm.s32 $0x5  }
0x5b: {  	s0 =	simm.s32 $0xA740;
	[smem:$0x7E6] =	sst s25;
	s25 =	sadd.s32 $0x13000, s5  }
0x5c: {  	v0 =	vimm.f32 $0.0e+00;
	s2 =	simm.s32 $0xA780;
	[smem:$0x7FC] =	sst s25;
	s25 =	simm.s32 $0x4  }
.LBB2_1:
0x5d: {  	s7 =	rddreg [dreg:$0x5]  }
0x5e: {  	[tilespmem:s11], [sflag:$0x2] =	stream.linear.gather [hbm4b:s7+s4], $0x1400, $0x38;
	[tilespmem:$0x1E4C0] =	vst v63  }
0x5f: {  	s19 =	rddreg [dreg:$0x6];
	s8 =	simm.s32 $0x9400  }
0x60: {  	[tilespmem:s8], [sflag:$0x2] =	stream.linear.gather [hbm4b:s19+s4], $0x1400, $0x38;
	[tilespmem:$0x1E4C0] =	vst v63  }
0x61: {  	[tilespmem:$0xA800] =	vst v0  }
0x62: {  	[tilespmem:$0xA810] =	vst v0  }
0x63: {  	[tilespmem:$0xA820] =	vst v0  }
0x64: {  	[tilespmem:$0xA830] =	vst v0  }
0x65: {  	[tilespmem:$0xA840] =	vst v0  }
0x66: {  	[tilespmem:$0xA850] =	vst v0  }
0x67: {  	[tilespmem:$0xA860] =	vst v0  }
0x68: {  	[tilespmem:$0xA870] =	vst v0  }
0x69: {  	[tilespmem:$0xA880] =	vst v0  }
0x6a: {  	[tilespmem:$0xA890] =	vst v0  }
0x6b: {  	[tilespmem:$0xA8A0] =	vst v0  }
0x6c: {  	[tilespmem:$0xA8B0] =	vst v0  }
0x6d: {  	[tilespmem:$0xA8C0] =	vst v0  }
0x6e: {  	[tilespmem:$0xA8D0] =	vst v0  }
0x6f: {  	[tilespmem:$0xA8E0] =	vst v0  }
0x70: {  	[tilespmem:$0xA8F0] =	vst v0  }
0x71: {  	[tilespmem:$0xA900] =	vst v0  }
0x72: {  	[tilespmem:$0xA910] =	vst v0  }
0x73: {  	[tilespmem:$0xA920] =	vst v0  }
0x74: {  	[tilespmem:$0xA930] =	vst v0  }
0x75: {  	[tilespmem:$0xA940] =	vst v0  }
0x76: {  	[tilespmem:$0xA950] =	vst v0  }
0x77: {  	[tilespmem:$0xA960] =	vst v0  }
0x78: {  	[tilespmem:$0xA970] =	vst v0  }
0x79: {  	[tilespmem:$0xA980] =	vst v0  }
0x7a: {  	[tilespmem:$0xA990] =	vst v0  }
0x7b: {  	[tilespmem:$0xA9A0] =	vst v0  }
0x7c: {  	[tilespmem:$0xA9B0] =	vst v0  }
0x7d: {  	[tilespmem:$0xA9C0] =	vst v0  }
0x7e: {  	[tilespmem:$0xA9D0] =	vst v0  }
0x7f: {  	[tilespmem:$0xA9E0] =	vst v0  }
0x80: {  	[tilespmem:$0xA9F0] =	vst v0  }
0x81: {  	[tilespmem:$0xAA00] =	vst v0  }
0x82: {  	[tilespmem:$0xAA10] =	vst v0  }
0x83: {  	[tilespmem:$0xAA20] =	vst v0  }
0x84: {  	[tilespmem:$0xAA30] =	vst v0  }
0x85: {  	[tilespmem:$0xAA40] =	vst v0  }
0x86: {  	[tilespmem:$0xAA50] =	vst v0  }
0x87: {  	[tilespmem:$0xAA60] =	vst v0  }
0x88: {  	[tilespmem:$0xAA70] =	vst v0  }
0x89: {  	[tilespmem:$0xAA80] =	vst v0  }
0x8a: {  	[tilespmem:$0xAA90] =	vst v0  }
0x8b: {  	[tilespmem:$0xAAA0] =	vst v0  }
0x8c: {  	[tilespmem:$0xAAB0] =	vst v0  }
0x8d: {  	[tilespmem:$0xAAC0] =	vst v0  }
0x8e: {  	[tilespmem:$0xAAD0] =	vst v0  }
0x8f: {  	[tilespmem:$0xAAE0] =	vst v0  }
0x90: {  	[tilespmem:$0xAAF0] =	vst v0  }
0x91: {  	[tilespmem:$0xAB00] =	vst v0  }
0x92: {  	[tilespmem:$0xAB10] =	vst v0  }
0x93: {  	[tilespmem:$0xAB20] =	vst v0  }
0x94: {  	[tilespmem:$0xAB30] =	vst v0  }
0x95: {  	[tilespmem:$0xAB40] =	vst v0  }
0x96: {  	[tilespmem:$0xAB50] =	vst v0  }
0x97: {  	[tilespmem:$0xAB60] =	vst v0  }
0x98: {  	[tilespmem:$0xAB70] =	vst v0  }
0x99: {  	[tilespmem:$0xAB80] =	vst v0  }
0x9a: {  	[tilespmem:$0xAB90] =	vst v0  }
0x9b: {  	[tilespmem:$0xABA0] =	vst v0  }
0x9c: {  	[tilespmem:$0xABB0] =	vst v0  }
0x9d: {  	[tilespmem:$0xABC0] =	vst v0  }
0x9e: {  	[tilespmem:$0xABD0] =	vst v0  }
0x9f: {  	[tilespmem:$0xABE0] =	vst v0  }
0xa0: {  	s8 =	rddreg [dreg:$0x7];
	[tilespmem:$0xABF0] =	vst v0  }
0xa1: {  	[spmem:s5] =	stream.linear.scatter [tilespmem:s13], [sflag:$0x1], $0x400, $0x38;
	[tilespmem:$0x1E4C0] =	vst v63  }
0xa2: {  	s19 =	rddreg [dreg:$0x8]  }
0xa3: {  	[spmem:s8] =	stream.linear.scatter [tilespmem:s13], [sflag:$0x1], $0x400, $0x38;
	[tilespmem:$0x1E4C0] =	vst v63  }
0xa4: {  	s8 =	rddreg [dreg:$0x9]  }
0xa5: {  	[spmem:s19] =	stream.linear.scatter [tilespmem:s13], [sflag:$0x1], $0x400, $0x38;
	[tilespmem:$0x1E4C0] =	vst v63  }
0xa6: {  	s19 =	rddreg [dreg:$0xa]  }
0xa7: {  	[spmem:s8] =	stream.linear.scatter [tilespmem:s13], [sflag:$0x1], $0x400, $0x38;
	[tilespmem:$0x1E4C0] =	vst v63  }
0xa8: {  	s8 =	rddreg [dreg:$0xb]  }
0xa9: {  	[spmem:s19] =	stream.linear.scatter [tilespmem:s13], [sflag:$0x1], $0x400, $0x38;
	[tilespmem:$0x1E4C0] =	vst v63  }
0xaa: {  	s19 =	rddreg [dreg:$0xc]  }
0xab: {  	[spmem:s8] =	stream.linear.scatter [tilespmem:s13], [sflag:$0x1], $0x400, $0x38;
	[tilespmem:$0x1E4C0] =	vst v63  }
0xac: {  	s8 =	rddreg [dreg:$0xd]  }
0xad: {  	[spmem:s19] =	stream.linear.scatter [tilespmem:s13], [sflag:$0x1], $0x400, $0x38;
	[tilespmem:$0x1E4C0] =	vst v63  }
0xae: {  	s19 =	rddreg [dreg:$0xe]  }
0xaf: {  	[spmem:s8] =	stream.linear.scatter [tilespmem:s13], [sflag:$0x1], $0x400, $0x38;
	[tilespmem:$0x1E4C0] =	vst v63  }
0xb0: {  	s8 =	rddreg [dreg:$0xf]  }
0xb1: {  	[spmem:s19] =	stream.linear.scatter [tilespmem:s13], [sflag:$0x1], $0x400, $0x38;
	[tilespmem:$0x1E4C0] =	vst v63  }
0xb2: {  	s19 =	rddreg [dreg:$0x10]  }
0xb3: {  	[spmem:s8] =	stream.linear.scatter [tilespmem:s13], [sflag:$0x1], $0x400, $0x38;
	[tilespmem:$0x1E4C0] =	vst v63  }
0xb4: {  	s8 =	rddreg [dreg:$0x11]  }
0xb5: {  	[spmem:s19] =	stream.linear.scatter [tilespmem:s13], [sflag:$0x1], $0x400, $0x38;
	[tilespmem:$0x1E4C0] =	vst v63  }
0xb6: {  	s19 =	rddreg [dreg:$0x14]  }
0xb7: {  	[spmem:s8] =	stream.linear.scatter [tilespmem:s13], [sflag:$0x1], $0x400, $0x38;
	[tilespmem:$0x1E4C0] =	vst v63  }
0xb8: {  	s8 =	rddreg [dreg:$0x16]  }
0xb9: {  	[spmem:s19] =	stream.linear.scatter [tilespmem:s13], [sflag:$0x1], $0x400, $0x38;
	[tilespmem:$0x1E4C0] =	vst v63  }
0xba: {  	s19 =	rddreg [dreg:$0x19]  }
0xbb: {  	[spmem:s8] =	stream.linear.scatter [tilespmem:s13], [sflag:$0x1], $0x400, $0x38;
	[tilespmem:$0x1E4C0] =	vst v63  }
0xbc: {  	s8 =	rddreg [dreg:$0x1a]  }
0xbd: {  	[spmem:s19] =	stream.linear.scatter [tilespmem:s13], [sflag:$0x1], $0x400, $0x38;
	[tilespmem:$0x1E4C0] =	vst v63  }
0xbe: {  	s19 =	rddreg [dreg:$0x1b]  }
0xbf: {  	[spmem:s8] =	stream.linear.scatter [tilespmem:s13], [sflag:$0x1], $0x400, $0x38;
	[tilespmem:$0x1E4C0] =	vst v63  }
0xc0: {  	s8 =	rddreg [dreg:$0x1c]  }
0xc1: {  	[spmem:s19] =	stream.linear.scatter [tilespmem:s13], [sflag:$0x1], $0x400, $0x38;
	[tilespmem:$0x1E4C0] =	vst v63  }
0xc2: {  	s19 =	rddreg [dreg:$0x1d]  }
0xc3: {  	[spmem:s8] =	stream.linear.scatter [tilespmem:s13], [sflag:$0x1], $0x400, $0x38;
	[tilespmem:$0x1E4C0] =	vst v63  }
0xc4: {  	s8 =	rddreg [dreg:$0x1e]  }
0xc5: {  	[spmem:s19] =	stream.linear.scatter [tilespmem:s13], [sflag:$0x1], $0x400, $0x38;
	[tilespmem:$0x1E4C0] =	vst v63  }
0xc6: {  	s19 =	rddreg [dreg:$0x1f]  }
0xc7: {  	[spmem:s8] =	stream.linear.scatter [tilespmem:s13], [sflag:$0x1], $0x400, $0x38;
	[tilespmem:$0x1E4C0] =	vst v63  }
0xc8: {  	s8 =	sld [smem:$0x7C5]  }
0xc9: {  	[spmem:s19] =	stream.linear.scatter [tilespmem:s13], [sflag:$0x1], $0x400, $0x38;
	[tilespmem:$0x1E4C0] =	vst v63  }
0xca: {  	s19 =	sld [smem:$0x7C6]  }
0xcb: {  	[spmem:s8] =	stream.linear.scatter [tilespmem:s13], [sflag:$0x1], $0x400, $0x38;
	[tilespmem:$0x1E4C0] =	vst v63  }
0xcc: {  	s8 =	sld [smem:$0x7C7]  }
0xcd: {  	[spmem:s19] =	stream.linear.scatter [tilespmem:s13], [sflag:$0x1], $0x400, $0x38;
	[tilespmem:$0x1E4C0] =	vst v63  }
0xce: {  	s19 =	sld [smem:$0x7C8]  }
0xcf: {  	[spmem:s8] =	stream.linear.scatter [tilespmem:s13], [sflag:$0x1], $0x400, $0x38;
	[tilespmem:$0x1E4C0] =	vst v63  }
0xd0: {  	s8 =	sld [smem:$0x7C9]  }
0xd1: {  	[spmem:s19] =	stream.linear.scatter [tilespmem:s13], [sflag:$0x1], $0x400, $0x38;
	[tilespmem:$0x1E4C0] =	vst v63  }
0xd2: {  	s19 =	sld [smem:$0x7CA]  }
0xd3: {  	[spmem:s8] =	stream.linear.scatter [tilespmem:s13], [sflag:$0x1], $0x400, $0x38;
	[tilespmem:$0x1E4C0] =	vst v63  }
0xd4: {  	s8 =	sld [smem:$0x7CB]  }
0xd5: {  	[spmem:s19] =	stream.linear.scatter [tilespmem:s13], [sflag:$0x1], $0x400, $0x38;
	[tilespmem:$0x1E4C0] =	vst v63  }
0xd6: {  	s19 =	sld [smem:$0x7CC]  }
0xd7: {  	[spmem:s8] =	stream.linear.scatter [tilespmem:s13], [sflag:$0x1], $0x400, $0x38;
	[tilespmem:$0x1E4C0] =	vst v63  }
0xd8: {  	s8 =	sld [smem:$0x7CD]  }
0xd9: {  	[spmem:s19] =	stream.linear.scatter [tilespmem:s13], [sflag:$0x1], $0x400, $0x38;
	[tilespmem:$0x1E4C0] =	vst v63  }
0xda: {  	s19 =	sld [smem:$0x7CE]  }
0xdb: {  	[spmem:s8] =	stream.linear.scatter [tilespmem:s13], [sflag:$0x1], $0x400, $0x38;
	[tilespmem:$0x1E4C0] =	vst v63  }
0xdc: {  	s8 =	sld [smem:$0x7CF]  }
0xdd: {  	[spmem:s19] =	stream.linear.scatter [tilespmem:s13], [sflag:$0x1], $0x400, $0x38;
	[tilespmem:$0x1E4C0] =	vst v63  }
0xde: {  	s19 =	sld [smem:$0x7D0]  }
0xdf: {  	[spmem:s8] =	stream.linear.scatter [tilespmem:s13], [sflag:$0x1], $0x400, $0x38;
	[tilespmem:$0x1E4C0] =	vst v63  }
0xe0: {  	s8 =	sld [smem:$0x7D1]  }
0xe1: {  	[spmem:s19] =	stream.linear.scatter [tilespmem:s13], [sflag:$0x1], $0x400, $0x38;
	[tilespmem:$0x1E4C0] =	vst v63  }
0xe2: {  	s19 =	sld [smem:$0x7D2]  }
0xe3: {  	[spmem:s8] =	stream.linear.scatter [tilespmem:s13], [sflag:$0x1], $0x400, $0x38;
	[tilespmem:$0x1E4C0] =	vst v63  }
0xe4: {  	s8 =	sld [smem:$0x7D3]  }
0xe5: {  	[spmem:s19] =	stream.linear.scatter [tilespmem:s13], [sflag:$0x1], $0x400, $0x38;
	[tilespmem:$0x1E4C0] =	vst v63  }
0xe6: {  	s19 =	sld [smem:$0x7D4]  }
0xe7: {  	[spmem:s8] =	stream.linear.scatter [tilespmem:s13], [sflag:$0x1], $0x400, $0x38;
	[tilespmem:$0x1E4C0] =	vst v63  }
0xe8: {  	s8 =	sld [smem:$0x7D5]  }
0xe9: {  	[spmem:s19] =	stream.linear.scatter [tilespmem:s13], [sflag:$0x1], $0x400, $0x38;
	[tilespmem:$0x1E4C0] =	vst v63  }
0xea: {  	s19 =	sld [smem:$0x7D6]  }
0xeb: {  	[spmem:s8] =	stream.linear.scatter [tilespmem:s13], [sflag:$0x1], $0x400, $0x38;
	[tilespmem:$0x1E4C0] =	vst v63  }
0xec: {  	s8 =	sld [smem:$0x7D7]  }
0xed: {  	[spmem:s19] =	stream.linear.scatter [tilespmem:s13], [sflag:$0x1], $0x400, $0x38;
	[tilespmem:$0x1E4C0] =	vst v63  }
0xee: {  	s19 =	sld [smem:$0x7D8]  }
0xef: {  	[spmem:s8] =	stream.linear.scatter [tilespmem:s13], [sflag:$0x1], $0x400, $0x38;
	[tilespmem:$0x1E4C0] =	vst v63  }
0xf0: {  	s8 =	sld [smem:$0x7D9]  }
0xf1: {  	[spmem:s19] =	stream.linear.scatter [tilespmem:s13], [sflag:$0x1], $0x400, $0x38;
	[tilespmem:$0x1E4C0] =	vst v63  }
0xf2: {  	s19 =	sld [smem:$0x7DA]  }
0xf3: {  	[spmem:s8] =	stream.linear.scatter [tilespmem:s13], [sflag:$0x1], $0x400, $0x38;
	[tilespmem:$0x1E4C0] =	vst v63  }
0xf4: {  	s8 =	sld [smem:$0x7DB]  }
0xf5: {  	[spmem:s19] =	stream.linear.scatter [tilespmem:s13], [sflag:$0x1], $0x400, $0x38;
	[tilespmem:$0x1E4C0] =	vst v63  }
0xf6: {  	s19 =	sld [smem:$0x7DC]  }
0xf7: {  	[spmem:s8] =	stream.linear.scatter [tilespmem:s13], [sflag:$0x1], $0x400, $0x38;
	[tilespmem:$0x1E4C0] =	vst v63  }
0xf8: {  	s8 =	sld [smem:$0x7DD]  }
0xf9: {  	[spmem:s19] =	stream.linear.scatter [tilespmem:s13], [sflag:$0x1], $0x400, $0x38;
	[tilespmem:$0x1E4C0] =	vst v63  }
0xfa: {  	s19 =	sld [smem:$0x7DE]  }
0xfb: {  	[spmem:s8] =	stream.linear.scatter [tilespmem:s13], [sflag:$0x1], $0x400, $0x38;
	[tilespmem:$0x1E4C0] =	vst v63  }
0xfc: {  	s8 =	sld [smem:$0x7DF]  }
0xfd: {  	[spmem:s19] =	stream.linear.scatter [tilespmem:s13], [sflag:$0x1], $0x400, $0x38;
	[tilespmem:$0x1E4C0] =	vst v63  }
0xfe: {  	s19 =	sld [smem:$0x7E0]  }
0xff: {  	[spmem:s8] =	stream.linear.scatter [tilespmem:s13], [sflag:$0x1], $0x400, $0x38;
	[tilespmem:$0x1E4C0] =	vst v63  }
0x100: {  	s8 =	sld [smem:$0x7E1]  }
0x101: {  	[spmem:s19] =	stream.linear.scatter [tilespmem:s13], [sflag:$0x1], $0x400, $0x38;
	[tilespmem:$0x1E4C0] =	vst v63  }
0x102: {  	s19 =	sld [smem:$0x7E2]  }
0x103: {  	[spmem:s8] =	stream.linear.scatter [tilespmem:s13], [sflag:$0x1], $0x400, $0x38;
	[tilespmem:$0x1E4C0] =	vst v63  }
0x104: {  	s8 =	sld [smem:$0x7E3]  }
0x105: {  	[spmem:s19] =	stream.linear.scatter [tilespmem:s13], [sflag:$0x1], $0x400, $0x38;
	[tilespmem:$0x1E4C0] =	vst v63  }
0x106: {  	s19 =	sld [smem:$0x7E4]  }
0x107: {  	[spmem:s8] =	stream.linear.scatter [tilespmem:s13], [sflag:$0x1], $0x400, $0x38;
	[tilespmem:$0x1E4C0] =	vst v63  }
0x108: {  	s8 =	sld [smem:$0x7E5]  }
0x109: {  	[spmem:s19] =	stream.linear.scatter [tilespmem:s13], [sflag:$0x1], $0x400, $0x38;
	[tilespmem:$0x1E4C0] =	vst v63  }
0x10a: {  	s19 =	sld [smem:$0x7E6]  }
0x10b: {  	[spmem:s8] =	stream.linear.scatter [tilespmem:s13], [sflag:$0x1], $0x400, $0x38;
	[tilespmem:$0x1E4C0] =	vst v63  }
0x10c: {  	s8 =	sld [smem:$0x7E7]  }
0x10d: {  	[spmem:s19] =	stream.linear.scatter [tilespmem:s13], [sflag:$0x1], $0x400, $0x38;
	[tilespmem:$0x1E4C0] =	vst v63  }
0x10e: {  	s19 =	sld [smem:$0x7E8]  }
0x10f: {  	[spmem:s8] =	stream.linear.scatter [tilespmem:s13], [sflag:$0x1], $0x400, $0x38;
	[tilespmem:$0x1E4C0] =	vst v63  }
0x110: {  	s8 =	sld [smem:$0x7E9]  }
0x111: {  	[spmem:s19] =	stream.linear.scatter [tilespmem:s13], [sflag:$0x1], $0x400, $0x38;
	[tilespmem:$0x1E4C0] =	vst v63  }
0x112: {  	s19 =	sld [smem:$0x7EA]  }
0x113: {  	[spmem:s8] =	stream.linear.scatter [tilespmem:s13], [sflag:$0x1], $0x400, $0x38;
	[tilespmem:$0x1E4C0] =	vst v63  }
0x114: {  	s8 =	sld [smem:$0x7EB]  }
0x115: {  	[spmem:s19] =	stream.linear.scatter [tilespmem:s13], [sflag:$0x1], $0x400, $0x38;
	[tilespmem:$0x1E4C0] =	vst v63  }
0x116: {  	s19 =	sld [smem:$0x7EC]  }
0x117: {  	[spmem:s8] =	stream.linear.scatter [tilespmem:s13], [sflag:$0x1], $0x400, $0x38;
	[tilespmem:$0x1E4C0] =	vst v63  }
0x118: {  	s8 =	sld [smem:$0x7ED]  }
0x119: {  	[spmem:s19] =	stream.linear.scatter [tilespmem:s13], [sflag:$0x1], $0x400, $0x38;
	[tilespmem:$0x1E4C0] =	vst v63  }
0x11a: {  	s19 =	sld [smem:$0x7EE]  }
0x11b: {  	[spmem:s8] =	stream.linear.scatter [tilespmem:s13], [sflag:$0x1], $0x400, $0x38;
	[tilespmem:$0x1E4C0] =	vst v63  }
0x11c: {  	s8 =	sld [smem:$0x7EF]  }
0x11d: {  	[spmem:s19] =	stream.linear.scatter [tilespmem:s13], [sflag:$0x1], $0x400, $0x38;
	[tilespmem:$0x1E4C0] =	vst v63  }
0x11e: {  	s19 =	sld [smem:$0x7F0]  }
0x11f: {  	[spmem:s8] =	stream.linear.scatter [tilespmem:s13], [sflag:$0x1], $0x400, $0x38;
	[tilespmem:$0x1E4C0] =	vst v63  }
0x120: {  	s8 =	sld [smem:$0x7F1]  }
0x121: {  	[spmem:s19] =	stream.linear.scatter [tilespmem:s13], [sflag:$0x1], $0x400, $0x38;
	[tilespmem:$0x1E4C0] =	vst v63  }
0x122: {  	s19 =	sld [smem:$0x7F2]  }
0x123: {  	[spmem:s8] =	stream.linear.scatter [tilespmem:s13], [sflag:$0x1], $0x400, $0x38;
	[tilespmem:$0x1E4C0] =	vst v63  }
0x124: {  	s8 =	sld [smem:$0x7F3]  }
0x125: {  	[spmem:s19] =	stream.linear.scatter [tilespmem:s13], [sflag:$0x1], $0x400, $0x38;
	[tilespmem:$0x1E4C0] =	vst v63  }
0x126: {  	s19 =	sld [smem:$0x7F4]  }
0x127: {  	[spmem:s8] =	stream.linear.scatter [tilespmem:s13], [sflag:$0x1], $0x400, $0x38;
	[tilespmem:$0x1E4C0] =	vst v63  }
0x128: {  	s8 =	sld [smem:$0x7F5]  }
0x129: {  	[spmem:s19] =	stream.linear.scatter [tilespmem:s13], [sflag:$0x1], $0x400, $0x38;
	[tilespmem:$0x1E4C0] =	vst v63  }
0x12a: {  	s19 =	sld [smem:$0x7F6]  }
0x12b: {  	[spmem:s8] =	stream.linear.scatter [tilespmem:s13], [sflag:$0x1], $0x400, $0x38;
	[tilespmem:$0x1E4C0] =	vst v63  }
0x12c: {  	s8 =	sld [smem:$0x7F7]  }
0x12d: {  	[spmem:s19] =	stream.linear.scatter [tilespmem:s13], [sflag:$0x1], $0x400, $0x38;
	[tilespmem:$0x1E4C0] =	vst v63  }
0x12e: {  	s19 =	sld [smem:$0x7F8]  }
0x12f: {  	[spmem:s8] =	stream.linear.scatter [tilespmem:s13], [sflag:$0x1], $0x400, $0x38;
	[tilespmem:$0x1E4C0] =	vst v63  }
0x130: {  	s8 =	sld [smem:$0x7F9]  }
0x131: {  	[spmem:s19] =	stream.linear.scatter [tilespmem:s13], [sflag:$0x1], $0x400, $0x38;
	[tilespmem:$0x1E4C0] =	vst v63  }
0x132: {  	s19 =	sld [smem:$0x7FA]  }
0x133: {  	[spmem:s8] =	stream.linear.scatter [tilespmem:s13], [sflag:$0x1], $0x400, $0x38;
	[tilespmem:$0x1E4C0] =	vst v63  }
0x134: {  	s8 =	sld [smem:$0x7FB]  }
0x135: {  	[spmem:s19] =	stream.linear.scatter [tilespmem:s13], [sflag:$0x1], $0x400, $0x38;
	[tilespmem:$0x1E4C0] =	vst v63  }
0x136: {  	s19 =	sld [smem:$0x7FC]  }
0x137: {  	[spmem:s8] =	stream.linear.scatter [tilespmem:s13], [sflag:$0x1], $0x400, $0x38;
	[tilespmem:$0x1E4C0] =	vst v63  }
0x138: {  	s8 =	sld [smem:$0x7FD]  }
0x139: {  	[spmem:s19] =	stream.linear.scatter [tilespmem:s13], [sflag:$0x1], $0x400, $0x38;
	[tilespmem:$0x1E4C0] =	vst v63  }
0x13a: {  	_ = 	snop  }
0x13b: {  	[spmem:s8] =	stream.linear.scatter [tilespmem:s13], [sflag:$0x1], $0x400, $0x38;
	[tilespmem:$0x1E4C0] =	vst v63  }
0x13c: {  	s7 =	simm.s32 @!p0 $0xA800  }
0x13d: {  	[spmem:s9] =	stream.linear.scatter @!p0 [tilespmem:s7], [sflag:$0x1], $0x400, $0x38;
	[tilespmem:$0x1E4C0] =	vst v63  }
0x13e: {  	_ = 	snop  }
0x13f: {  	[spmem:s10] =	stream.linear.scatter @!p0 [tilespmem:s7], [sflag:$0x1], $0x400, $0x38;
	[tilespmem:$0x1E4C0] =	vst v63  }
0x140: {  	s7 =	simm.s32 @!p0 $0x1  }
0x141: {  	_ =	swait.ge @!p0 [sflag:s7], $0x400  }
0x142: {  	[sflag:s7] =	ssyncset.done @!p0 $0x0  }
0x143: {  	[sflag:s7] =	ssyncadd.s32 @!p0 $0xFFFFFC00  }
0x144: {  	_ =	swait.ge @!p0 [sflag:s7], $0x400  }
0x145: {  	[sflag:s7] =	ssyncset.done @!p0 $0x0  }
0x146: {  	[sflag:s7] =	ssyncadd.s32 @!p0 $0xFFFFFC00  }
0x147: {  	_ =	swait.ge [sflag:s14], $0x400  }
0x148: {  	[sflag:s14] =	ssyncset.done $0x0  }
0x149: {  	[sflag:s14] =	ssyncadd.s32 $0xFFFFFC00  }
0x14a: {  	_ =	swait.ge [sflag:s14], $0x400  }
0x14b: {  	[sflag:s14] =	ssyncset.done $0x0  }
0x14c: {  	[sflag:s14] =	ssyncadd.s32 $0xFFFFFC00  }
0x14d: {  	_ =	swait.ge [sflag:s14], $0x400  }
0x14e: {  	[sflag:s14] =	ssyncset.done $0x0  }
0x14f: {  	[sflag:s14] =	ssyncadd.s32 $0xFFFFFC00  }
0x150: {  	_ =	swait.ge [sflag:s14], $0x400  }
0x151: {  	[sflag:s14] =	ssyncset.done $0x0  }
0x152: {  	[sflag:s14] =	ssyncadd.s32 $0xFFFFFC00  }
0x153: {  	_ =	swait.ge [sflag:s14], $0x400  }
0x154: {  	[sflag:s14] =	ssyncset.done $0x0  }
0x155: {  	[sflag:s14] =	ssyncadd.s32 $0xFFFFFC00  }
0x156: {  	_ =	swait.ge [sflag:s14], $0x400  }
0x157: {  	[sflag:s14] =	ssyncset.done $0x0  }
0x158: {  	[sflag:s14] =	ssyncadd.s32 $0xFFFFFC00  }
0x159: {  	_ =	swait.ge [sflag:s14], $0x400  }
0x15a: {  	[sflag:s14] =	ssyncset.done $0x0  }
0x15b: {  	[sflag:s14] =	ssyncadd.s32 $0xFFFFFC00  }
0x15c: {  	_ =	swait.ge [sflag:s14], $0x400  }
0x15d: {  	[sflag:s14] =	ssyncset.done $0x0  }
0x15e: {  	[sflag:s14] =	ssyncadd.s32 $0xFFFFFC00  }
0x15f: {  	_ =	swait.ge [sflag:s14], $0x400  }
0x160: {  	[sflag:s14] =	ssyncset.done $0x0  }
0x161: {  	[sflag:s14] =	ssyncadd.s32 $0xFFFFFC00  }
0x162: {  	_ =	swait.ge [sflag:s14], $0x400  }
0x163: {  	[sflag:s14] =	ssyncset.done $0x0  }
0x164: {  	[sflag:s14] =	ssyncadd.s32 $0xFFFFFC00  }
0x165: {  	_ =	swait.ge [sflag:s14], $0x400  }
0x166: {  	[sflag:s14] =	ssyncset.done $0x0  }
0x167: {  	[sflag:s14] =	ssyncadd.s32 $0xFFFFFC00  }
0x168: {  	_ =	swait.ge [sflag:s14], $0x400  }
0x169: {  	[sflag:s14] =	ssyncset.done $0x0  }
0x16a: {  	[sflag:s14] =	ssyncadd.s32 $0xFFFFFC00  }
0x16b: {  	_ =	swait.ge [sflag:s14], $0x400  }
0x16c: {  	[sflag:s14] =	ssyncset.done $0x0  }
0x16d: {  	[sflag:s14] =	ssyncadd.s32 $0xFFFFFC00  }
0x16e: {  	_ =	swait.ge [sflag:s14], $0x400  }
0x16f: {  	[sflag:s14] =	ssyncset.done $0x0  }
0x170: {  	[sflag:s14] =	ssyncadd.s32 $0xFFFFFC00  }
0x171: {  	_ =	swait.ge [sflag:s14], $0x400  }
0x172: {  	[sflag:s14] =	ssyncset.done $0x0  }
0x173: {  	[sflag:s14] =	ssyncadd.s32 $0xFFFFFC00  }
0x174: {  	_ =	swait.ge [sflag:s14], $0x400  }
0x175: {  	[sflag:s14] =	ssyncset.done $0x0  }
0x176: {  	[sflag:s14] =	ssyncadd.s32 $0xFFFFFC00  }
0x177: {  	_ =	swait.ge [sflag:s14], $0x400  }
0x178: {  	[sflag:s14] =	ssyncset.done $0x0  }
0x179: {  	[sflag:s14] =	ssyncadd.s32 $0xFFFFFC00  }
0x17a: {  	_ =	swait.ge [sflag:s14], $0x400  }
0x17b: {  	[sflag:s14] =	ssyncset.done $0x0  }
0x17c: {  	[sflag:s14] =	ssyncadd.s32 $0xFFFFFC00  }
0x17d: {  	_ =	swait.ge [sflag:s14], $0x400  }
0x17e: {  	[sflag:s14] =	ssyncset.done $0x0  }
0x17f: {  	[sflag:s14] =	ssyncadd.s32 $0xFFFFFC00  }
0x180: {  	_ =	swait.ge [sflag:s14], $0x400  }
0x181: {  	[sflag:s14] =	ssyncset.done $0x0  }
0x182: {  	[sflag:s14] =	ssyncadd.s32 $0xFFFFFC00  }
0x183: {  	_ =	swait.ge [sflag:s14], $0x400  }
0x184: {  	[sflag:s14] =	ssyncset.done $0x0  }
0x185: {  	[sflag:s14] =	ssyncadd.s32 $0xFFFFFC00  }
0x186: {  	_ =	swait.ge [sflag:s14], $0x400  }
0x187: {  	[sflag:s14] =	ssyncset.done $0x0  }
0x188: {  	[sflag:s14] =	ssyncadd.s32 $0xFFFFFC00  }
0x189: {  	_ =	swait.ge [sflag:s14], $0x400  }
0x18a: {  	[sflag:s14] =	ssyncset.done $0x0  }
0x18b: {  	[sflag:s14] =	ssyncadd.s32 $0xFFFFFC00  }
0x18c: {  	_ =	swait.ge [sflag:s14], $0x400  }
0x18d: {  	[sflag:s14] =	ssyncset.done $0x0  }
0x18e: {  	[sflag:s14] =	ssyncadd.s32 $0xFFFFFC00  }
0x18f: {  	_ =	swait.ge [sflag:s14], $0x400  }
0x190: {  	[sflag:s14] =	ssyncset.done $0x0  }
0x191: {  	[sflag:s14] =	ssyncadd.s32 $0xFFFFFC00  }
0x192: {  	_ =	swait.ge [sflag:s14], $0x400  }
0x193: {  	[sflag:s14] =	ssyncset.done $0x0  }
0x194: {  	[sflag:s14] =	ssyncadd.s32 $0xFFFFFC00  }
0x195: {  	_ =	swait.ge [sflag:s14], $0x400  }
0x196: {  	[sflag:s14] =	ssyncset.done $0x0  }
0x197: {  	[sflag:s14] =	ssyncadd.s32 $0xFFFFFC00  }
0x198: {  	_ =	swait.ge [sflag:s14], $0x400  }
0x199: {  	[sflag:s14] =	ssyncset.done $0x0  }
0x19a: {  	[sflag:s14] =	ssyncadd.s32 $0xFFFFFC00  }
0x19b: {  	_ =	swait.ge [sflag:s14], $0x400  }
0x19c: {  	[sflag:s14] =	ssyncset.done $0x0  }
0x19d: {  	[sflag:s14] =	ssyncadd.s32 $0xFFFFFC00  }
0x19e: {  	_ =	swait.ge [sflag:s14], $0x400  }
0x19f: {  	[sflag:s14] =	ssyncset.done $0x0  }
0x1a0: {  	[sflag:s14] =	ssyncadd.s32 $0xFFFFFC00  }
0x1a1: {  	_ =	swait.ge [sflag:s14], $0x400  }
0x1a2: {  	[sflag:s14] =	ssyncset.done $0x0  }
0x1a3: {  	[sflag:s14] =	ssyncadd.s32 $0xFFFFFC00  }
0x1a4: {  	_ =	swait.ge [sflag:s14], $0x400  }
0x1a5: {  	[sflag:s14] =	ssyncset.done $0x0  }
0x1a6: {  	[sflag:s14] =	ssyncadd.s32 $0xFFFFFC00  }
0x1a7: {  	_ =	swait.ge [sflag:s14], $0x400  }
0x1a8: {  	[sflag:s14] =	ssyncset.done $0x0  }
0x1a9: {  	[sflag:s14] =	ssyncadd.s32 $0xFFFFFC00  }
0x1aa: {  	_ =	swait.ge [sflag:s14], $0x400  }
0x1ab: {  	[sflag:s14] =	ssyncset.done $0x0  }
0x1ac: {  	[sflag:s14] =	ssyncadd.s32 $0xFFFFFC00  }
0x1ad: {  	_ =	swait.ge [sflag:s14], $0x400  }
0x1ae: {  	[sflag:s14] =	ssyncset.done $0x0  }
0x1af: {  	[sflag:s14] =	ssyncadd.s32 $0xFFFFFC00  }
0x1b0: {  	_ =	swait.ge [sflag:s14], $0x400  }
0x1b1: {  	[sflag:s14] =	ssyncset.done $0x0  }
0x1b2: {  	[sflag:s14] =	ssyncadd.s32 $0xFFFFFC00  }
0x1b3: {  	_ =	swait.ge [sflag:s14], $0x400  }
0x1b4: {  	[sflag:s14] =	ssyncset.done $0x0  }
0x1b5: {  	[sflag:s14] =	ssyncadd.s32 $0xFFFFFC00  }
0x1b6: {  	_ =	swait.ge [sflag:s14], $0x400  }
0x1b7: {  	[sflag:s14] =	ssyncset.done $0x0  }
0x1b8: {  	[sflag:s14] =	ssyncadd.s32 $0xFFFFFC00  }
0x1b9: {  	_ =	swait.ge [sflag:s14], $0x400  }
0x1ba: {  	[sflag:s14] =	ssyncset.done $0x0  }
0x1bb: {  	[sflag:s14] =	ssyncadd.s32 $0xFFFFFC00  }
0x1bc: {  	_ =	swait.ge [sflag:s14], $0x400  }
0x1bd: {  	[sflag:s14] =	ssyncset.done $0x0  }
0x1be: {  	[sflag:s14] =	ssyncadd.s32 $0xFFFFFC00  }
0x1bf: {  	_ =	swait.ge [sflag:s14], $0x400  }
0x1c0: {  	[sflag:s14] =	ssyncset.done $0x0  }
0x1c1: {  	[sflag:s14] =	ssyncadd.s32 $0xFFFFFC00  }
0x1c2: {  	_ =	swait.ge [sflag:s14], $0x400  }
0x1c3: {  	[sflag:s14] =	ssyncset.done $0x0  }
0x1c4: {  	[sflag:s14] =	ssyncadd.s32 $0xFFFFFC00  }
0x1c5: {  	_ =	swait.ge [sflag:s14], $0x400  }
0x1c6: {  	[sflag:s14] =	ssyncset.done $0x0  }
0x1c7: {  	[sflag:s14] =	ssyncadd.s32 $0xFFFFFC00  }
0x1c8: {  	_ =	swait.ge [sflag:s14], $0x400  }
0x1c9: {  	[sflag:s14] =	ssyncset.done $0x0  }
0x1ca: {  	[sflag:s14] =	ssyncadd.s32 $0xFFFFFC00  }
0x1cb: {  	_ =	swait.ge [sflag:s14], $0x400  }
0x1cc: {  	[sflag:s14] =	ssyncset.done $0x0  }
0x1cd: {  	[sflag:s14] =	ssyncadd.s32 $0xFFFFFC00  }
0x1ce: {  	_ =	swait.ge [sflag:s14], $0x400  }
0x1cf: {  	[sflag:s14] =	ssyncset.done $0x0  }
0x1d0: {  	[sflag:s14] =	ssyncadd.s32 $0xFFFFFC00  }
0x1d1: {  	_ =	swait.ge [sflag:s14], $0x400  }
0x1d2: {  	[sflag:s14] =	ssyncset.done $0x0  }
0x1d3: {  	[sflag:s14] =	ssyncadd.s32 $0xFFFFFC00  }
0x1d4: {  	_ =	swait.ge [sflag:s14], $0x400  }
0x1d5: {  	[sflag:s14] =	ssyncset.done $0x0  }
0x1d6: {  	[sflag:s14] =	ssyncadd.s32 $0xFFFFFC00  }
0x1d7: {  	_ =	swait.ge [sflag:s14], $0x400  }
0x1d8: {  	[sflag:s14] =	ssyncset.done $0x0  }
0x1d9: {  	[sflag:s14] =	ssyncadd.s32 $0xFFFFFC00  }
0x1da: {  	_ =	swait.ge [sflag:s14], $0x400  }
0x1db: {  	[sflag:s14] =	ssyncset.done $0x0  }
0x1dc: {  	[sflag:s14] =	ssyncadd.s32 $0xFFFFFC00  }
0x1dd: {  	_ =	swait.ge [sflag:s14], $0x400  }
0x1de: {  	[sflag:s14] =	ssyncset.done $0x0  }
0x1df: {  	[sflag:s14] =	ssyncadd.s32 $0xFFFFFC00  }
0x1e0: {  	_ =	swait.ge [sflag:s14], $0x400  }
0x1e1: {  	[sflag:s14] =	ssyncset.done $0x0  }
0x1e2: {  	[sflag:s14] =	ssyncadd.s32 $0xFFFFFC00  }
0x1e3: {  	_ =	swait.ge [sflag:s14], $0x400  }
0x1e4: {  	[sflag:s14] =	ssyncset.done $0x0  }
0x1e5: {  	[sflag:s14] =	ssyncadd.s32 $0xFFFFFC00  }
0x1e6: {  	_ =	swait.ge [sflag:s14], $0x400  }
0x1e7: {  	[sflag:s14] =	ssyncset.done $0x0  }
0x1e8: {  	[sflag:s14] =	ssyncadd.s32 $0xFFFFFC00  }
0x1e9: {  	_ =	swait.ge [sflag:s14], $0x400  }
0x1ea: {  	[sflag:s14] =	ssyncset.done $0x0  }
0x1eb: {  	[sflag:s14] =	ssyncadd.s32 $0xFFFFFC00  }
0x1ec: {  	_ =	swait.ge [sflag:s14], $0x400  }
0x1ed: {  	[sflag:s14] =	ssyncset.done $0x0  }
0x1ee: {  	[sflag:s14] =	ssyncadd.s32 $0xFFFFFC00  }
0x1ef: {  	_ =	swait.ge [sflag:s14], $0x400  }
0x1f0: {  	[sflag:s14] =	ssyncset.done $0x0  }
0x1f1: {  	[sflag:s14] =	ssyncadd.s32 $0xFFFFFC00  }
0x1f2: {  	_ =	swait.ge [sflag:s14], $0x400  }
0x1f3: {  	[sflag:s14] =	ssyncset.done $0x0  }
0x1f4: {  	[sflag:s14] =	ssyncadd.s32 $0xFFFFFC00  }
0x1f5: {  	_ =	swait.ge [sflag:s14], $0x400  }
0x1f6: {  	[sflag:s14] =	ssyncset.done $0x0  }
0x1f7: {  	[sflag:s14] =	ssyncadd.s32 $0xFFFFFC00  }
0x1f8: {  	_ =	swait.ge [sflag:s14], $0x400  }
0x1f9: {  	[sflag:s14] =	ssyncset.done $0x0  }
0x1fa: {  	[sflag:s14] =	ssyncadd.s32 $0xFFFFFC00  }
0x1fb: {  	_ =	swait.ge [sflag:s14], $0x400  }
0x1fc: {  	[sflag:s14] =	ssyncset.done $0x0  }
0x1fd: {  	[sflag:s14] =	ssyncadd.s32 $0xFFFFFC00  }
0x1fe: {  	_ =	swait.ge [sflag:s14], $0x400  }
0x1ff: {  	[sflag:s14] =	ssyncset.done $0x0  }
0x200: {  	[sflag:s14] =	ssyncadd.s32 $0xFFFFFC00  }
0x201: {  	_ =	swait.ge [sflag:s14], $0x400  }
0x202: {  	[sflag:s14] =	ssyncset.done $0x0  }
0x203: {  	[sflag:s14] =	ssyncadd.s32 $0xFFFFFC00  }
0x204: {  	_ =	swait.ge [sflag:s14], $0x400  }
0x205: {  	[sflag:s14] =	ssyncset.done $0x0  }
0x206: {  	[sflag:s14] =	ssyncadd.s32 $0xFFFFFC00  }
0x207: {  	_ =	swait.ge [sflag:s14], $0x400  }
0x208: {  	[sflag:s14] =	ssyncset.done $0x0  }
0x209: {  	[sflag:s14] =	ssyncadd.s32 $0xFFFFFC00  }
0x20a: {  	_ =	swait.ge [sflag:s14], $0x400  }
0x20b: {  	[sflag:s14] =	ssyncset.done $0x0  }
0x20c: {  	[sflag:s14] =	ssyncadd.s32 $0xFFFFFC00  }
0x20d: {  	_ =	swait.ge [sflag:s14], $0x400  }
0x20e: {  	[sflag:s14] =	ssyncset.done $0x0  }
0x20f: {  	[sflag:s14] =	ssyncadd.s32 $0xFFFFFC00  }
0x210: {  	_ =	swait.ge [sflag:s14], $0x400  }
0x211: {  	[sflag:s14] =	ssyncset.done $0x0  }
0x212: {  	[sflag:s14] =	ssyncadd.s32 $0xFFFFFC00  }
0x213: {  	_ =	swait.ge [sflag:s14], $0x400  }
0x214: {  	[sflag:s14] =	ssyncset.done $0x0  }
0x215: {  	[sflag:s14] =	ssyncadd.s32 $0xFFFFFC00  }
0x216: {  	_ =	swait.ge [sflag:s14], $0x400  }
0x217: {  	[sflag:s14] =	ssyncset.done $0x0  }
0x218: {  	[sflag:s14] =	ssyncadd.s32 $0xFFFFFC00  }
0x219: {  	_ =	swait.ge [sflag:s14], $0x400  }
0x21a: {  	[sflag:s14] =	ssyncset.done $0x0  }
0x21b: {  	[sflag:s14] =	ssyncadd.s32 $0xFFFFFC00  }
0x21c: {  	_ =	swait.ge [sflag:s14], $0x400  }
0x21d: {  	[sflag:s14] =	ssyncset.done $0x0  }
0x21e: {  	[sflag:s14] =	ssyncadd.s32 $0xFFFFFC00  }
0x21f: {  	_ =	swait.ge [sflag:s14], $0x400  }
0x220: {  	[sflag:s14] =	ssyncset.done $0x0  }
0x221: {  	[sflag:s14] =	ssyncadd.s32 $0xFFFFFC00  }
0x222: {  	_ =	swait.ge [sflag:s14], $0x400  }
0x223: {  	[sflag:s14] =	ssyncset.done $0x0  }
0x224: {  	[sflag:s14] =	ssyncadd.s32 $0xFFFFFC00  }
0x225: {  	_ =	swait.ge [sflag:s14], $0x400  }
0x226: {  	[sflag:s14] =	ssyncset.done $0x0  }
0x227: {  	[sflag:s14] =	ssyncadd.s32 $0xFFFFFC00  }
0x228: {  	_ =	swait.ge [sflag:s14], $0x400  }
0x229: {  	[sflag:s14] =	ssyncset.done $0x0  }
0x22a: {  	[sflag:s14] =	ssyncadd.s32 $0xFFFFFC00  }
0x22b: {  	_ =	swait.ge [sflag:s14], $0x400  }
0x22c: {  	[sflag:s14] =	ssyncset.done $0x0  }
0x22d: {  	[sflag:s14] =	ssyncadd.s32 $0xFFFFFC00  }
0x22e: {  	_ =	swait.ge [sflag:s14], $0x400  }
0x22f: {  	[sflag:s14] =	ssyncset.done $0x0  }
0x230: {  	[sflag:s14] =	ssyncadd.s32 $0xFFFFFC00  }
0x231: {  	_ =	swait.ge [sflag:s15], $0x1400  }
0x232: {  	[sflag:s15] =	ssyncset.done $0x0  }
0x233: {  	[sflag:s15] =	ssyncadd.s32 $0xFFFFEC00  }
0x234: {  	_ =	swait.ge [sflag:s15], $0x1400  }
0x235: {  	[sflag:s15] =	ssyncset.done $0x0  }
0x236: {  	[sflag:s15] =	ssyncadd.s32 $0xFFFFEC00  }
0x237: {  	[bflag:$0x0] =	sbarrier.arrive $0xFFFF  }
0x238: {  	[tilespmem:s4], [sflag:$0x3] =	stream.indirect.gather [hbm4b:s1+s16], $0x80, s11, s16, $0xb8;
	[tilespmem:$0x1E4C0] =	vst v63  }
0x239: {  	s19 =	simm.s32 $0x8040  }
0x23a: {  	[tilespmem:s18], [sflag:$0x4] =	stream.indirect.gather [hbm4b:s1+s16], $0x80, s19, s16, $0xb8;
	[tilespmem:$0x1E4C0] =	vst v63  }
0x23b: {  	s8 =	simm.s32 $0x8080  }
0x23c: {  	[tilespmem:s20], [sflag:$0x5] =	stream.indirect.gather [hbm4b:s1+s16], $0x80, s8, s16, $0xb8;
	[tilespmem:$0x1E4C0] =	vst v63  }
0x23d: {  	_ = 	snop  }
0x23e: {  	[tilespmem:s22], [sflag:$0x6] =	stream.indirect.gather [hbm4b:s1+s16], $0x80, s21, s16, $0xb8;
	[tilespmem:$0x1E4C0] =	vst v63  }
0x23f: {  	_ =	swait.ge [sflag:s23], $0x2000  }
0x240: {  	[sflag:s23] =	ssyncset.done $0x0  }
0x241: {  	s19 =	simm.s32 $0x9400;
	[sflag:s23] =	ssyncadd.s32 $0xFFFFE000  }
0x242: {  	[spmem:s3] =	stream.indirect.scatter.add.f32 [tilespmem:s4], [sflag:$0x7], $0x80, s19, s16, $0xb8;
	[tilespmem:$0x1E4C0] =	vst v63  }
0x243: {  	_ =	swait.ge [sflag:s24], $0x2000  }
0x244: {  	[sflag:s24] =	ssyncset.done $0x0  }
0x245: {  	s8 =	simm.s32 $0x8100;
	[sflag:s24] =	ssyncadd.s32 $0xFFFFE000  }
0x246: {  	[tilespmem:s4], [sflag:$0x3] =	stream.indirect.gather [hbm4b:s1+s16], $0x80, s8, s16, $0xb8;
	[tilespmem:$0x1E4C0] =	vst v63  }
0x247: {  	_ =	swait.ge [sflag:s25], $0x2000  }
0x248: {  	[sflag:s25] =	ssyncset.done $0x0  }
0x249: {  	s19 =	simm.s32 $0x9440;
	[sflag:s25] =	ssyncadd.s32 $0xFFFFE000  }
0x24a: {  	[spmem:s3] =	stream.indirect.scatter.add.f32 [tilespmem:s18], [sflag:$0x8], $0x80, s19, s16, $0xb8;
	[tilespmem:$0x1E4C0] =	vst v63  }
0x24b: {  	_ =	swait.ge [sflag:s26], $0x2000  }
0x24c: {  	[sflag:s26] =	ssyncset.done $0x0  }
0x24d: {  	s8 =	simm.s32 $0x8140;
	[sflag:s26] =	ssyncadd.s32 $0xFFFFE000  }
0x24e: {  	[tilespmem:s18], [sflag:$0x4] =	stream.indirect.gather [hbm4b:s1+s16], $0x80, s8, s16, $0xb8;
	[tilespmem:$0x1E4C0] =	vst v63  }
0x24f: {  	_ =	swait.ge [sflag:s12], $0x2000  }
0x250: {  	[sflag:s12] =	ssyncset.done $0x0  }
0x251: {  	s19 =	simm.s32 $0x9480;
	[sflag:s12] =	ssyncadd.s32 $0xFFFFE000  }
0x252: {  	[spmem:s3] =	stream.indirect.scatter.add.f32 [tilespmem:s20], [sflag:$0x9], $0x80, s19, s16, $0xb8;
	[tilespmem:$0x1E4C0] =	vst v63  }
0x253: {  	_ =	swait.ge [sflag:s28], $0x2000  }
0x254: {  	[sflag:s28] =	ssyncset.done $0x0  }
0x255: {  	s8 =	simm.s32 $0x8180;
	[sflag:s28] =	ssyncadd.s32 $0xFFFFE000  }
0x256: {  	[tilespmem:s20], [sflag:$0x5] =	stream.indirect.gather [hbm4b:s1+s16], $0x80, s8, s16, $0xb8;
	[tilespmem:$0x1E4C0] =	vst v63  }
0x257: {  	_ =	swait.ge [sflag:s29], $0x2000  }
0x258: {  	[sflag:s29] =	ssyncset.done $0x0  }
0x259: {  	s19 =	simm.s32 $0x94C0;
	[sflag:s29] =	ssyncadd.s32 $0xFFFFE000  }
0x25a: {  	[spmem:s3] =	stream.indirect.scatter.add.f32 [tilespmem:s22], [sflag:$0xA], $0x80, s19, s16, $0xb8;
	[tilespmem:$0x1E4C0] =	vst v63  }
0x25b: {  	_ =	swait.ge [sflag:s30], $0x2000  }
0x25c: {  	[sflag:s30] =	ssyncset.done $0x0  }
0x25d: {  	s7 =	simm.s32 $0x400;
	s19 =	simm.s32 $0x81C0;
	[sflag:s30] =	ssyncadd.s32 $0xFFFFE000  }
.LBB2_2:
0x25e: {  	[tilespmem:s22], [sflag:$0x6] =	stream.indirect.gather [hbm4b:s1+s16], $0x80, s19, s16, $0xb8;
	[tilespmem:$0x1E4C0] =	vst v63  }
0x25f: {  	s19 =	smov.u32 s7  }
0x260: {  	p2 =	sne.s32 s7, $0x4800;
	s7 =	sadd.s32 $0x400, s7;
	_ =	swait.ge [sflag:s23], $0x2000  }
0x261: {  	s19 =	sshra.s32 s19, $0x2;
	[sflag:s23] =	ssyncset.done $0x0  }
0x262: {  	s8 =	sadd.s32 $0x9400, s19;
	[sflag:s23] =	ssyncadd.s32 $0xFFFFE000  }
0x263: {  	[spmem:s3] =	stream.indirect.scatter.add.f32 [tilespmem:s4], [sflag:$0x7], $0x80, s8, s16, $0xb8;
	[tilespmem:$0x1E4C0] =	vst v63  }
0x264: {  	_ =	swait.ge [sflag:s24], $0x2000  }
0x265: {  	[sflag:s24] =	ssyncset.done $0x0  }
0x266: {  	s8 =	sadd.s32 $0x8100, s19;
	[sflag:s24] =	ssyncadd.s32 $0xFFFFE000  }
0x267: {  	[tilespmem:s4], [sflag:$0x3] =	stream.indirect.gather [hbm4b:s1+s16], $0x80, s8, s16, $0xb8;
	[tilespmem:$0x1E4C0] =	vst v63  }
0x268: {  	_ =	swait.ge [sflag:s25], $0x2000  }
0x269: {  	[sflag:s25] =	ssyncset.done $0x0  }
0x26a: {  	s8 =	sadd.s32 $0x9440, s19;
	[sflag:s25] =	ssyncadd.s32 $0xFFFFE000  }
0x26b: {  	[spmem:s3] =	stream.indirect.scatter.add.f32 [tilespmem:s18], [sflag:$0x8], $0x80, s8, s16, $0xb8;
	[tilespmem:$0x1E4C0] =	vst v63  }
0x26c: {  	_ =	swait.ge [sflag:s26], $0x2000  }
0x26d: {  	[sflag:s26] =	ssyncset.done $0x0  }
0x26e: {  	s8 =	sadd.s32 $0x8140, s19;
	[sflag:s26] =	ssyncadd.s32 $0xFFFFE000  }
0x26f: {  	[tilespmem:s18], [sflag:$0x4] =	stream.indirect.gather [hbm4b:s1+s16], $0x80, s8, s16, $0xb8;
	[tilespmem:$0x1E4C0] =	vst v63  }
0x270: {  	_ =	swait.ge [sflag:s12], $0x2000  }
0x271: {  	[sflag:s12] =	ssyncset.done $0x0  }
0x272: {  	s8 =	sadd.s32 $0x9480, s19;
	[sflag:s12] =	ssyncadd.s32 $0xFFFFE000  }
0x273: {  	[spmem:s3] =	stream.indirect.scatter.add.f32 [tilespmem:s20], [sflag:$0x9], $0x80, s8, s16, $0xb8;
	[tilespmem:$0x1E4C0] =	vst v63  }
0x274: {  	_ =	swait.ge [sflag:s28], $0x2000  }
0x275: {  	[sflag:s28] =	ssyncset.done $0x0  }
0x276: {  	s8 =	sadd.s32 $0x8180, s19;
	[sflag:s28] =	ssyncadd.s32 $0xFFFFE000  }
0x277: {  	[tilespmem:s20], [sflag:$0x5] =	stream.indirect.gather [hbm4b:s1+s16], $0x80, s8, s16, $0xb8;
	[tilespmem:$0x1E4C0] =	vst v63  }
0x278: {  	_ =	swait.ge [sflag:s29], $0x2000  }
0x279: {  	[sflag:s29] =	ssyncset.done $0x0  }
.Ltmp0:
0x27a: {  	s8 =	sadd.s32 $0x94C0, s19;
	[sflag:s29] =	ssyncadd.s32 $0xFFFFE000;
	(pc) =	sbr.rel @p2 .LBB2_2-.Ltmp0, $4  }
0x27b: {  	[spmem:s3] =	stream.indirect.scatter.add.f32 [tilespmem:s22], [sflag:$0xA], $0x80, s8, s16, $0xb8;
	[tilespmem:$0x1E4C0] =	vst v63  }
0x27c: {  	_ =	swait.ge [sflag:s30], $0x2000  }
0x27d: {  	[sflag:s30] =	ssyncset.done $0x0  }
0x27e: {  	s19 =	sadd.s32 $0x81C0, s19;
	[sflag:s30] =	ssyncadd.s32 $0xFFFFE000  }
0x27f: {  	[tilespmem:s22], [sflag:$0x6] =	stream.indirect.gather [hbm4b:s1+s16], $0x80, s19, s16, $0xb8;
	[tilespmem:$0x1E4C0] =	vst v63  }
0x280: {  	_ =	swait.ge [sflag:s23], $0x2000  }
0x281: {  	[sflag:s23] =	ssyncset.done $0x0  }
0x282: {  	s7 =	simm.s32 $0x0;
	[sflag:s23] =	ssyncadd.s32 $0xFFFFE000  }
0x283: {  	[spmem:s3] =	stream.indirect.scatter.add.f32 [tilespmem:s7], [sflag:$0x7], $0x80, s31, s16, $0xb8;
	[tilespmem:$0x1E4C0] =	vst v63  }
0x284: {  	_ =	swait.ge [sflag:s25], $0x2000  }
0x285: {  	[sflag:s25] =	ssyncset.done $0x0  }
0x286: {  	[sflag:s25] =	ssyncadd.s32 $0xFFFFE000  }
0x287: {  	[spmem:s3] =	stream.indirect.scatter.add.f32 [tilespmem:s18], [sflag:$0x8], $0x80, s0, s16, $0xb8;
	[tilespmem:$0x1E4C0] =	vst v63  }
0x288: {  	_ =	swait.ge [sflag:s12], $0x2000  }
0x289: {  	[sflag:s12] =	ssyncset.done $0x0  }
0x28a: {  	[sflag:s12] =	ssyncadd.s32 $0xFFFFE000  }
0x28b: {  	[spmem:s3] =	stream.indirect.scatter.add.f32 [tilespmem:s20], [sflag:$0x9], $0x80, s2, s16, $0xb8;
	[tilespmem:$0x1E4C0] =	vst v63  }
0x28c: {  	_ =	swait.ge [sflag:s29], $0x2000  }
0x28d: {  	[sflag:s29] =	ssyncset.done $0x0  }
0x28e: {  	[sflag:s29] =	ssyncadd.s32 $0xFFFFE000  }
0x28f: {  	[spmem:s3] =	stream.indirect.scatter.add.f32 [tilespmem:s22], [sflag:$0xA], $0x80, s17, s16, $0xb8;
	[tilespmem:$0x1E4C0] =	vst v63  }
0x290: {  	_ =	swait.ge [sflag:s24], $0x2000  }
0x291: {  	[sflag:s24] =	ssyncset.done $0x0  }
0x292: {  	[sflag:s24] =	ssyncadd.s32 $0xFFFFE000  }
0x293: {  	_ =	swait.ge [sflag:s26], $0x2000  }
0x294: {  	[sflag:s26] =	ssyncset.done $0x0  }
0x295: {  	[sflag:s26] =	ssyncadd.s32 $0xFFFFE000  }
0x296: {  	_ =	swait.ge [sflag:s28], $0x2000  }
0x297: {  	[sflag:s28] =	ssyncset.done $0x0  }
0x298: {  	[sflag:s28] =	ssyncadd.s32 $0xFFFFE000  }
0x299: {  	_ =	swait.ge [sflag:s30], $0x2000  }
0x29a: {  	[sflag:s30] =	ssyncset.done $0x0  }
0x29b: {  	s8 =	rddreg [dreg:$0x12];
	[sflag:s30] =	ssyncadd.s32 $0xFFFFE000  }
0x29c: {  	[tilespmem:s11], [sflag:$0x2] =	stream.linear.gather [hbm4b:s8+s7], $0x1400, $0x38;
	[tilespmem:$0x1E4C0] =	vst v63  }
0x29d: {  	s19 =	simm.s32 $0x9400;
	s8 =	rddreg [dreg:$0x13]  }
0x29e: {  	[tilespmem:s19], [sflag:$0x2] =	stream.linear.gather [hbm4b:s8+s7], $0x1400, $0x38;
	[tilespmem:$0x1E4C0] =	vst v63  }
0x29f: {  	_ =	swait.ge [sflag:s15], $0x1400  }
0x2a0: {  	[sflag:s15] =	ssyncset.done $0x0  }
0x2a1: {  	[sflag:s15] =	ssyncadd.s32 $0xFFFFEC00  }
0x2a2: {  	_ =	swait.ge [sflag:s15], $0x1400  }
0x2a3: {  	[sflag:s15] =	ssyncset.done $0x0  }
0x2a4: {  	[sflag:s15] =	ssyncadd.s32 $0xFFFFEC00  }
0x2a5: {  	[tilespmem:s7], [sflag:$0x3] =	stream.indirect.gather [hbm4b:s1+s16], $0x80, s11, s16, $0xb8;
	[tilespmem:$0x1E4C0] =	vst v63  }
0x2a6: {  	s19 =	simm.s32 $0x8040  }
0x2a7: {  	[tilespmem:s18], [sflag:$0x4] =	stream.indirect.gather [hbm4b:s1+s16], $0x80, s19, s16, $0xb8;
	[tilespmem:$0x1E4C0] =	vst v63  }
0x2a8: {  	s8 =	simm.s32 $0x8080  }
0x2a9: {  	[tilespmem:s20], [sflag:$0x5] =	stream.indirect.gather [hbm4b:s1+s16], $0x80, s8, s16, $0xb8;
	[tilespmem:$0x1E4C0] =	vst v63  }
0x2aa: {  	_ = 	snop  }
0x2ab: {  	[tilespmem:s22], [sflag:$0x6] =	stream.indirect.gather [hbm4b:s1+s16], $0x80, s21, s16, $0xb8;
	[tilespmem:$0x1E4C0] =	vst v63  }
0x2ac: {  	_ =	swait.ge [sflag:s23], $0x2000  }
0x2ad: {  	[sflag:s23] =	ssyncset.done $0x0  }
0x2ae: {  	s19 =	simm.s32 $0x9400;
	[sflag:s23] =	ssyncadd.s32 $0xFFFFE000  }
0x2af: {  	[spmem:s3] =	stream.indirect.scatter.add.f32 [tilespmem:s4], [sflag:$0x7], $0x80, s19, s16, $0xb8;
	[tilespmem:$0x1E4C0] =	vst v63  }
0x2b0: {  	_ =	swait.ge [sflag:s24], $0x2000  }
0x2b1: {  	[sflag:s24] =	ssyncset.done $0x0  }
0x2b2: {  	s8 =	simm.s32 $0x8100;
	[sflag:s24] =	ssyncadd.s32 $0xFFFFE000  }
0x2b3: {  	[tilespmem:s4], [sflag:$0x3] =	stream.indirect.gather [hbm4b:s1+s16], $0x80, s8, s16, $0xb8;
	[tilespmem:$0x1E4C0] =	vst v63  }
0x2b4: {  	_ =	swait.ge [sflag:s25], $0x2000  }
0x2b5: {  	[sflag:s25] =	ssyncset.done $0x0  }
0x2b6: {  	s19 =	simm.s32 $0x9440;
	[sflag:s25] =	ssyncadd.s32 $0xFFFFE000  }
0x2b7: {  	[spmem:s3] =	stream.indirect.scatter.add.f32 [tilespmem:s18], [sflag:$0x8], $0x80, s19, s16, $0xb8;
	[tilespmem:$0x1E4C0] =	vst v63  }
0x2b8: {  	_ =	swait.ge [sflag:s26], $0x2000  }
0x2b9: {  	[sflag:s26] =	ssyncset.done $0x0  }
0x2ba: {  	s8 =	simm.s32 $0x8140;
	[sflag:s26] =	ssyncadd.s32 $0xFFFFE000  }
0x2bb: {  	[tilespmem:s18], [sflag:$0x4] =	stream.indirect.gather [hbm4b:s1+s16], $0x80, s8, s16, $0xb8;
	[tilespmem:$0x1E4C0] =	vst v63  }
0x2bc: {  	_ =	swait.ge [sflag:s12], $0x2000  }
0x2bd: {  	[sflag:s12] =	ssyncset.done $0x0  }
0x2be: {  	s19 =	simm.s32 $0x9480;
	[sflag:s12] =	ssyncadd.s32 $0xFFFFE000  }
0x2bf: {  	[spmem:s3] =	stream.indirect.scatter.add.f32 [tilespmem:s20], [sflag:$0x9], $0x80, s19, s16, $0xb8;
	[tilespmem:$0x1E4C0] =	vst v63  }
0x2c0: {  	_ =	swait.ge [sflag:s28], $0x2000  }
0x2c1: {  	[sflag:s28] =	ssyncset.done $0x0  }
0x2c2: {  	s8 =	simm.s32 $0x8180;
	[sflag:s28] =	ssyncadd.s32 $0xFFFFE000  }
0x2c3: {  	[tilespmem:s20], [sflag:$0x5] =	stream.indirect.gather [hbm4b:s1+s16], $0x80, s8, s16, $0xb8;
	[tilespmem:$0x1E4C0] =	vst v63  }
0x2c4: {  	_ =	swait.ge [sflag:s29], $0x2000  }
0x2c5: {  	[sflag:s29] =	ssyncset.done $0x0  }
0x2c6: {  	s19 =	simm.s32 $0x94C0;
	[sflag:s29] =	ssyncadd.s32 $0xFFFFE000  }
0x2c7: {  	[spmem:s3] =	stream.indirect.scatter.add.f32 [tilespmem:s22], [sflag:$0xA], $0x80, s19, s16, $0xb8;
	[tilespmem:$0x1E4C0] =	vst v63  }
0x2c8: {  	_ =	swait.ge [sflag:s30], $0x2000  }
0x2c9: {  	[sflag:s30] =	ssyncset.done $0x0  }
0x2ca: {  	s7 =	simm.s32 $0x400;
	s19 =	simm.s32 $0x81C0;
	[sflag:s30] =	ssyncadd.s32 $0xFFFFE000  }
.LBB2_4:
0x2cb: {  	[tilespmem:s22], [sflag:$0x6] =	stream.indirect.gather [hbm4b:s1+s16], $0x80, s19, s16, $0xb8;
	[tilespmem:$0x1E4C0] =	vst v63  }
0x2cc: {  	s8 =	smov.u32 s7  }
0x2cd: {  	p2 =	sne.s32 s7, $0x4800;
	s7 =	sadd.s32 $0x400, s7;
	_ =	swait.ge [sflag:s23], $0x2000  }
0x2ce: {  	s19 =	sshra.s32 s8, $0x2;
	[sflag:s23] =	ssyncset.done $0x0  }
0x2cf: {  	s8 =	sadd.s32 $0x9400, s19;
	[sflag:s23] =	ssyncadd.s32 $0xFFFFE000  }
0x2d0: {  	[spmem:s3] =	stream.indirect.scatter.add.f32 [tilespmem:s4], [sflag:$0x7], $0x80, s8, s16, $0xb8;
	[tilespmem:$0x1E4C0] =	vst v63  }
0x2d1: {  	_ =	swait.ge [sflag:s24], $0x2000  }
0x2d2: {  	[sflag:s24] =	ssyncset.done $0x0  }
0x2d3: {  	s8 =	sadd.s32 $0x8100, s19;
	[sflag:s24] =	ssyncadd.s32 $0xFFFFE000  }
0x2d4: {  	[tilespmem:s4], [sflag:$0x3] =	stream.indirect.gather [hbm4b:s1+s16], $0x80, s8, s16, $0xb8;
	[tilespmem:$0x1E4C0] =	vst v63  }
0x2d5: {  	_ =	swait.ge [sflag:s25], $0x2000  }
0x2d6: {  	[sflag:s25] =	ssyncset.done $0x0  }
0x2d7: {  	s8 =	sadd.s32 $0x9440, s19;
	[sflag:s25] =	ssyncadd.s32 $0xFFFFE000  }
0x2d8: {  	[spmem:s3] =	stream.indirect.scatter.add.f32 [tilespmem:s18], [sflag:$0x8], $0x80, s8, s16, $0xb8;
	[tilespmem:$0x1E4C0] =	vst v63  }
0x2d9: {  	_ =	swait.ge [sflag:s26], $0x2000  }
0x2da: {  	[sflag:s26] =	ssyncset.done $0x0  }
0x2db: {  	s8 =	sadd.s32 $0x8140, s19;
	[sflag:s26] =	ssyncadd.s32 $0xFFFFE000  }
0x2dc: {  	[tilespmem:s18], [sflag:$0x4] =	stream.indirect.gather [hbm4b:s1+s16], $0x80, s8, s16, $0xb8;
	[tilespmem:$0x1E4C0] =	vst v63  }
0x2dd: {  	_ =	swait.ge [sflag:s12], $0x2000  }
0x2de: {  	[sflag:s12] =	ssyncset.done $0x0  }
0x2df: {  	s8 =	sadd.s32 $0x9480, s19;
	[sflag:s12] =	ssyncadd.s32 $0xFFFFE000  }
0x2e0: {  	[spmem:s3] =	stream.indirect.scatter.add.f32 [tilespmem:s20], [sflag:$0x9], $0x80, s8, s16, $0xb8;
	[tilespmem:$0x1E4C0] =	vst v63  }
0x2e1: {  	_ =	swait.ge [sflag:s28], $0x2000  }
0x2e2: {  	[sflag:s28] =	ssyncset.done $0x0  }
0x2e3: {  	s8 =	sadd.s32 $0x8180, s19;
	[sflag:s28] =	ssyncadd.s32 $0xFFFFE000  }
0x2e4: {  	[tilespmem:s20], [sflag:$0x5] =	stream.indirect.gather [hbm4b:s1+s16], $0x80, s8, s16, $0xb8;
	[tilespmem:$0x1E4C0] =	vst v63  }
0x2e5: {  	_ =	swait.ge [sflag:s29], $0x2000  }
0x2e6: {  	[sflag:s29] =	ssyncset.done $0x0  }
.Ltmp1:
0x2e7: {  	s8 =	sadd.s32 $0x94C0, s19;
	[sflag:s29] =	ssyncadd.s32 $0xFFFFE000;
	(pc) =	sbr.rel @p2 .LBB2_4-.Ltmp1, $4  }
0x2e8: {  	[spmem:s3] =	stream.indirect.scatter.add.f32 [tilespmem:s22], [sflag:$0xA], $0x80, s8, s16, $0xb8;
	[tilespmem:$0x1E4C0] =	vst v63  }
0x2e9: {  	_ =	swait.ge [sflag:s30], $0x2000  }
0x2ea: {  	[sflag:s30] =	ssyncset.done $0x0  }
0x2eb: {  	s19 =	sadd.s32 $0x81C0, s19;
	[sflag:s30] =	ssyncadd.s32 $0xFFFFE000  }
0x2ec: {  	[tilespmem:s22], [sflag:$0x6] =	stream.indirect.gather [hbm4b:s1+s16], $0x80, s19, s16, $0xb8;
	[tilespmem:$0x1E4C0] =	vst v63  }
0x2ed: {  	_ =	swait.ge [sflag:s23], $0x2000  }
0x2ee: {  	[sflag:s23] =	ssyncset.done $0x0  }
0x2ef: {  	[sflag:s23] =	ssyncadd.s32 $0xFFFFE000  }
0x2f0: {  	[spmem:s3] =	stream.indirect.scatter.add.f32 [tilespmem:s4], [sflag:$0x7], $0x80, s31, s16, $0xb8;
	[tilespmem:$0x1E4C0] =	vst v63  }
0x2f1: {  	_ =	swait.ge [sflag:s25], $0x2000  }
0x2f2: {  	[sflag:s25] =	ssyncset.done $0x0  }
0x2f3: {  	[sflag:s25] =	ssyncadd.s32 $0xFFFFE000  }
0x2f4: {  	[spmem:s3] =	stream.indirect.scatter.add.f32 [tilespmem:s18], [sflag:$0x8], $0x80, s0, s16, $0xb8;
	[tilespmem:$0x1E4C0] =	vst v63  }
0x2f5: {  	_ =	swait.ge [sflag:s12], $0x2000  }
0x2f6: {  	[sflag:s12] =	ssyncset.done $0x0  }
0x2f7: {  	[sflag:s12] =	ssyncadd.s32 $0xFFFFE000  }
0x2f8: {  	[spmem:s3] =	stream.indirect.scatter.add.f32 [tilespmem:s20], [sflag:$0x9], $0x80, s2, s16, $0xb8;
	[tilespmem:$0x1E4C0] =	vst v63  }
0x2f9: {  	_ =	swait.ge [sflag:s29], $0x2000  }
0x2fa: {  	[sflag:s29] =	ssyncset.done $0x0  }
0x2fb: {  	[sflag:s29] =	ssyncadd.s32 $0xFFFFE000  }
0x2fc: {  	[spmem:s3] =	stream.indirect.scatter.add.f32 [tilespmem:s22], [sflag:$0xA], $0x80, s17, s16, $0xb8;
	[tilespmem:$0x1E4C0] =	vst v63  }
0x2fd: {  	_ =	swait.ge [sflag:s24], $0x2000  }
0x2fe: {  	[sflag:s24] =	ssyncset.done $0x0  }
0x2ff: {  	[sflag:s24] =	ssyncadd.s32 $0xFFFFE000  }
0x300: {  	_ =	swait.ge [sflag:s26], $0x2000  }
0x301: {  	[sflag:s26] =	ssyncset.done $0x0  }
0x302: {  	[sflag:s26] =	ssyncadd.s32 $0xFFFFE000  }
0x303: {  	_ =	swait.ge [sflag:s28], $0x2000  }
0x304: {  	[sflag:s28] =	ssyncset.done $0x0  }
0x305: {  	[sflag:s28] =	ssyncadd.s32 $0xFFFFE000  }
0x306: {  	_ =	swait.ge [sflag:s30], $0x2000  }
0x307: {  	[sflag:s30] =	ssyncset.done $0x0  }
0x308: {  	[sflag:s30] =	ssyncadd.s32 $0xFFFFE000  }
0x309: {  	[bflag:$0x0] =	sbarrier.arrive $0xFFFF  }
0x30a: {  	s7 =	sshrl.u32 @p1 s5, $0x3;
	s8 =	simm.s32 @p1 $0x1FCB;
	s19 =	rddreg [dreg:$0x17]  }
0x30b: {  	[hbm:s19], [sflag:s8] =	dma.local @p1 [spmem:s7], $0x2800  }
0x30c: {  	s7 =	simm.s32 @p1 $0xB  }
0x30d: {  	s8 =	stileid.u32;
	_ =	swait.ge @p1 [sflag:s7], $0x2800  }
0x30e: {  	s8 =	sshll.u32 @!p1 s8, $0x6;
	[sflag:s7] =	ssyncset.done @p1 $0x0;
	s19 =	rddreg [dreg:$0x15]  }
0x30f: {  	[sflag:s7] =	ssyncadd.s32 @p1 $0xFFFFD800;
	s7 =	sor.u32 @!p1 $0x1C0B, s8;
	s8 =	sshrl.u32 @!p1 s5, $0x3  }
0x310: {  	[hbm:s19], [sflag:s7] =	dma.local @!p1 [spmem:s8], $0x2700  }
0x311: {  	s7 =	simm.s32 @!p1 $0xB  }
0x312: {  	_ =	swait.ge @!p1 [sflag:s7], $0x2700  }
0x313: {  	s6 =	sadd.s32 $0x1, s6;
	s19 =	rddreg [dreg:$0x18]  }
0x314: {  	p2 =	sne.s32 s6, s19  }
.Ltmp2:
0x315: {  	_ = 	snop;
	(pc) =	sbr.rel @p2 .LBB2_1-.Ltmp2, $3  }
0x316: {  	_ =	sdelay $0x1  }
0x317: {  	[sflag:s7] =	ssyncset.done @!p1 $0x0  }
0x318: {  	[sflag:s7] =	ssyncadd.s32 @!p1 $0xFFFFD900  }
0x319: {  	_ =	sfence.sel $0x180000  }
0x31a: {  	[bflag:$0x0] =	sbarrier.arrive $0xFFFF  }
0x31b: {  	_ =	strace $0x90000047  }
0x31c: {  	s0 =	stileid.u32;
	[bflag:$0x2] =	sbarrier.arrive $0xFFFF  }
0x31d: {  	p0 =	sne.s32 s0, $0x0;
	s0 =	rddreg [dreg:$0x4]  }
0x31e: {  	s0 =	sadd.s32 @!p0 $0x100000, s0  }
0x31f: {  	[sflag:s0] =	ssyncadd.tile.s32 @!p0 $0x1;
	_ =	shalt  }
.Lfunc_end2:
_tile_overlayer_lowered:
.L_overlay_start_2:
0x320: {  	(tag) =	ssettag $0x2  }
0x321: {  	s0 =	rddreg [dreg:$0x0];
	s2 =	stileid.u32  }
0x322: {  	s1 =	rddreg [dreg:$0x1];
	p0 =	sne.s32 s2, $0x0  }
0x323: {  	s3 =	rddreg [dreg:$0x2];
	[bflag:$0x3] =	sbarrier.arrive $0xFFFF;
	s2 =	simm.s32 @!p0 $0x1C0B  }
0x324: {  	[timem:s3], [sflag:s2] =	dma.local @!p0 [hbm:s0], s1  }
0x325: {  	s0 =	simm.s32 @!p0 $0xB  }
0x326: {  	_ =	swait.ge @!p0 [sflag:s0], s1  }
0x327: {  	s1 =	ssub.s32 @!p0 $0x0, s1;
	[sflag:s0] =	ssyncset.done @!p0 $0x0  }
0x328: {  	[sflag:s0] =	ssyncadd.s32 @!p0 s1  }
0x329: {  	[bflag:$0x3] =	sbarrier.arrive $0xFFFF  }
0x32a: {  	_ =	shalt  }

</sc_bundles>
